<compile_context>
chip_gen: v7x
topology: tpu7x:2x2x1
jax: 0.10.2.dev20260603
libtpu: 0.0.44.dev20260713+nightly
codegen_flags: <defaults>
</compile_context>

<pallas_src>
import functools

import jax
import jax.numpy as jnp
from jax import lax
from jax.experimental import pallas as pl
from jax.experimental.pallas import tpu as pltpu
from jax.experimental.pallas import tpu_sc as plsc

N = 10000
NPAD = 10240
E = 320000
EPAD = 327680
D = 128
NG = 16
BLK = 512
NBLK = NPAD // BLK
ROWS_PER_SUB = NPAD // 16
CHUNK = 128
NCHUNK = EPAD // (32 * CHUNK)
DEGW = 8

_MESH = dict(core_axis_name="c", subcore_axis_name="s")



def _sc_degree(dst3, ones_hbm, zeros_hbm):
    @functools.partial(
        pl.kernel,
        out_type=jax.ShapeDtypeStruct((2, NPAD, DEGW), jnp.float32),
        mesh=plsc.VectorSubcoreMesh(**_MESH),
        scratch_types=[
            pltpu.VMEM((NCHUNK, CHUNK), jnp.int32),
            pltpu.VMEM((CHUNK, DEGW), jnp.float32),
            pltpu.VMEM_SHARED((NPAD, DEGW), jnp.float32),
        ],
    )
    def k(dst_hbm, one_hbm, z_hbm, out_hbm, dst_v, ones_v, acc_sh):
        cid = lax.axis_index("c")
        sid = lax.axis_index("s")
        w = cid * 16 + sid
        pltpu.sync_copy(dst_hbm.at[w], dst_v)
        pltpu.sync_copy(one_hbm, ones_v)
        pltpu.sync_copy(z_hbm, acc_sh.at[pl.ds(sid * ROWS_PER_SUB, ROWS_PER_SUB)])
        plsc.subcore_barrier()

        def body(j, carry):
            pltpu.sync_copy(ones_v, acc_sh.at[dst_v.at[j]], add=True)
            return carry

        lax.fori_loop(0, NCHUNK, body, 0)
        plsc.subcore_barrier()
        sl = pl.ds(sid * ROWS_PER_SUB, ROWS_PER_SUB)
        pltpu.sync_copy(acc_sh.at[sl], out_hbm.at[cid, sl])

    return k(dst3, ones_hbm, zeros_hbm)


def _sc_aggregate(ht, src3, dst3, zeros_hbm):
    @functools.partial(
        pl.kernel,
        out_type=jax.ShapeDtypeStruct((2, NPAD, D), jnp.float32),
        mesh=plsc.VectorSubcoreMesh(**_MESH),
        scratch_types=[
            pltpu.VMEM((NCHUNK, CHUNK), jnp.int32),
            pltpu.VMEM((NCHUNK, CHUNK), jnp.int32),
            pltpu.VMEM((CHUNK, D), jnp.float32),
            pltpu.VMEM_SHARED((NPAD, D), jnp.float32),
            pltpu.SemaphoreType.DMA,
        ],
    )
    def k(h_hbm, src_hbm, dst_hbm, z_hbm, out_hbm, src_v, dst_v, rows_v, acc_sh, sem):
        cid = lax.axis_index("c")
        sid = lax.axis_index("s")
        w = cid * 16 + sid
        pltpu.sync_copy(src_hbm.at[w], src_v)
        pltpu.sync_copy(dst_hbm.at[w], dst_v)
        pltpu.sync_copy(z_hbm, acc_sh.at[pl.ds(sid * ROWS_PER_SUB, ROWS_PER_SUB)])
        plsc.subcore_barrier()

        def body(j, carry):
            pltpu.async_copy(h_hbm.at[src_v.at[j]], rows_v, sem).wait()
            pltpu.sync_copy(rows_v, acc_sh.at[dst_v.at[j]], add=True)
            return carry

        lax.fori_loop(0, NCHUNK, body, 0)
        plsc.subcore_barrier()
        sl = pl.ds(sid * ROWS_PER_SUB, ROWS_PER_SUB)
        pltpu.sync_copy(acc_sh.at[sl], out_hbm.at[cid, sl])

    return k(ht, src3, dst3, zeros_hbm)



def _pool_block(h, bt):
    cols = []
    for g in range(NG):
        m = jnp.where(bt == g, h, -jnp.inf)
        cols.append(jnp.max(m, axis=0))
    return jnp.stack(cols, axis=0)


def _frontend_body(pos_ref, id_ref, bt_ref, posW_ref, posb_ref, emb_ref,
                   nW_ref, nb_ref, node_ref, pool_ref):
    i = pl.program_id(0)
    pos = jnp.maximum(
        jnp.dot(pos_ref[...], posW_ref[...], preferred_element_type=jnp.float32)
        + posb_ref[...], 0.0)
    ids = id_ref[...]
    oh = (ids == lax.broadcasted_iota(jnp.int32, (BLK, 256), 1))
    idf = jnp.maximum(
        jnp.dot(oh.astype(jnp.float32), emb_ref[...],
                preferred_element_type=jnp.float32), 0.0)
    node = jnp.maximum(
        jnp.dot(pos, nW_ref[:D, :], preferred_element_type=jnp.float32)
        + jnp.dot(idf, nW_ref[D:, :], preferred_element_type=jnp.float32)
        + nb_ref[...], 0.0)
    node_ref[...] = node
    p = _pool_block(node, bt_ref[...])

    @pl.when(i == 0)
    def _():
        pool_ref[...] = p

    @pl.when(i > 0)
    def _():
        pool_ref[...] = jnp.maximum(pool_ref[...], p)


def _tc_frontend(pos_p, id3, batch3, posW8, posb, emb, nodeW, nodeb):
    return pl.pallas_call(
        _frontend_body,
        grid=(NBLK,),
        in_specs=[
            pl.BlockSpec((BLK, 8), lambda i: (i, 0)),
            pl.BlockSpec((BLK, 1), lambda i: (i, 0)),
            pl.BlockSpec((BLK, 1), lambda i: (i, 0)),
            pl.BlockSpec((8, D), lambda i: (0, 0)),
            pl.BlockSpec((1, D), lambda i: (0, 0)),
            pl.BlockSpec((256, D), lambda i: (0, 0)),
            pl.BlockSpec((2 * D, D), lambda i: (0, 0)),
            pl.BlockSpec((1, D), lambda i: (0, 0)),
        ],
        out_specs=[
            pl.BlockSpec((BLK, D), lambda i: (i, 0)),
            pl.BlockSpec((NG, D), lambda i: (0, 0)),
        ],
        out_shape=[
            jax.ShapeDtypeStruct((NPAD, D), jnp.float32),
            jax.ShapeDtypeStruct((NG, D), jnp.float32),
        ],
    )(pos_p, id3, batch3, posW8, posb, emb, nodeW, nodeb)


def _prescale_body(degp_ref, node_ref, W_ref, ht_ref, dis_ref):
    deg = degp_ref[0, :, 0:1] + degp_ref[1, :, 0:1] + 1.0
    dis = lax.rsqrt(deg)
    ht = jnp.dot(node_ref[...], W_ref[...], preferred_element_type=jnp.float32)
    ht_ref[...] = ht * dis
    dis_ref[...] = dis


def _tc_prescale(degp, node, W0):
    return pl.pallas_call(
        _prescale_body,
        grid=(NBLK,),
        in_specs=[
            pl.BlockSpec((2, BLK, DEGW), lambda i: (0, i, 0)),
            pl.BlockSpec((BLK, D), lambda i: (i, 0)),
            pl.BlockSpec((D, D), lambda i: (0, 0)),
        ],
        out_specs=[
            pl.BlockSpec((BLK, D), lambda i: (i, 0)),
            pl.BlockSpec((BLK, 1), lambda i: (i, 0)),
        ],
        out_shape=[
            jax.ShapeDtypeStruct((NPAD, D), jnp.float32),
            jax.ShapeDtypeStruct((NPAD, 1), jnp.float32),
        ],
    )(degp, node, W0)


def _combine_body(acc_ref, ht_ref, dis_ref, b_ref, Wn_ref, bt_ref,
                  htn_ref, pool_ref):
    i = pl.program_id(0)
    s = acc_ref[0] + acc_ref[1] + ht_ref[...]
    h = jnp.maximum(dis_ref[...] * s + b_ref[...], 0.0)
    htn_ref[...] = jnp.dot(h, Wn_ref[...],
                           preferred_element_type=jnp.float32) * dis_ref[...]
    p = _pool_block(h, bt_ref[...])

    @pl.when(i == 0)
    def _():
        pool_ref[...] = p

    @pl.when(i > 0)
    def _():
        pool_ref[...] = jnp.maximum(pool_ref[...], p)


def _tc_combine(acc, ht, dis, b, Wn, batch3):
    return pl.pallas_call(
        _combine_body,
        grid=(NBLK,),
        in_specs=[
            pl.BlockSpec((2, BLK, D), lambda i: (0, i, 0)),
            pl.BlockSpec((BLK, D), lambda i: (i, 0)),
            pl.BlockSpec((BLK, 1), lambda i: (i, 0)),
            pl.BlockSpec((1, D), lambda i: (0, 0)),
            pl.BlockSpec((D, D), lambda i: (0, 0)),
            pl.BlockSpec((BLK, 1), lambda i: (i, 0)),
        ],
        out_specs=[
            pl.BlockSpec((BLK, D), lambda i: (i, 0)),
            pl.BlockSpec((NG, D), lambda i: (0, 0)),
        ],
        out_shape=[
            jax.ShapeDtypeStruct((NPAD, D), jnp.float32),
            jax.ShapeDtypeStruct((NG, D), jnp.float32),
        ],
    )(acc, ht, dis, b, Wn, batch3)


def _final_body(acc_ref, ht_ref, dis_ref, b_ref, bt_ref, p0_ref, p1_ref,
                p2_ref, aggW_ref, aggb_ref, lat_ref, pool_scr):
    i = pl.program_id(0)
    s = acc_ref[0] + acc_ref[1] + ht_ref[...]
    h = jnp.maximum(dis_ref[...] * s + b_ref[...], 0.0)
    p = _pool_block(h, bt_ref[...])

    @pl.when(i == 0)
    def _():
        pool_scr[...] = p

    @pl.when(i > 0)
    def _():
        pool_scr[...] = jnp.maximum(pool_scr[...], p)

    @pl.when(i == NBLK - 1)
    def _():
        lat = (jnp.dot(p0_ref[...], aggW_ref[0:D, :], preferred_element_type=jnp.float32)
               + jnp.dot(p1_ref[...], aggW_ref[D:2 * D, :], preferred_element_type=jnp.float32)
               + jnp.dot(p2_ref[...], aggW_ref[2 * D:3 * D, :], preferred_element_type=jnp.float32)
               + jnp.dot(pool_scr[...], aggW_ref[3 * D:4 * D, :], preferred_element_type=jnp.float32)
               + aggb_ref[...])
        lat_ref[...] = lat


def _tc_final(acc, ht, dis, b, batch3, p0, p1, p2, aggW, aggb):
    return pl.pallas_call(
        _final_body,
        grid=(NBLK,),
        in_specs=[
            pl.BlockSpec((2, BLK, D), lambda i: (0, i, 0)),
            pl.BlockSpec((BLK, D), lambda i: (i, 0)),
            pl.BlockSpec((BLK, 1), lambda i: (i, 0)),
            pl.BlockSpec((1, D), lambda i: (0, 0)),
            pl.BlockSpec((BLK, 1), lambda i: (i, 0)),
            pl.BlockSpec((NG, D), lambda i: (0, 0)),
            pl.BlockSpec((NG, D), lambda i: (0, 0)),
            pl.BlockSpec((NG, D), lambda i: (0, 0)),
            pl.BlockSpec((4 * D, D), lambda i: (0, 0)),
            pl.BlockSpec((1, D), lambda i: (0, 0)),
        ],
        out_specs=pl.BlockSpec((NG, D), lambda i: (0, 0)),
        out_shape=jax.ShapeDtypeStruct((NG, D), jnp.float32),
        scratch_shapes=[pltpu.VMEM((NG, D), jnp.float32)],
    )(acc, ht, dis, b, batch3, p0, p1, p2, aggW, aggb)



def kernel(position_feature, id_feature, edge_index, batch, pos_W, pos_b,
           emb, node_W, node_b, conv_W, conv_b, agg_W, agg_b):
    f32 = jnp.float32
    src = edge_index[0].astype(jnp.int32)
    dst = edge_index[1].astype(jnp.int32)
    npe = EPAD - E
    pad_src = (jnp.arange(npe, dtype=jnp.int32) * 13) % N
    pad_dst = N + (jnp.arange(npe, dtype=jnp.int32) % (NPAD - N))
    src3 = jnp.concatenate([src, pad_src]).reshape(32, NCHUNK, CHUNK)
    dst3 = jnp.concatenate([dst, pad_dst]).reshape(32, NCHUNK, CHUNK)

    pos_p = jnp.pad(position_feature.astype(f32), ((0, NPAD - N), (0, 5)))
    posW8 = jnp.pad(pos_W.astype(f32), ((0, 5), (0, 0)))
    id3 = jnp.pad(id_feature.astype(jnp.int32), (0, NPAD - N)).reshape(NPAD, 1)
    batch3 = jnp.pad(batch.astype(jnp.int32), (0, NPAD - N),
                     constant_values=NG).reshape(NPAD, 1)
    posb = pos_b.astype(f32).reshape(1, D)
    nodeb = node_b.astype(f32).reshape(1, D)
    aggb = agg_b.astype(f32).reshape(1, D)

    zeros_d = jnp.zeros((ROWS_PER_SUB, D), f32)
    zeros_g = jnp.zeros((ROWS_PER_SUB, DEGW), f32)
    ones_g = jnp.ones((CHUNK, DEGW), f32)

    degp = _sc_degree(dst3, ones_g, zeros_g)
    node, pool0 = _tc_frontend(pos_p, id3, batch3, posW8, posb,
                               emb.astype(f32), node_W.astype(f32), nodeb)
    ht, dis = _tc_prescale(degp, node, conv_W[0].astype(f32))

    acc = _sc_aggregate(ht, src3, dst3, zeros_d)
    ht, pool1 = _tc_combine(acc, ht, dis, conv_b[0].astype(f32).reshape(1, D),
                            conv_W[1].astype(f32), batch3)
    acc = _sc_aggregate(ht, src3, dst3, zeros_d)
    ht, pool2 = _tc_combine(acc, ht, dis, conv_b[1].astype(f32).reshape(1, D),
                            conv_W[2].astype(f32), batch3)
    acc = _sc_aggregate(ht, src3, dst3, zeros_d)
    latent = _tc_final(acc, ht, dis, conv_b[2].astype(f32).reshape(1, D),
                       batch3, pool0, pool1, pool2,
                       agg_W.astype(f32), aggb)
    return latent

# --- scband reference (transcript-rebuilt; emitter-appended) ---
"""Pipeline reference for scband-graph-encoder-53592601919844 (READ-ONLY COPY).

The authoritative reference and input builder live on the scoring server;
editing this copy changes nothing except your own understanding.
"""

import jax, jax.numpy as jnp
import numpy as np

N_NODES = 10000
N_EDGES = 320000
D_MODEL = 128
N_LAYER = 3
N_GRAPHS = 16


def setup_inputs(seed: int = 0) -> dict:
    key = jax.random.key(seed)
    ks = jax.random.split(key, 16)
    position_feature = jax.random.normal(ks[0], (N_NODES, 3), dtype=jnp.float32)
    id_feature = jax.random.randint(ks[1], (N_NODES,), 0, 256)
    edge_index = jax.random.randint(ks[2], (2, N_EDGES), 0, N_NODES)
    batch = jnp.sort(jax.random.randint(ks[3], (N_NODES,), 0, N_GRAPHS))
    s = 0.05
    pos_W = jax.random.normal(ks[4], (3, D_MODEL), dtype=jnp.float32) * s
    pos_b = jnp.zeros((D_MODEL,), dtype=jnp.float32)
    emb = jax.random.normal(ks[5], (256, D_MODEL), dtype=jnp.float32) * s
    node_W = jax.random.normal(ks[6], (2 * D_MODEL, D_MODEL), dtype=jnp.float32) * s
    node_b = jnp.zeros((D_MODEL,), dtype=jnp.float32)
    conv_W = jax.random.normal(ks[7], (N_LAYER, D_MODEL, D_MODEL), dtype=jnp.float32) * s
    conv_b = jnp.zeros((N_LAYER, D_MODEL), dtype=jnp.float32)
    agg_W = jax.random.normal(ks[8], (D_MODEL * (1 + N_LAYER), D_MODEL), dtype=jnp.float32) * s
    agg_b = jnp.zeros((D_MODEL,), dtype=jnp.float32)
    return {
        'position_feature': position_feature,
        'id_feature': id_feature,
        'edge_index': edge_index,
        'batch': batch,
        'pos_W': pos_W, 'pos_b': pos_b,
        'emb': emb,
        'node_W': node_W, 'node_b': node_b,
        'conv_W': conv_W, 'conv_b': conv_b,
        'agg_W': agg_W, 'agg_b': agg_b,
    }


def _gcn(x, W, b, src, dst):
    # PyG GCNConv: x @ W, add self-loops, symmetric D^-1/2 (A+I) D^-1/2 aggregation, + bias
    n = x.shape[0]
    h = x @ W
    loop = jnp.arange(n)
    s2 = jnp.concatenate([src, loop])
    d2 = jnp.concatenate([dst, loop])
    deg = jax.ops.segment_sum(jnp.ones(d2.shape[0], dtype=x.dtype), d2, num_segments=n)
    dis = jnp.where(deg > 0, jax.lax.rsqrt(jnp.maximum(deg, 1e-12)), 0.0)
    norm = dis[s2] * dis[d2]
    msg = h[s2] * norm[:, None]
    out = jax.ops.segment_sum(msg, d2, num_segments=n)
    return out + b


def _pool(x, batch):
    return jax.ops.segment_max(x, batch, num_segments=N_GRAPHS)


def reference(position_feature, id_feature, edge_index, batch, pos_W, pos_b, emb, node_W, node_b, conv_W, conv_b, agg_W, agg_b):
    src = edge_index[0]
    dst = edge_index[1]
    pos = jax.nn.relu(position_feature @ pos_W + pos_b)
    idf = jax.nn.relu(jnp.take(emb, id_feature, axis=0))
    node = jax.nn.relu(jnp.concatenate([pos, idf], axis=1) @ node_W + node_b)
    g_list = [_pool(node, batch)]
    h = node
    for l in range(N_LAYER):
        h = jax.nn.relu(_gcn(h, conv_W[l], conv_b[l], src, dst))
        g_list.append(_pool(h, batch))
    g_embed = jnp.concatenate(g_list, axis=1)
    latent = g_embed @ agg_W + agg_b
    return latent

if __name__ == "__main__":
    import jax
    _d = setup_inputs()
    print(jax.jit(kernel)(*tuple(_d.values())))

</pallas_src>

<mosaic_0001>
#map = affine_map<(d0, d1) -> (0, 0, 0)>
#map1 = affine_map<(d0, d1) -> (0, 0)>
module attributes {stable_mosaic.version = 14 : i64} {
  func.func @k(%arg0: i32, %arg1: i32, %arg2: memref<32x80x128xi32, #tpu.memory_space<hbm>>, %arg3: memref<128x8xf32, #tpu.memory_space<hbm>>, %arg4: memref<640x8xf32, #tpu.memory_space<hbm>>, %arg5: memref<2x10240x8xf32, #tpu.memory_space<hbm>>, %arg6: memref<80x128xi32, #tpu.memory_space<vmem>>, %arg7: memref<128x8xf32, #tpu.memory_space<vmem>>, %arg8: memref<10240x8xf32, #tpu.memory_space<vmem_shared>>) attributes {dimension_semantics = [#tpu.dimension_semantics<core_parallel>, #tpu.dimension_semantics<subcore_parallel>], iteration_bounds = array<i64: 2, 16>, scalar_prefetch = 0 : i64, scratch_operands = 3 : i64, tpu.core_type = #tpu.core_type<sc_vector_subcore>, window_params = [{transform_indices = #map}, {transform_indices = #map1}, {transform_indices = #map1}, {transform_indices = #map}]} {
    %mul3A = arith.constant 16 : i32
    %mul3A_0 = arith.muli %arg0, %mul3A : i32
    %add3A = arith.addi %mul3A_0, %arg1 : i32
    "tpu.region"() ({
      %run_scoped3A = tpu.sem_alloc : memref<!tpu.dma_semaphore, #tpu.memory_space<semaphore_mem>>
      %dma_start3A = arith.constant 0 : i32
      %dma_start3A_11 = arith.constant 0 : i32
      %dma_start3A_12 = tpu.memref_slice %arg2[%add3A, %dma_start3A, %dma_start3A_11] : memref<32x80x128xi32, #tpu.memory_space<hbm>> -> memref<1x80x128xi32, #tpu.memory_space<hbm>>
      %dma_start3A_13 = tpu.memref_squeeze %dma_start3A_12 : memref<1x80x128xi32, #tpu.memory_space<hbm>> -> memref<80x128xi32, #tpu.memory_space<hbm>>
      %dma_start3A_14 = arith.constant 0 : i32
      %dma_start3A_15 = arith.constant 0 : i32
      %dma_start3A_16 = tpu.memref_slice %arg2[%add3A, %dma_start3A_14, %dma_start3A_15] : memref<32x80x128xi32, #tpu.memory_space<hbm>> -> memref<1x80x128xi32, #tpu.memory_space<hbm>>
      %dma_start3A_17 = tpu.memref_squeeze %dma_start3A_16 : memref<1x80x128xi32, #tpu.memory_space<hbm>> -> memref<80x128xi32, #tpu.memory_space<hbm>>
      tpu.enqueue_dma source(%dma_start3A_17 : memref<80x128xi32, #tpu.memory_space<hbm>>) target(%arg6 : memref<80x128xi32, #tpu.memory_space<vmem>>) target_semaphore(%run_scoped3A : memref<!tpu.dma_semaphore, #tpu.memory_space<semaphore_mem>>)
      %dma_wait3A = arith.constant 0 : i32
      %dma_wait3A_18 = arith.constant 0 : i32
      %dma_wait3A_19 = tpu.memref_slice %arg2[%add3A, %dma_wait3A, %dma_wait3A_18] : memref<32x80x128xi32, #tpu.memory_space<hbm>> -> memref<1x80x128xi32, #tpu.memory_space<hbm>>
      %dma_wait3A_20 = tpu.memref_squeeze %dma_wait3A_19 : memref<1x80x128xi32, #tpu.memory_space<hbm>> -> memref<80x128xi32, #tpu.memory_space<hbm>>
      %dma_wait3A_21 = arith.constant 0 : i32
      %dma_wait3A_22 = arith.constant 0 : i32
      %dma_wait3A_23 = tpu.memref_slice %arg2[%add3A, %dma_wait3A_21, %dma_wait3A_22] : memref<32x80x128xi32, #tpu.memory_space<hbm>> -> memref<1x80x128xi32, #tpu.memory_space<hbm>>
      %dma_wait3A_24 = tpu.memref_squeeze %dma_wait3A_23 : memref<1x80x128xi32, #tpu.memory_space<hbm>> -> memref<80x128xi32, #tpu.memory_space<hbm>>
      tpu.wait_dma2 semaphore(%run_scoped3A : memref<!tpu.dma_semaphore, #tpu.memory_space<semaphore_mem>>) src(%dma_wait3A_24 : memref<80x128xi32, #tpu.memory_space<hbm>>) dst(%arg6 : memref<80x128xi32, #tpu.memory_space<vmem>>)
      tpu.yield
    }) : () -> ()
    "tpu.region"() ({
      %run_scoped3A = tpu.sem_alloc : memref<!tpu.dma_semaphore, #tpu.memory_space<semaphore_mem>>
      tpu.enqueue_dma source(%arg3 : memref<128x8xf32, #tpu.memory_space<hbm>>) target(%arg7 : memref<128x8xf32, #tpu.memory_space<vmem>>) target_semaphore(%run_scoped3A : memref<!tpu.dma_semaphore, #tpu.memory_space<semaphore_mem>>)
      tpu.wait_dma2 semaphore(%run_scoped3A : memref<!tpu.dma_semaphore, #tpu.memory_space<semaphore_mem>>) src(%arg3 : memref<128x8xf32, #tpu.memory_space<hbm>>) dst(%arg7 : memref<128x8xf32, #tpu.memory_space<vmem>>)
      tpu.yield
    }) : () -> ()
    %mul3A_1 = arith.constant 640 : i32
    %mul3A_2 = arith.muli %arg1, %mul3A_1 : i32
    "tpu.region"() ({
      %run_scoped3A = tpu.sem_alloc : memref<!tpu.dma_semaphore, #tpu.memory_space<semaphore_mem>>
      %dma_start3A = arith.constant 0 : i32
      %dma_start3A_11 = tpu.memref_slice %arg8[%mul3A_2, %dma_start3A] : memref<10240x8xf32, #tpu.memory_space<vmem_shared>> -> memref<640x8xf32, #tpu.memory_space<vmem_shared>>
      tpu.enqueue_dma source(%arg4 : memref<640x8xf32, #tpu.memory_space<hbm>>) target(%dma_start3A_11 : memref<640x8xf32, #tpu.memory_space<vmem_shared>>) target_semaphore(%run_scoped3A : memref<!tpu.dma_semaphore, #tpu.memory_space<semaphore_mem>>)
      %dma_wait3A = arith.constant 0 : i32
      %dma_wait3A_12 = tpu.memref_slice %arg8[%mul3A_2, %dma_wait3A] : memref<10240x8xf32, #tpu.memory_space<vmem_shared>> -> memref<640x8xf32, #tpu.memory_space<vmem_shared>>
      tpu.wait_dma2 semaphore(%run_scoped3A : memref<!tpu.dma_semaphore, #tpu.memory_space<semaphore_mem>>) src(%arg4 : memref<640x8xf32, #tpu.memory_space<hbm>>) dst(%dma_wait3A_12 : memref<640x8xf32, #tpu.memory_space<vmem_shared>>)
      tpu.yield
    }) : () -> ()
    %barrier3A = arith.constant 0 : index
    tpu.barrier barrier_id(%barrier3A)
    %scan3A = arith.constant 0 : i32
    %scan3A_3 = arith.constant 0 : i32
    %scan3A_4 = arith.constant 80 : i32
    %scan3A_5 = arith.addi %scan3A_3, %scan3A_4 : i32
    %scan3A_6 = arith.constant 1 : i32
    scf.for %scan3A_11 = %scan3A_3 to %scan3A_5 step %scan3A_6  : i32 {
      "tpu.region"() ({
        %run_scoped3A = tpu.sem_alloc : memref<!tpu.dma_semaphore, #tpu.memory_space<semaphore_mem>>
        %dma_start3A = arith.constant 0 : i32
        %dma_start3A_12 = tpu.memref_slice %arg6[%scan3A_11, %dma_start3A] : memref<80x128xi32, #tpu.memory_space<vmem>> -> memref<1x128xi32, #tpu.memory_space<vmem>>
        %dma_start3A_13 = tpu.memref_squeeze %dma_start3A_12 : memref<1x128xi32, #tpu.memory_space<vmem>> -> memref<128xi32, #tpu.memory_space<vmem>>
        %dma_start3A_14 = arith.constant 0 : i32
        %dma_start3A_15 = arith.constant 0 : i32
        %dma_start3A_16 = tpu.memref_slice %arg8[%dma_start3A_14, %dma_start3A_15] : memref<10240x8xf32, #tpu.memory_space<vmem_shared>> -> memref<10240x8xf32, #tpu.memory_space<vmem_shared>>
        tpu.enqueue_indirect_dma source(%arg7 : memref<128x8xf32, #tpu.memory_space<vmem>>) target(%dma_start3A_16 : memref<10240x8xf32, #tpu.memory_space<vmem_shared>>) offsets(%dma_start3A_13 : memref<128xi32, #tpu.memory_space<vmem>>) semaphore(%run_scoped3A : memref<!tpu.dma_semaphore, #tpu.memory_space<semaphore_mem>>) {add = true}
        %dma_wait3A = arith.constant 0 : i32
        %dma_wait3A_17 = tpu.memref_slice %arg6[%scan3A_11, %dma_wait3A] : memref<80x128xi32, #tpu.memory_space<vmem>> -> memref<1x128xi32, #tpu.memory_space<vmem>>
        %dma_wait3A_18 = tpu.memref_squeeze %dma_wait3A_17 : memref<1x128xi32, #tpu.memory_space<vmem>> -> memref<128xi32, #tpu.memory_space<vmem>>
        %dma_wait3A_19 = arith.constant 0 : i32
        %dma_wait3A_20 = arith.constant 0 : i32
        %dma_wait3A_21 = tpu.memref_slice %arg8[%dma_wait3A_19, %dma_wait3A_20] : memref<10240x8xf32, #tpu.memory_space<vmem_shared>> -> memref<10240x8xf32, #tpu.memory_space<vmem_shared>>
        tpu.wait_indirect_dma semaphore(%run_scoped3A : memref<!tpu.dma_semaphore, #tpu.memory_space<semaphore_mem>>) src(%arg7 : memref<128x8xf32, #tpu.memory_space<vmem>>) dst(%dma_wait3A_21 : memref<10240x8xf32, #tpu.memory_space<vmem_shared>>)
        tpu.yield
      }) : () -> ()
    }
    %scan3A_7 = arith.constant 80 : i32
    %barrier3A_8 = arith.constant 0 : index
    tpu.barrier barrier_id(%barrier3A_8)
    %mul3A_9 = arith.constant 640 : i32
    %mul3A_10 = arith.muli %arg1, %mul3A_9 : i32
    "tpu.region"() ({
      %run_scoped3A = tpu.sem_alloc : memref<!tpu.dma_semaphore, #tpu.memory_space<semaphore_mem>>
      %dma_start3A = arith.constant 0 : i32
      %dma_start3A_11 = tpu.memref_slice %arg5[%arg0, %mul3A_10, %dma_start3A] : memref<2x10240x8xf32, #tpu.memory_space<hbm>> -> memref<1x640x8xf32, #tpu.memory_space<hbm>>
      %dma_start3A_12 = tpu.memref_squeeze %dma_start3A_11 : memref<1x640x8xf32, #tpu.memory_space<hbm>> -> memref<640x8xf32, #tpu.memory_space<hbm>>
      %dma_start3A_13 = arith.constant 0 : i32
      %dma_start3A_14 = tpu.memref_slice %arg8[%mul3A_10, %dma_start3A_13] : memref<10240x8xf32, #tpu.memory_space<vmem_shared>> -> memref<640x8xf32, #tpu.memory_space<vmem_shared>>
      tpu.enqueue_dma source(%dma_start3A_14 : memref<640x8xf32, #tpu.memory_space<vmem_shared>>) target(%dma_start3A_12 : memref<640x8xf32, #tpu.memory_space<hbm>>) target_semaphore(%run_scoped3A : memref<!tpu.dma_semaphore, #tpu.memory_space<semaphore_mem>>)
      %dma_wait3A = arith.constant 0 : i32
      %dma_wait3A_15 = tpu.memref_slice %arg5[%arg0, %mul3A_10, %dma_wait3A] : memref<2x10240x8xf32, #tpu.memory_space<hbm>> -> memref<1x640x8xf32, #tpu.memory_space<hbm>>
      %dma_wait3A_16 = tpu.memref_squeeze %dma_wait3A_15 : memref<1x640x8xf32, #tpu.memory_space<hbm>> -> memref<640x8xf32, #tpu.memory_space<hbm>>
      %dma_wait3A_17 = arith.constant 0 : i32
      %dma_wait3A_18 = tpu.memref_slice %arg8[%mul3A_10, %dma_wait3A_17] : memref<10240x8xf32, #tpu.memory_space<vmem_shared>> -> memref<640x8xf32, #tpu.memory_space<vmem_shared>>
      tpu.wait_dma2 semaphore(%run_scoped3A : memref<!tpu.dma_semaphore, #tpu.memory_space<semaphore_mem>>) src(%dma_wait3A_18 : memref<640x8xf32, #tpu.memory_space<vmem_shared>>) dst(%dma_wait3A_16 : memref<640x8xf32, #tpu.memory_space<hbm>>)
      tpu.yield
    }) : () -> ()
    return
  }
}

#map = affine_map<(d0, d1) -> (0, 0)>
#map1 = affine_map<(d0, d1) -> (0, 0, 0)>
module attributes {stable_mosaic.version = 14 : i64} {
  func.func @k(%arg0: i32, %arg1: i32, %arg2: memref<10240x128xf32, #tpu.memory_space<hbm>>, %arg3: memref<32x80x128xi32, #tpu.memory_space<hbm>>, %arg4: memref<32x80x128xi32, #tpu.memory_space<hbm>>, %arg5: memref<640x128xf32, #tpu.memory_space<hbm>>, %arg6: memref<2x10240x128xf32, #tpu.memory_space<hbm>>, %arg7: memref<80x128xi32, #tpu.memory_space<vmem>>, %arg8: memref<80x128xi32, #tpu.memory_space<vmem>>, %arg9: memref<128x128xf32, #tpu.memory_space<vmem>>, %arg10: memref<10240x128xf32, #tpu.memory_space<vmem_shared>>, %arg11: memref<!tpu.dma_semaphore, #tpu.memory_space<semaphore_mem>>) attributes {dimension_semantics = [#tpu.dimension_semantics<core_parallel>, #tpu.dimension_semantics<subcore_parallel>], iteration_bounds = array<i64: 2, 16>, scalar_prefetch = 0 : i64, scratch_operands = 5 : i64, tpu.core_type = #tpu.core_type<sc_vector_subcore>, window_params = [{transform_indices = #map}, {transform_indices = #map1}, {transform_indices = #map1}, {transform_indices = #map}, {transform_indices = #map1}]} {
    %mul3A = arith.constant 16 : i32
    %mul3A_0 = arith.muli %arg0, %mul3A : i32
    %add3A = arith.addi %mul3A_0, %arg1 : i32
    "tpu.region"() ({
      %run_scoped3A = tpu.sem_alloc : memref<!tpu.dma_semaphore, #tpu.memory_space<semaphore_mem>>
      %dma_start3A = arith.constant 0 : i32
      %dma_start3A_11 = arith.constant 0 : i32
      %dma_start3A_12 = tpu.memref_slice %arg3[%add3A, %dma_start3A, %dma_start3A_11] : memref<32x80x128xi32, #tpu.memory_space<hbm>> -> memref<1x80x128xi32, #tpu.memory_space<hbm>>
      %dma_start3A_13 = tpu.memref_squeeze %dma_start3A_12 : memref<1x80x128xi32, #tpu.memory_space<hbm>> -> memref<80x128xi32, #tpu.memory_space<hbm>>
      %dma_start3A_14 = arith.constant 0 : i32
      %dma_start3A_15 = arith.constant 0 : i32
      %dma_start3A_16 = tpu.memref_slice %arg3[%add3A, %dma_start3A_14, %dma_start3A_15] : memref<32x80x128xi32, #tpu.memory_space<hbm>> -> memref<1x80x128xi32, #tpu.memory_space<hbm>>
      %dma_start3A_17 = tpu.memref_squeeze %dma_start3A_16 : memref<1x80x128xi32, #tpu.memory_space<hbm>> -> memref<80x128xi32, #tpu.memory_space<hbm>>
      tpu.enqueue_dma source(%dma_start3A_17 : memref<80x128xi32, #tpu.memory_space<hbm>>) target(%arg7 : memref<80x128xi32, #tpu.memory_space<vmem>>) target_semaphore(%run_scoped3A : memref<!tpu.dma_semaphore, #tpu.memory_space<semaphore_mem>>)
      %dma_wait3A = arith.constant 0 : i32
      %dma_wait3A_18 = arith.constant 0 : i32
      %dma_wait3A_19 = tpu.memref_slice %arg3[%add3A, %dma_wait3A, %dma_wait3A_18] : memref<32x80x128xi32, #tpu.memory_space<hbm>> -> memref<1x80x128xi32, #tpu.memory_space<hbm>>
      %dma_wait3A_20 = tpu.memref_squeeze %dma_wait3A_19 : memref<1x80x128xi32, #tpu.memory_space<hbm>> -> memref<80x128xi32, #tpu.memory_space<hbm>>
      %dma_wait3A_21 = arith.constant 0 : i32
      %dma_wait3A_22 = arith.constant 0 : i32
      %dma_wait3A_23 = tpu.memref_slice %arg3[%add3A, %dma_wait3A_21, %dma_wait3A_22] : memref<32x80x128xi32, #tpu.memory_space<hbm>> -> memref<1x80x128xi32, #tpu.memory_space<hbm>>
      %dma_wait3A_24 = tpu.memref_squeeze %dma_wait3A_23 : memref<1x80x128xi32, #tpu.memory_space<hbm>> -> memref<80x128xi32, #tpu.memory_space<hbm>>
      tpu.wait_dma2 semaphore(%run_scoped3A : memref<!tpu.dma_semaphore, #tpu.memory_space<semaphore_mem>>) src(%dma_wait3A_24 : memref<80x128xi32, #tpu.memory_space<hbm>>) dst(%arg7 : memref<80x128xi32, #tpu.memory_space<vmem>>)
      tpu.yield
    }) : () -> ()
    "tpu.region"() ({
      %run_scoped3A = tpu.sem_alloc : memref<!tpu.dma_semaphore, #tpu.memory_space<semaphore_mem>>
      %dma_start3A = arith.constant 0 : i32
      %dma_start3A_11 = arith.constant 0 : i32
      %dma_start3A_12 = tpu.memref_slice %arg4[%add3A, %dma_start3A, %dma_start3A_11] : memref<32x80x128xi32, #tpu.memory_space<hbm>> -> memref<1x80x128xi32, #tpu.memory_space<hbm>>
      %dma_start3A_13 = tpu.memref_squeeze %dma_start3A_12 : memref<1x80x128xi32, #tpu.memory_space<hbm>> -> memref<80x128xi32, #tpu.memory_space<hbm>>
      %dma_start3A_14 = arith.constant 0 : i32
      %dma_start3A_15 = arith.constant 0 : i32
      %dma_start3A_16 = tpu.memref_slice %arg4[%add3A, %dma_start3A_14, %dma_start3A_15] : memref<32x80x128xi32, #tpu.memory_space<hbm>> -> memref<1x80x128xi32, #tpu.memory_space<hbm>>
      %dma_start3A_17 = tpu.memref_squeeze %dma_start3A_16 : memref<1x80x128xi32, #tpu.memory_space<hbm>> -> memref<80x128xi32, #tpu.memory_space<hbm>>
      tpu.enqueue_dma source(%dma_start3A_17 : memref<80x128xi32, #tpu.memory_space<hbm>>) target(%arg8 : memref<80x128xi32, #tpu.memory_space<vmem>>) target_semaphore(%run_scoped3A : memref<!tpu.dma_semaphore, #tpu.memory_space<semaphore_mem>>)
      %dma_wait3A = arith.constant 0 : i32
      %dma_wait3A_18 = arith.constant 0 : i32
      %dma_wait3A_19 = tpu.memref_slice %arg4[%add3A, %dma_wait3A, %dma_wait3A_18] : memref<32x80x128xi32, #tpu.memory_space<hbm>> -> memref<1x80x128xi32, #tpu.memory_space<hbm>>
      %dma_wait3A_20 = tpu.memref_squeeze %dma_wait3A_19 : memref<1x80x128xi32, #tpu.memory_space<hbm>> -> memref<80x128xi32, #tpu.memory_space<hbm>>
      %dma_wait3A_21 = arith.constant 0 : i32
      %dma_wait3A_22 = arith.constant 0 : i32
      %dma_wait3A_23 = tpu.memref_slice %arg4[%add3A, %dma_wait3A_21, %dma_wait3A_22] : memref<32x80x128xi32, #tpu.memory_space<hbm>> -> memref<1x80x128xi32, #tpu.memory_space<hbm>>
      %dma_wait3A_24 = tpu.memref_squeeze %dma_wait3A_23 : memref<1x80x128xi32, #tpu.memory_space<hbm>> -> memref<80x128xi32, #tpu.memory_space<hbm>>
      tpu.wait_dma2 semaphore(%run_scoped3A : memref<!tpu.dma_semaphore, #tpu.memory_space<semaphore_mem>>) src(%dma_wait3A_24 : memref<80x128xi32, #tpu.memory_space<hbm>>) dst(%arg8 : memref<80x128xi32, #tpu.memory_space<vmem>>)
      tpu.yield
    }) : () -> ()
    %mul3A_1 = arith.constant 640 : i32
    %mul3A_2 = arith.muli %arg1, %mul3A_1 : i32
    "tpu.region"() ({
      %run_scoped3A = tpu.sem_alloc : memref<!tpu.dma_semaphore, #tpu.memory_space<semaphore_mem>>
      %dma_start3A = arith.constant 0 : i32
      %dma_start3A_11 = tpu.memref_slice %arg10[%mul3A_2, %dma_start3A] : memref<10240x128xf32, #tpu.memory_space<vmem_shared>> -> memref<640x128xf32, #tpu.memory_space<vmem_shared>>
      tpu.enqueue_dma source(%arg5 : memref<640x128xf32, #tpu.memory_space<hbm>>) target(%dma_start3A_11 : memref<640x128xf32, #tpu.memory_space<vmem_shared>>) target_semaphore(%run_scoped3A : memref<!tpu.dma_semaphore, #tpu.memory_space<semaphore_mem>>)
      %dma_wait3A = arith.constant 0 : i32
      %dma_wait3A_12 = tpu.memref_slice %arg10[%mul3A_2, %dma_wait3A] : memref<10240x128xf32, #tpu.memory_space<vmem_shared>> -> memref<640x128xf32, #tpu.memory_space<vmem_shared>>
      tpu.wait_dma2 semaphore(%run_scoped3A : memref<!tpu.dma_semaphore, #tpu.memory_space<semaphore_mem>>) src(%arg5 : memref<640x128xf32, #tpu.memory_space<hbm>>) dst(%dma_wait3A_12 : memref<640x128xf32, #tpu.memory_space<vmem_shared>>)
      tpu.yield
    }) : () -> ()
    %barrier3A = arith.constant 0 : index
    tpu.barrier barrier_id(%barrier3A)
    %scan3A = arith.constant 0 : i32
    %scan3A_3 = arith.constant 0 : i32
    %scan3A_4 = arith.constant 80 : i32
    %scan3A_5 = arith.addi %scan3A_3, %scan3A_4 : i32
    %scan3A_6 = arith.constant 1 : i32
    scf.for %scan3A_11 = %scan3A_3 to %scan3A_5 step %scan3A_6  : i32 {
      %dma_start3A = arith.constant 0 : i32
      %dma_start3A_12 = tpu.memref_slice %arg7[%scan3A_11, %dma_start3A] : memref<80x128xi32, #tpu.memory_space<vmem>> -> memref<1x128xi32, #tpu.memory_space<vmem>>
      %dma_start3A_13 = tpu.memref_squeeze %dma_start3A_12 : memref<1x128xi32, #tpu.memory_space<vmem>> -> memref<128xi32, #tpu.memory_space<vmem>>
      %dma_start3A_14 = arith.constant 0 : i32
      %dma_start3A_15 = arith.constant 0 : i32
      %dma_start3A_16 = tpu.memref_slice %arg2[%dma_start3A_14, %dma_start3A_15] : memref<10240x128xf32, #tpu.memory_space<hbm>> -> memref<10240x128xf32, #tpu.memory_space<hbm>>
      tpu.enqueue_indirect_dma source(%dma_start3A_16 : memref<10240x128xf32, #tpu.memory_space<hbm>>) target(%arg9 : memref<128x128xf32, #tpu.memory_space<vmem>>) offsets(%dma_start3A_13 : memref<128xi32, #tpu.memory_space<vmem>>) semaphore(%arg11 : memref<!tpu.dma_semaphore, #tpu.memory_space<semaphore_mem>>)
      %dma_wait3A = arith.constant 0 : i32
      %dma_wait3A_17 = tpu.memref_slice %arg7[%scan3A_11, %dma_wait3A] : memref<80x128xi32, #tpu.memory_space<vmem>> -> memref<1x128xi32, #tpu.memory_space<vmem>>
      %dma_wait3A_18 = tpu.memref_squeeze %dma_wait3A_17 : memref<1x128xi32, #tpu.memory_space<vmem>> -> memref<128xi32, #tpu.memory_space<vmem>>
      %dma_wait3A_19 = arith.constant 0 : i32
      %dma_wait3A_20 = arith.constant 0 : i32
      %dma_wait3A_21 = tpu.memref_slice %arg2[%dma_wait3A_19, %dma_wait3A_20] : memref<10240x128xf32, #tpu.memory_space<hbm>> -> memref<10240x128xf32, #tpu.memory_space<hbm>>
      tpu.wait_indirect_dma semaphore(%arg11 : memref<!tpu.dma_semaphore, #tpu.memory_space<semaphore_mem>>) src(%dma_wait3A_21 : memref<10240x128xf32, #tpu.memory_space<hbm>>) dst(%arg9 : memref<128x128xf32, #tpu.memory_space<vmem>>)
      "tpu.region"() ({
        %run_scoped3A = tpu.sem_alloc : memref<!tpu.dma_semaphore, #tpu.memory_space<semaphore_mem>>
        %dma_start3A_22 = arith.constant 0 : i32
        %dma_start3A_23 = tpu.memref_slice %arg8[%scan3A_11, %dma_start3A_22] : memref<80x128xi32, #tpu.memory_space<vmem>> -> memref<1x128xi32, #tpu.memory_space<vmem>>
        %dma_start3A_24 = tpu.memref_squeeze %dma_start3A_23 : memref<1x128xi32, #tpu.memory_space<vmem>> -> memref<128xi32, #tpu.memory_space<vmem>>
        %dma_start3A_25 = arith.constant 0 : i32
        %dma_start3A_26 = arith.constant 0 : i32
        %dma_start3A_27 = tpu.memref_slice %arg10[%dma_start3A_25, %dma_start3A_26] : memref<10240x128xf32, #tpu.memory_space<vmem_shared>> -> memref<10240x128xf32, #tpu.memory_space<vmem_shared>>
        tpu.enqueue_indirect_dma source(%arg9 : memref<128x128xf32, #tpu.memory_space<vmem>>) target(%dma_start3A_27 : memref<10240x128xf32, #tpu.memory_space<vmem_shared>>) offsets(%dma_start3A_24 : memref<128xi32, #tpu.memory_space<vmem>>) semaphore(%run_scoped3A : memref<!tpu.dma_semaphore, #tpu.memory_space<semaphore_mem>>) {add = true}
        %dma_wait3A_28 = arith.constant 0 : i32
        %dma_wait3A_29 = tpu.memref_slice %arg8[%scan3A_11, %dma_wait3A_28] : memref<80x128xi32, #tpu.memory_space<vmem>> -> memref<1x128xi32, #tpu.memory_space<vmem>>
        %dma_wait3A_30 = tpu.memref_squeeze %dma_wait3A_29 : memref<1x128xi32, #tpu.memory_space<vmem>> -> memref<128xi32, #tpu.memory_space<vmem>>
        %dma_wait3A_31 = arith.constant 0 : i32
        %dma_wait3A_32 = arith.constant 0 : i32
        %dma_wait3A_33 = tpu.memref_slice %arg10[%dma_wait3A_31, %dma_wait3A_32] : memref<10240x128xf32, #tpu.memory_space<vmem_shared>> -> memref<10240x128xf32, #tpu.memory_space<vmem_shared>>
        tpu.wait_indirect_dma semaphore(%run_scoped3A : memref<!tpu.dma_semaphore, #tpu.memory_space<semaphore_mem>>) src(%arg9 : memref<128x128xf32, #tpu.memory_space<vmem>>) dst(%dma_wait3A_33 : memref<10240x128xf32, #tpu.memory_space<vmem_shared>>)
        tpu.yield
      }) : () -> ()
    }
    %scan3A_7 = arith.constant 80 : i32
    %barrier3A_8 = arith.constant 0 : index
    tpu.barrier barrier_id(%barrier3A_8)
    %mul3A_9 = arith.constant 640 : i32
    %mul3A_10 = arith.muli %arg1, %mul3A_9 : i32
    "tpu.region"() ({
      %run_scoped3A = tpu.sem_alloc : memref<!tpu.dma_semaphore, #tpu.memory_space<semaphore_mem>>
      %dma_start3A = arith.constant 0 : i32
      %dma_start3A_11 = tpu.memref_slice %arg6[%arg0, %mul3A_10, %dma_start3A] : memref<2x10240x128xf32, #tpu.memory_space<hbm>> -> memref<1x640x128xf32, #tpu.memory_space<hbm>>
      %dma_start3A_12 = tpu.memref_squeeze %dma_start3A_11 : memref<1x640x128xf32, #tpu.memory_space<hbm>> -> memref<640x128xf32, #tpu.memory_space<hbm>>
      %dma_start3A_13 = arith.constant 0 : i32
      %dma_start3A_14 = tpu.memref_slice %arg10[%mul3A_10, %dma_start3A_13] : memref<10240x128xf32, #tpu.memory_space<vmem_shared>> -> memref<640x128xf32, #tpu.memory_space<vmem_shared>>
      tpu.enqueue_dma source(%dma_start3A_14 : memref<640x128xf32, #tpu.memory_space<vmem_shared>>) target(%dma_start3A_12 : memref<640x128xf32, #tpu.memory_space<hbm>>) target_semaphore(%run_scoped3A : memref<!tpu.dma_semaphore, #tpu.memory_space<semaphore_mem>>)
      %dma_wait3A = arith.constant 0 : i32
      %dma_wait3A_15 = tpu.memref_slice %arg6[%arg0, %mul3A_10, %dma_wait3A] : memref<2x10240x128xf32, #tpu.memory_space<hbm>> -> memref<1x640x128xf32, #tpu.memory_space<hbm>>
      %dma_wait3A_16 = tpu.memref_squeeze %dma_wait3A_15 : memref<1x640x128xf32, #tpu.memory_space<hbm>> -> memref<640x128xf32, #tpu.memory_space<hbm>>
      %dma_wait3A_17 = arith.constant 0 : i32
      %dma_wait3A_18 = tpu.memref_slice %arg10[%mul3A_10, %dma_wait3A_17] : memref<10240x128xf32, #tpu.memory_space<vmem_shared>> -> memref<640x128xf32, #tpu.memory_space<vmem_shared>>
      tpu.wait_dma2 semaphore(%run_scoped3A : memref<!tpu.dma_semaphore, #tpu.memory_space<semaphore_mem>>) src(%dma_wait3A_18 : memref<640x128xf32, #tpu.memory_space<vmem_shared>>) dst(%dma_wait3A_16 : memref<640x128xf32, #tpu.memory_space<hbm>>)
      tpu.yield
    }) : () -> ()
    return
  }
}

#map = affine_map<(d0, d1) -> (0, 0)>
#map1 = affine_map<(d0, d1) -> (0, 0, 0)>
module attributes {stable_mosaic.version = 14 : i64} {
  func.func @k(%arg0: i32, %arg1: i32, %arg2: memref<10240x128xf32, #tpu.memory_space<hbm>>, %arg3: memref<32x80x128xi32, #tpu.memory_space<hbm>>, %arg4: memref<32x80x128xi32, #tpu.memory_space<hbm>>, %arg5: memref<640x128xf32, #tpu.memory_space<hbm>>, %arg6: memref<2x10240x128xf32, #tpu.memory_space<hbm>>, %arg7: memref<80x128xi32, #tpu.memory_space<vmem>>, %arg8: memref<80x128xi32, #tpu.memory_space<vmem>>, %arg9: memref<128x128xf32, #tpu.memory_space<vmem>>, %arg10: memref<10240x128xf32, #tpu.memory_space<vmem_shared>>, %arg11: memref<!tpu.dma_semaphore, #tpu.memory_space<semaphore_mem>>) attributes {dimension_semantics = [#tpu.dimension_semantics<core_parallel>, #tpu.dimension_semantics<subcore_parallel>], iteration_bounds = array<i64: 2, 16>, scalar_prefetch = 0 : i64, scratch_operands = 5 : i64, tpu.core_type = #tpu.core_type<sc_vector_subcore>, window_params = [{transform_indices = #map}, {transform_indices = #map1}, {transform_indices = #map1}, {transform_indices = #map}, {transform_indices = #map1}]} {
    %mul3A = arith.constant 16 : i32
    %mul3A_0 = arith.muli %arg0, %mul3A : i32
    %add3A = arith.addi %mul3A_0, %arg1 : i32
    "tpu.region"() ({
      %run_scoped3A = tpu.sem_alloc : memref<!tpu.dma_semaphore, #tpu.memory_space<semaphore_mem>>
      %dma_start3A = arith.constant 0 : i32
      %dma_start3A_11 = arith.constant 0 : i32
      %dma_start3A_12 = tpu.memref_slice %arg3[%add3A, %dma_start3A, %dma_start3A_11] : memref<32x80x128xi32, #tpu.memory_space<hbm>> -> memref<1x80x128xi32, #tpu.memory_space<hbm>>
      %dma_start3A_13 = tpu.memref_squeeze %dma_start3A_12 : memref<1x80x128xi32, #tpu.memory_space<hbm>> -> memref<80x128xi32, #tpu.memory_space<hbm>>
      %dma_start3A_14 = arith.constant 0 : i32
      %dma_start3A_15 = arith.constant 0 : i32
      %dma_start3A_16 = tpu.memref_slice %arg3[%add3A, %dma_start3A_14, %dma_start3A_15] : memref<32x80x128xi32, #tpu.memory_space<hbm>> -> memref<1x80x128xi32, #tpu.memory_space<hbm>>
      %dma_start3A_17 = tpu.memref_squeeze %dma_start3A_16 : memref<1x80x128xi32, #tpu.memory_space<hbm>> -> memref<80x128xi32, #tpu.memory_space<hbm>>
      tpu.enqueue_dma source(%dma_start3A_17 : memref<80x128xi32, #tpu.memory_space<hbm>>) target(%arg7 : memref<80x128xi32, #tpu.memory_space<vmem>>) target_semaphore(%run_scoped3A : memref<!tpu.dma_semaphore, #tpu.memory_space<semaphore_mem>>)
      %dma_wait3A = arith.constant 0 : i32
      %dma_wait3A_18 = arith.constant 0 : i32
      %dma_wait3A_19 = tpu.memref_slice %arg3[%add3A, %dma_wait3A, %dma_wait3A_18] : memref<32x80x128xi32, #tpu.memory_space<hbm>> -> memref<1x80x128xi32, #tpu.memory_space<hbm>>
      %dma_wait3A_20 = tpu.memref_squeeze %dma_wait3A_19 : memref<1x80x128xi32, #tpu.memory_space<hbm>> -> memref<80x128xi32, #tpu.memory_space<hbm>>
      %dma_wait3A_21 = arith.constant 0 : i32
      %dma_wait3A_22 = arith.constant 0 : i32
      %dma_wait3A_23 = tpu.memref_slice %arg3[%add3A, %dma_wait3A_21, %dma_wait3A_22] : memref<32x80x128xi32, #tpu.memory_space<hbm>> -> memref<1x80x128xi32, #tpu.memory_space<hbm>>
      %dma_wait3A_24 = tpu.memref_squeeze %dma_wait3A_23 : memref<1x80x128xi32, #tpu.memory_space<hbm>> -> memref<80x128xi32, #tpu.memory_space<hbm>>
      tpu.wait_dma2 semaphore(%run_scoped3A : memref<!tpu.dma_semaphore, #tpu.memory_space<semaphore_mem>>) src(%dma_wait3A_24 : memref<80x128xi32, #tpu.memory_space<hbm>>) dst(%arg7 : memref<80x128xi32, #tpu.memory_space<vmem>>)
      tpu.yield
    }) : () -> ()
    "tpu.region"() ({
      %run_scoped3A = tpu.sem_alloc : memref<!tpu.dma_semaphore, #tpu.memory_space<semaphore_mem>>
      %dma_start3A = arith.constant 0 : i32
      %dma_start3A_11 = arith.constant 0 : i32
      %dma_start3A_12 = tpu.memref_slice %arg4[%add3A, %dma_start3A, %dma_start3A_11] : memref<32x80x128xi32, #tpu.memory_space<hbm>> -> memref<1x80x128xi32, #tpu.memory_space<hbm>>
      %dma_start3A_13 = tpu.memref_squeeze %dma_start3A_12 : memref<1x80x128xi32, #tpu.memory_space<hbm>> -> memref<80x128xi32, #tpu.memory_space<hbm>>
      %dma_start3A_14 = arith.constant 0 : i32
      %dma_start3A_15 = arith.constant 0 : i32
      %dma_start3A_16 = tpu.memref_slice %arg4[%add3A, %dma_start3A_14, %dma_start3A_15] : memref<32x80x128xi32, #tpu.memory_space<hbm>> -> memref<1x80x128xi32, #tpu.memory_space<hbm>>
      %dma_start3A_17 = tpu.memref_squeeze %dma_start3A_16 : memref<1x80x128xi32, #tpu.memory_space<hbm>> -> memref<80x128xi32, #tpu.memory_space<hbm>>
      tpu.enqueue_dma source(%dma_start3A_17 : memref<80x128xi32, #tpu.memory_space<hbm>>) target(%arg8 : memref<80x128xi32, #tpu.memory_space<vmem>>) target_semaphore(%run_scoped3A : memref<!tpu.dma_semaphore, #tpu.memory_space<semaphore_mem>>)
      %dma_wait3A = arith.constant 0 : i32
      %dma_wait3A_18 = arith.constant 0 : i32
      %dma_wait3A_19 = tpu.memref_slice %arg4[%add3A, %dma_wait3A, %dma_wait3A_18] : memref<32x80x128xi32, #tpu.memory_space<hbm>> -> memref<1x80x128xi32, #tpu.memory_space<hbm>>
      %dma_wait3A_20 = tpu.memref_squeeze %dma_wait3A_19 : memref<1x80x128xi32, #tpu.memory_space<hbm>> -> memref<80x128xi32, #tpu.memory_space<hbm>>
      %dma_wait3A_21 = arith.constant 0 : i32
      %dma_wait3A_22 = arith.constant 0 : i32
      %dma_wait3A_23 = tpu.memref_slice %arg4[%add3A, %dma_wait3A_21, %dma_wait3A_22] : memref<32x80x128xi32, #tpu.memory_space<hbm>> -> memref<1x80x128xi32, #tpu.memory_space<hbm>>
      %dma_wait3A_24 = tpu.memref_squeeze %dma_wait3A_23 : memref<1x80x128xi32, #tpu.memory_space<hbm>> -> memref<80x128xi32, #tpu.memory_space<hbm>>
      tpu.wait_dma2 semaphore(%run_scoped3A : memref<!tpu.dma_semaphore, #tpu.memory_space<semaphore_mem>>) src(%dma_wait3A_24 : memref<80x128xi32, #tpu.memory_space<hbm>>) dst(%arg8 : memref<80x128xi32, #tpu.memory_space<vmem>>)
      tpu.yield
    }) : () -> ()
    %mul3A_1 = arith.constant 640 : i32
    %mul3A_2 = arith.muli %arg1, %mul3A_1 : i32
    "tpu.region"() ({
      %run_scoped3A = tpu.sem_alloc : memref<!tpu.dma_semaphore, #tpu.memory_space<semaphore_mem>>
      %dma_start3A = arith.constant 0 : i32
      %dma_start3A_11 = tpu.memref_slice %arg10[%mul3A_2, %dma_start3A] : memref<10240x128xf32, #tpu.memory_space<vmem_shared>> -> memref<640x128xf32, #tpu.memory_space<vmem_shared>>
      tpu.enqueue_dma source(%arg5 : memref<640x128xf32, #tpu.memory_space<hbm>>) target(%dma_start3A_11 : memref<640x128xf32, #tpu.memory_space<vmem_shared>>) target_semaphore(%run_scoped3A : memref<!tpu.dma_semaphore, #tpu.memory_space<semaphore_mem>>)
      %dma_wait3A = arith.constant 0 : i32
      %dma_wait3A_12 = tpu.memref_slice %arg10[%mul3A_2, %dma_wait3A] : memref<10240x128xf32, #tpu.memory_space<vmem_shared>> -> memref<640x128xf32, #tpu.memory_space<vmem_shared>>
      tpu.wait_dma2 semaphore(%run_scoped3A : memref<!tpu.dma_semaphore, #tpu.memory_space<semaphore_mem>>) src(%arg5 : memref<640x128xf32, #tpu.memory_space<hbm>>) dst(%dma_wait3A_12 : memref<640x128xf32, #tpu.memory_space<vmem_shared>>)
      tpu.yield
    }) : () -> ()
    %barrier3A = arith.constant 0 : index
    tpu.barrier barrier_id(%barrier3A)
    %scan3A = arith.constant 0 : i32
    %scan3A_3 = arith.constant 0 : i32
    %scan3A_4 = arith.constant 80 : i32
    %scan3A_5 = arith.addi %scan3A_3, %scan3A_4 : i32
    %scan3A_6 = arith.constant 1 : i32
    scf.for %scan3A_11 = %scan3A_3 to %scan3A_5 step %scan3A_6  : i32 {
      %dma_start3A = arith.constant 0 : i32
      %dma_start3A_12 = tpu.memref_slice %arg7[%scan3A_11, %dma_start3A] : memref<80x128xi32, #tpu.memory_space<vmem>> -> memref<1x128xi32, #tpu.memory_space<vmem>>
      %dma_start3A_13 = tpu.memref_squeeze %dma_start3A_12 : memref<1x128xi32, #tpu.memory_space<vmem>> -> memref<128xi32, #tpu.memory_space<vmem>>
      %dma_start3A_14 = arith.constant 0 : i32
      %dma_start3A_15 = arith.constant 0 : i32
      %dma_start3A_16 = tpu.memref_slice %arg2[%dma_start3A_14, %dma_start3A_15] : memref<10240x128xf32, #tpu.memory_space<hbm>> -> memref<10240x128xf32, #tpu.memory_space<hbm>>
      tpu.enqueue_indirect_dma source(%dma_start3A_16 : memref<10240x128xf32, #tpu.memory_space<hbm>>) target(%arg9 : memref<128x128xf32, #tpu.memory_space<vmem>>) offsets(%dma_start3A_13 : memref<128xi32, #tpu.memory_space<vmem>>) semaphore(%arg11 : memref<!tpu.dma_semaphore, #tpu.memory_space<semaphore_mem>>)
      %dma_wait3A = arith.constant 0 : i32
      %dma_wait3A_17 = tpu.memref_slice %arg7[%scan3A_11, %dma_wait3A] : memref<80x128xi32, #tpu.memory_space<vmem>> -> memref<1x128xi32, #tpu.memory_space<vmem>>
      %dma_wait3A_18 = tpu.memref_squeeze %dma_wait3A_17 : memref<1x128xi32, #tpu.memory_space<vmem>> -> memref<128xi32, #tpu.memory_space<vmem>>
      %dma_wait3A_19 = arith.constant 0 : i32
      %dma_wait3A_20 = arith.constant 0 : i32
      %dma_wait3A_21 = tpu.memref_slice %arg2[%dma_wait3A_19, %dma_wait3A_20] : memref<10240x128xf32, #tpu.memory_space<hbm>> -> memref<10240x128xf32, #tpu.memory_space<hbm>>
      tpu.wait_indirect_dma semaphore(%arg11 : memref<!tpu.dma_semaphore, #tpu.memory_space<semaphore_mem>>) src(%dma_wait3A_21 : memref<10240x128xf32, #tpu.memory_space<hbm>>) dst(%arg9 : memref<128x128xf32, #tpu.memory_space<vmem>>)
      "tpu.region"() ({
        %run_scoped3A = tpu.sem_alloc : memref<!tpu.dma_semaphore, #tpu.memory_space<semaphore_mem>>
        %dma_start3A_22 = arith.constant 0 : i32
        %dma_start3A_23 = tpu.memref_slice %arg8[%scan3A_11, %dma_start3A_22] : memref<80x128xi32, #tpu.memory_space<vmem>> -> memref<1x128xi32, #tpu.memory_space<vmem>>
        %dma_start3A_24 = tpu.memref_squeeze %dma_start3A_23 : memref<1x128xi32, #tpu.memory_space<vmem>> -> memref<128xi32, #tpu.memory_space<vmem>>
        %dma_start3A_25 = arith.constant 0 : i32
        %dma_start3A_26 = arith.constant 0 : i32
        %dma_start3A_27 = tpu.memref_slice %arg10[%dma_start3A_25, %dma_start3A_26] : memref<10240x128xf32, #tpu.memory_space<vmem_shared>> -> memref<10240x128xf32, #tpu.memory_space<vmem_shared>>
        tpu.enqueue_indirect_dma source(%arg9 : memref<128x128xf32, #tpu.memory_space<vmem>>) target(%dma_start3A_27 : memref<10240x128xf32, #tpu.memory_space<vmem_shared>>) offsets(%dma_start3A_24 : memref<128xi32, #tpu.memory_space<vmem>>) semaphore(%run_scoped3A : memref<!tpu.dma_semaphore, #tpu.memory_space<semaphore_mem>>) {add = true}
        %dma_wait3A_28 = arith.constant 0 : i32
        %dma_wait3A_29 = tpu.memref_slice %arg8[%scan3A_11, %dma_wait3A_28] : memref<80x128xi32, #tpu.memory_space<vmem>> -> memref<1x128xi32, #tpu.memory_space<vmem>>
        %dma_wait3A_30 = tpu.memref_squeeze %dma_wait3A_29 : memref<1x128xi32, #tpu.memory_space<vmem>> -> memref<128xi32, #tpu.memory_space<vmem>>
        %dma_wait3A_31 = arith.constant 0 : i32
        %dma_wait3A_32 = arith.constant 0 : i32
        %dma_wait3A_33 = tpu.memref_slice %arg10[%dma_wait3A_31, %dma_wait3A_32] : memref<10240x128xf32, #tpu.memory_space<vmem_shared>> -> memref<10240x128xf32, #tpu.memory_space<vmem_shared>>
        tpu.wait_indirect_dma semaphore(%run_scoped3A : memref<!tpu.dma_semaphore, #tpu.memory_space<semaphore_mem>>) src(%arg9 : memref<128x128xf32, #tpu.memory_space<vmem>>) dst(%dma_wait3A_33 : memref<10240x128xf32, #tpu.memory_space<vmem_shared>>)
        tpu.yield
      }) : () -> ()
    }
    %scan3A_7 = arith.constant 80 : i32
    %barrier3A_8 = arith.constant 0 : index
    tpu.barrier barrier_id(%barrier3A_8)
    %mul3A_9 = arith.constant 640 : i32
    %mul3A_10 = arith.muli %arg1, %mul3A_9 : i32
    "tpu.region"() ({
      %run_scoped3A = tpu.sem_alloc : memref<!tpu.dma_semaphore, #tpu.memory_space<semaphore_mem>>
      %dma_start3A = arith.constant 0 : i32
      %dma_start3A_11 = tpu.memref_slice %arg6[%arg0, %mul3A_10, %dma_start3A] : memref<2x10240x128xf32, #tpu.memory_space<hbm>> -> memref<1x640x128xf32, #tpu.memory_space<hbm>>
      %dma_start3A_12 = tpu.memref_squeeze %dma_start3A_11 : memref<1x640x128xf32, #tpu.memory_space<hbm>> -> memref<640x128xf32, #tpu.memory_space<hbm>>
      %dma_start3A_13 = arith.constant 0 : i32
      %dma_start3A_14 = tpu.memref_slice %arg10[%mul3A_10, %dma_start3A_13] : memref<10240x128xf32, #tpu.memory_space<vmem_shared>> -> memref<640x128xf32, #tpu.memory_space<vmem_shared>>
      tpu.enqueue_dma source(%dma_start3A_14 : memref<640x128xf32, #tpu.memory_space<vmem_shared>>) target(%dma_start3A_12 : memref<640x128xf32, #tpu.memory_space<hbm>>) target_semaphore(%run_scoped3A : memref<!tpu.dma_semaphore, #tpu.memory_space<semaphore_mem>>)
      %dma_wait3A = arith.constant 0 : i32
      %dma_wait3A_15 = tpu.memref_slice %arg6[%arg0, %mul3A_10, %dma_wait3A] : memref<2x10240x128xf32, #tpu.memory_space<hbm>> -> memref<1x640x128xf32, #tpu.memory_space<hbm>>
      %dma_wait3A_16 = tpu.memref_squeeze %dma_wait3A_15 : memref<1x640x128xf32, #tpu.memory_space<hbm>> -> memref<640x128xf32, #tpu.memory_space<hbm>>
      %dma_wait3A_17 = arith.constant 0 : i32
      %dma_wait3A_18 = tpu.memref_slice %arg10[%mul3A_10, %dma_wait3A_17] : memref<10240x128xf32, #tpu.memory_space<vmem_shared>> -> memref<640x128xf32, #tpu.memory_space<vmem_shared>>
      tpu.wait_dma2 semaphore(%run_scoped3A : memref<!tpu.dma_semaphore, #tpu.memory_space<semaphore_mem>>) src(%dma_wait3A_18 : memref<640x128xf32, #tpu.memory_space<vmem_shared>>) dst(%dma_wait3A_16 : memref<640x128xf32, #tpu.memory_space<hbm>>)
      tpu.yield
    }) : () -> ()
    return
  }
}

#map = affine_map<(d0, d1) -> (0, 0)>
#map1 = affine_map<(d0, d1) -> (0, 0, 0)>
module attributes {stable_mosaic.version = 14 : i64} {
  func.func @k(%arg0: i32, %arg1: i32, %arg2: memref<10240x128xf32, #tpu.memory_space<hbm>>, %arg3: memref<32x80x128xi32, #tpu.memory_space<hbm>>, %arg4: memref<32x80x128xi32, #tpu.memory_space<hbm>>, %arg5: memref<640x128xf32, #tpu.memory_space<hbm>>, %arg6: memref<2x10240x128xf32, #tpu.memory_space<hbm>>, %arg7: memref<80x128xi32, #tpu.memory_space<vmem>>, %arg8: memref<80x128xi32, #tpu.memory_space<vmem>>, %arg9: memref<128x128xf32, #tpu.memory_space<vmem>>, %arg10: memref<10240x128xf32, #tpu.memory_space<vmem_shared>>, %arg11: memref<!tpu.dma_semaphore, #tpu.memory_space<semaphore_mem>>) attributes {dimension_semantics = [#tpu.dimension_semantics<core_parallel>, #tpu.dimension_semantics<subcore_parallel>], iteration_bounds = array<i64: 2, 16>, scalar_prefetch = 0 : i64, scratch_operands = 5 : i64, tpu.core_type = #tpu.core_type<sc_vector_subcore>, window_params = [{transform_indices = #map}, {transform_indices = #map1}, {transform_indices = #map1}, {transform_indices = #map}, {transform_indices = #map1}]} {
    %mul3A = arith.constant 16 : i32
    %mul3A_0 = arith.muli %arg0, %mul3A : i32
    %add3A = arith.addi %mul3A_0, %arg1 : i32
    "tpu.region"() ({
      %run_scoped3A = tpu.sem_alloc : memref<!tpu.dma_semaphore, #tpu.memory_space<semaphore_mem>>
      %dma_start3A = arith.constant 0 : i32
      %dma_start3A_11 = arith.constant 0 : i32
      %dma_start3A_12 = tpu.memref_slice %arg3[%add3A, %dma_start3A, %dma_start3A_11] : memref<32x80x128xi32, #tpu.memory_space<hbm>> -> memref<1x80x128xi32, #tpu.memory_space<hbm>>
      %dma_start3A_13 = tpu.memref_squeeze %dma_start3A_12 : memref<1x80x128xi32, #tpu.memory_space<hbm>> -> memref<80x128xi32, #tpu.memory_space<hbm>>
      %dma_start3A_14 = arith.constant 0 : i32
      %dma_start3A_15 = arith.constant 0 : i32
      %dma_start3A_16 = tpu.memref_slice %arg3[%add3A, %dma_start3A_14, %dma_start3A_15] : memref<32x80x128xi32, #tpu.memory_space<hbm>> -> memref<1x80x128xi32, #tpu.memory_space<hbm>>
      %dma_start3A_17 = tpu.memref_squeeze %dma_start3A_16 : memref<1x80x128xi32, #tpu.memory_space<hbm>> -> memref<80x128xi32, #tpu.memory_space<hbm>>
      tpu.enqueue_dma source(%dma_start3A_17 : memref<80x128xi32, #tpu.memory_space<hbm>>) target(%arg7 : memref<80x128xi32, #tpu.memory_space<vmem>>) target_semaphore(%run_scoped3A : memref<!tpu.dma_semaphore, #tpu.memory_space<semaphore_mem>>)
      %dma_wait3A = arith.constant 0 : i32
      %dma_wait3A_18 = arith.constant 0 : i32
      %dma_wait3A_19 = tpu.memref_slice %arg3[%add3A, %dma_wait3A, %dma_wait3A_18] : memref<32x80x128xi32, #tpu.memory_space<hbm>> -> memref<1x80x128xi32, #tpu.memory_space<hbm>>
      %dma_wait3A_20 = tpu.memref_squeeze %dma_wait3A_19 : memref<1x80x128xi32, #tpu.memory_space<hbm>> -> memref<80x128xi32, #tpu.memory_space<hbm>>
      %dma_wait3A_21 = arith.constant 0 : i32
      %dma_wait3A_22 = arith.constant 0 : i32
      %dma_wait3A_23 = tpu.memref_slice %arg3[%add3A, %dma_wait3A_21, %dma_wait3A_22] : memref<32x80x128xi32, #tpu.memory_space<hbm>> -> memref<1x80x128xi32, #tpu.memory_space<hbm>>
      %dma_wait3A_24 = tpu.memref_squeeze %dma_wait3A_23 : memref<1x80x128xi32, #tpu.memory_space<hbm>> -> memref<80x128xi32, #tpu.memory_space<hbm>>
      tpu.wait_dma2 semaphore(%run_scoped3A : memref<!tpu.dma_semaphore, #tpu.memory_space<semaphore_mem>>) src(%dma_wait3A_24 : memref<80x128xi32, #tpu.memory_space<hbm>>) dst(%arg7 : memref<80x128xi32, #tpu.memory_space<vmem>>)
      tpu.yield
    }) : () -> ()
    "tpu.region"() ({
      %run_scoped3A = tpu.sem_alloc : memref<!tpu.dma_semaphore, #tpu.memory_space<semaphore_mem>>
      %dma_start3A = arith.constant 0 : i32
      %dma_start3A_11 = arith.constant 0 : i32
      %dma_start3A_12 = tpu.memref_slice %arg4[%add3A, %dma_start3A, %dma_start3A_11] : memref<32x80x128xi32, #tpu.memory_space<hbm>> -> memref<1x80x128xi32, #tpu.memory_space<hbm>>
      %dma_start3A_13 = tpu.memref_squeeze %dma_start3A_12 : memref<1x80x128xi32, #tpu.memory_space<hbm>> -> memref<80x128xi32, #tpu.memory_space<hbm>>
      %dma_start3A_14 = arith.constant 0 : i32
      %dma_start3A_15 = arith.constant 0 : i32
      %dma_start3A_16 = tpu.memref_slice %arg4[%add3A, %dma_start3A_14, %dma_start3A_15] : memref<32x80x128xi32, #tpu.memory_space<hbm>> -> memref<1x80x128xi32, #tpu.memory_space<hbm>>
      %dma_start3A_17 = tpu.memref_squeeze %dma_start3A_16 : memref<1x80x128xi32, #tpu.memory_space<hbm>> -> memref<80x128xi32, #tpu.memory_space<hbm>>
      tpu.enqueue_dma source(%dma_start3A_17 : memref<80x128xi32, #tpu.memory_space<hbm>>) target(%arg8 : memref<80x128xi32, #tpu.memory_space<vmem>>) target_semaphore(%run_scoped3A : memref<!tpu.dma_semaphore, #tpu.memory_space<semaphore_mem>>)
      %dma_wait3A = arith.constant 0 : i32
      %dma_wait3A_18 = arith.constant 0 : i32
      %dma_wait3A_19 = tpu.memref_slice %arg4[%add3A, %dma_wait3A, %dma_wait3A_18] : memref<32x80x128xi32, #tpu.memory_space<hbm>> -> memref<1x80x128xi32, #tpu.memory_space<hbm>>
      %dma_wait3A_20 = tpu.memref_squeeze %dma_wait3A_19 : memref<1x80x128xi32, #tpu.memory_space<hbm>> -> memref<80x128xi32, #tpu.memory_space<hbm>>
      %dma_wait3A_21 = arith.constant 0 : i32
      %dma_wait3A_22 = arith.constant 0 : i32
      %dma_wait3A_23 = tpu.memref_slice %arg4[%add3A, %dma_wait3A_21, %dma_wait3A_22] : memref<32x80x128xi32, #tpu.memory_space<hbm>> -> memref<1x80x128xi32, #tpu.memory_space<hbm>>
      %dma_wait3A_24 = tpu.memref_squeeze %dma_wait3A_23 : memref<1x80x128xi32, #tpu.memory_space<hbm>> -> memref<80x128xi32, #tpu.memory_space<hbm>>
      tpu.wait_dma2 semaphore(%run_scoped3A : memref<!tpu.dma_semaphore, #tpu.memory_space<semaphore_mem>>) src(%dma_wait3A_24 : memref<80x128xi32, #tpu.memory_space<hbm>>) dst(%arg8 : memref<80x128xi32, #tpu.memory_space<vmem>>)
      tpu.yield
    }) : () -> ()
    %mul3A_1 = arith.constant 640 : i32
    %mul3A_2 = arith.muli %arg1, %mul3A_1 : i32
    "tpu.region"() ({
      %run_scoped3A = tpu.sem_alloc : memref<!tpu.dma_semaphore, #tpu.memory_space<semaphore_mem>>
      %dma_start3A = arith.constant 0 : i32
      %dma_start3A_11 = tpu.memref_slice %arg10[%mul3A_2, %dma_start3A] : memref<10240x128xf32, #tpu.memory_space<vmem_shared>> -> memref<640x128xf32, #tpu.memory_space<vmem_shared>>
      tpu.enqueue_dma source(%arg5 : memref<640x128xf32, #tpu.memory_space<hbm>>) target(%dma_start3A_11 : memref<640x128xf32, #tpu.memory_space<vmem_shared>>) target_semaphore(%run_scoped3A : memref<!tpu.dma_semaphore, #tpu.memory_space<semaphore_mem>>)
      %dma_wait3A = arith.constant 0 : i32
      %dma_wait3A_12 = tpu.memref_slice %arg10[%mul3A_2, %dma_wait3A] : memref<10240x128xf32, #tpu.memory_space<vmem_shared>> -> memref<640x128xf32, #tpu.memory_space<vmem_shared>>
      tpu.wait_dma2 semaphore(%run_scoped3A : memref<!tpu.dma_semaphore, #tpu.memory_space<semaphore_mem>>) src(%arg5 : memref<640x128xf32, #tpu.memory_space<hbm>>) dst(%dma_wait3A_12 : memref<640x128xf32, #tpu.memory_space<vmem_shared>>)
      tpu.yield
    }) : () -> ()
    %barrier3A = arith.constant 0 : index
    tpu.barrier barrier_id(%barrier3A)
    %scan3A = arith.constant 0 : i32
    %scan3A_3 = arith.constant 0 : i32
    %scan3A_4 = arith.constant 80 : i32
    %scan3A_5 = arith.addi %scan3A_3, %scan3A_4 : i32
    %scan3A_6 = arith.constant 1 : i32
    scf.for %scan3A_11 = %scan3A_3 to %scan3A_5 step %scan3A_6  : i32 {
      %dma_start3A = arith.constant 0 : i32
      %dma_start3A_12 = tpu.memref_slice %arg7[%scan3A_11, %dma_start3A] : memref<80x128xi32, #tpu.memory_space<vmem>> -> memref<1x128xi32, #tpu.memory_space<vmem>>
      %dma_start3A_13 = tpu.memref_squeeze %dma_start3A_12 : memref<1x128xi32, #tpu.memory_space<vmem>> -> memref<128xi32, #tpu.memory_space<vmem>>
      %dma_start3A_14 = arith.constant 0 : i32
      %dma_start3A_15 = arith.constant 0 : i32
      %dma_start3A_16 = tpu.memref_slice %arg2[%dma_start3A_14, %dma_start3A_15] : memref<10240x128xf32, #tpu.memory_space<hbm>> -> memref<10240x128xf32, #tpu.memory_space<hbm>>
      tpu.enqueue_indirect_dma source(%dma_start3A_16 : memref<10240x128xf32, #tpu.memory_space<hbm>>) target(%arg9 : memref<128x128xf32, #tpu.memory_space<vmem>>) offsets(%dma_start3A_13 : memref<128xi32, #tpu.memory_space<vmem>>) semaphore(%arg11 : memref<!tpu.dma_semaphore, #tpu.memory_space<semaphore_mem>>)
      %dma_wait3A = arith.constant 0 : i32
      %dma_wait3A_17 = tpu.memref_slice %arg7[%scan3A_11, %dma_wait3A] : memref<80x128xi32, #tpu.memory_space<vmem>> -> memref<1x128xi32, #tpu.memory_space<vmem>>
      %dma_wait3A_18 = tpu.memref_squeeze %dma_wait3A_17 : memref<1x128xi32, #tpu.memory_space<vmem>> -> memref<128xi32, #tpu.memory_space<vmem>>
      %dma_wait3A_19 = arith.constant 0 : i32
      %dma_wait3A_20 = arith.constant 0 : i32
      %dma_wait3A_21 = tpu.memref_slice %arg2[%dma_wait3A_19, %dma_wait3A_20] : memref<10240x128xf32, #tpu.memory_space<hbm>> -> memref<10240x128xf32, #tpu.memory_space<hbm>>
      tpu.wait_indirect_dma semaphore(%arg11 : memref<!tpu.dma_semaphore, #tpu.memory_space<semaphore_mem>>) src(%dma_wait3A_21 : memref<10240x128xf32, #tpu.memory_space<hbm>>) dst(%arg9 : memref<128x128xf32, #tpu.memory_space<vmem>>)
      "tpu.region"() ({
        %run_scoped3A = tpu.sem_alloc : memref<!tpu.dma_semaphore, #tpu.memory_space<semaphore_mem>>
        %dma_start3A_22 = arith.constant 0 : i32
        %dma_start3A_23 = tpu.memref_slice %arg8[%scan3A_11, %dma_start3A_22] : memref<80x128xi32, #tpu.memory_space<vmem>> -> memref<1x128xi32, #tpu.memory_space<vmem>>
        %dma_start3A_24 = tpu.memref_squeeze %dma_start3A_23 : memref<1x128xi32, #tpu.memory_space<vmem>> -> memref<128xi32, #tpu.memory_space<vmem>>
        %dma_start3A_25 = arith.constant 0 : i32
        %dma_start3A_26 = arith.constant 0 : i32
        %dma_start3A_27 = tpu.memref_slice %arg10[%dma_start3A_25, %dma_start3A_26] : memref<10240x128xf32, #tpu.memory_space<vmem_shared>> -> memref<10240x128xf32, #tpu.memory_space<vmem_shared>>
        tpu.enqueue_indirect_dma source(%arg9 : memref<128x128xf32, #tpu.memory_space<vmem>>) target(%dma_start3A_27 : memref<10240x128xf32, #tpu.memory_space<vmem_shared>>) offsets(%dma_start3A_24 : memref<128xi32, #tpu.memory_space<vmem>>) semaphore(%run_scoped3A : memref<!tpu.dma_semaphore, #tpu.memory_space<semaphore_mem>>) {add = true}
        %dma_wait3A_28 = arith.constant 0 : i32
        %dma_wait3A_29 = tpu.memref_slice %arg8[%scan3A_11, %dma_wait3A_28] : memref<80x128xi32, #tpu.memory_space<vmem>> -> memref<1x128xi32, #tpu.memory_space<vmem>>
        %dma_wait3A_30 = tpu.memref_squeeze %dma_wait3A_29 : memref<1x128xi32, #tpu.memory_space<vmem>> -> memref<128xi32, #tpu.memory_space<vmem>>
        %dma_wait3A_31 = arith.constant 0 : i32
        %dma_wait3A_32 = arith.constant 0 : i32
        %dma_wait3A_33 = tpu.memref_slice %arg10[%dma_wait3A_31, %dma_wait3A_32] : memref<10240x128xf32, #tpu.memory_space<vmem_shared>> -> memref<10240x128xf32, #tpu.memory_space<vmem_shared>>
        tpu.wait_indirect_dma semaphore(%run_scoped3A : memref<!tpu.dma_semaphore, #tpu.memory_space<semaphore_mem>>) src(%arg9 : memref<128x128xf32, #tpu.memory_space<vmem>>) dst(%dma_wait3A_33 : memref<10240x128xf32, #tpu.memory_space<vmem_shared>>)
        tpu.yield
      }) : () -> ()
    }
    %scan3A_7 = arith.constant 80 : i32
    %barrier3A_8 = arith.constant 0 : index
    tpu.barrier barrier_id(%barrier3A_8)
    %mul3A_9 = arith.constant 640 : i32
    %mul3A_10 = arith.muli %arg1, %mul3A_9 : i32
    "tpu.region"() ({
      %run_scoped3A = tpu.sem_alloc : memref<!tpu.dma_semaphore, #tpu.memory_space<semaphore_mem>>
      %dma_start3A = arith.constant 0 : i32
      %dma_start3A_11 = tpu.memref_slice %arg6[%arg0, %mul3A_10, %dma_start3A] : memref<2x10240x128xf32, #tpu.memory_space<hbm>> -> memref<1x640x128xf32, #tpu.memory_space<hbm>>
      %dma_start3A_12 = tpu.memref_squeeze %dma_start3A_11 : memref<1x640x128xf32, #tpu.memory_space<hbm>> -> memref<640x128xf32, #tpu.memory_space<hbm>>
      %dma_start3A_13 = arith.constant 0 : i32
      %dma_start3A_14 = tpu.memref_slice %arg10[%mul3A_10, %dma_start3A_13] : memref<10240x128xf32, #tpu.memory_space<vmem_shared>> -> memref<640x128xf32, #tpu.memory_space<vmem_shared>>
      tpu.enqueue_dma source(%dma_start3A_14 : memref<640x128xf32, #tpu.memory_space<vmem_shared>>) target(%dma_start3A_12 : memref<640x128xf32, #tpu.memory_space<hbm>>) target_semaphore(%run_scoped3A : memref<!tpu.dma_semaphore, #tpu.memory_space<semaphore_mem>>)
      %dma_wait3A = arith.constant 0 : i32
      %dma_wait3A_15 = tpu.memref_slice %arg6[%arg0, %mul3A_10, %dma_wait3A] : memref<2x10240x128xf32, #tpu.memory_space<hbm>> -> memref<1x640x128xf32, #tpu.memory_space<hbm>>
      %dma_wait3A_16 = tpu.memref_squeeze %dma_wait3A_15 : memref<1x640x128xf32, #tpu.memory_space<hbm>> -> memref<640x128xf32, #tpu.memory_space<hbm>>
      %dma_wait3A_17 = arith.constant 0 : i32
      %dma_wait3A_18 = tpu.memref_slice %arg10[%mul3A_10, %dma_wait3A_17] : memref<10240x128xf32, #tpu.memory_space<vmem_shared>> -> memref<640x128xf32, #tpu.memory_space<vmem_shared>>
      tpu.wait_dma2 semaphore(%run_scoped3A : memref<!tpu.dma_semaphore, #tpu.memory_space<semaphore_mem>>) src(%dma_wait3A_18 : memref<640x128xf32, #tpu.memory_space<vmem_shared>>) dst(%dma_wait3A_16 : memref<640x128xf32, #tpu.memory_space<hbm>>)
      tpu.yield
    }) : () -> ()
    return
  }
}

module attributes {stable_mosaic.version = 14 : i64} {
  func.func @_frontend_body(%arg0: i32, %arg1: memref<512x8xf32, #tpu.memory_space<vmem>>, %arg2: memref<512x1xi32, #tpu.memory_space<vmem>>, %arg3: memref<512x1xi32, #tpu.memory_space<vmem>>, %arg4: memref<8x128xf32, #tpu.memory_space<vmem>>, %arg5: memref<1x128xf32, #tpu.memory_space<vmem>>, %arg6: memref<256x128xf32, #tpu.memory_space<vmem>>, %arg7: memref<256x128xf32, #tpu.memory_space<vmem>>, %arg8: memref<1x128xf32, #tpu.memory_space<vmem>>, %arg9: memref<512x128xf32, #tpu.memory_space<vmem>>, %arg10: memref<16x128xf32, #tpu.memory_space<vmem>>) attributes {dimension_semantics = [#tpu.dimension_semantics<arbitrary>], iteration_bounds = array<i64: 20>, scalar_prefetch = 0 : i64, scratch_operands = 0 : i64, tpu.core_type = #tpu.core_type<tc>, window_params = [{transform_indices = @transform_0, window_bounds = array<i64: 512, 8>}, {transform_indices = @transform_1, window_bounds = array<i64: 512, 1>}, {transform_indices = @transform_2, window_bounds = array<i64: 512, 1>}, {pipeline_mode = #tpu.pipeline_mode<synchronous>, transform_indices = @transform_3, window_bounds = array<i64: 8, 128>}, {pipeline_mode = #tpu.pipeline_mode<synchronous>, transform_indices = @transform_4, window_bounds = array<i64: 1, 128>}, {pipeline_mode = #tpu.pipeline_mode<synchronous>, transform_indices = @transform_5, window_bounds = array<i64: 256, 128>}, {pipeline_mode = #tpu.pipeline_mode<synchronous>, transform_indices = @transform_6, window_bounds = array<i64: 256, 128>}, {pipeline_mode = #tpu.pipeline_mode<synchronous>, transform_indices = @transform_7, window_bounds = array<i64: 1, 128>}, {transform_indices = @transform_8, window_bounds = array<i64: 512, 128>}, {pipeline_mode = #tpu.pipeline_mode<synchronous>, transform_indices = @transform_9, window_bounds = array<i64: 16, 128>}]} {
    %get3A = arith.constant 0 : index
    %get3A_0 = arith.constant 0 : index
    %get3A_1 = vector.load %arg1[%get3A, %get3A_0] : memref<512x8xf32, #tpu.memory_space<vmem>>, vector<512x8xf32>
    %get3A_2 = arith.constant 0 : index
    %get3A_3 = arith.constant 0 : index
    %get3A_4 = vector.load %arg4[%get3A_2, %get3A_3] : memref<8x128xf32, #tpu.memory_space<vmem>>, vector<8x128xf32>
    %dot_general3A = arith.constant dense<0.000000e+00> : vector<512x128xf32>
    %dot_general3A_5 = tpu.matmul %get3A_1, %get3A_4, %dot_general3A {dimension_numbers = #tpu.dot_dimension_numbers<[1], [0], [0], [1], [0, 0, 1, 1], [], []>, transpose_lhs_hint = false} : vector<512x8xf32>, vector<8x128xf32>, vector<512x128xf32> -> vector<512x128xf32>
    %get3A_6 = arith.constant 0 : index
    %get3A_7 = arith.constant 0 : index
    %get3A_8 = vector.load %arg5[%get3A_6, %get3A_7] : memref<1x128xf32, #tpu.memory_space<vmem>>, vector<1x128xf32>
    %add3A = vector.broadcast %get3A_8 : vector<1x128xf32> to vector<512x128xf32>
    %add3A_9 = arith.addf %dot_general3A_5, %add3A : vector<512x128xf32>
    %max3A = arith.constant 0.000000e+00 : f32
    %max3A_10 = vector.broadcast %max3A : f32 to vector<512x128xf32>
    %max3A_11 = arith.maximumf %add3A_9, %max3A_10 : vector<512x128xf32>
    %get3A_12 = arith.constant 0 : index
    %get3A_13 = arith.constant 0 : index
    %get3A_14 = vector.load %arg2[%get3A_12, %get3A_13] : memref<512x1xi32, #tpu.memory_space<vmem>>, vector<512x1xi32>
    %iota3A = tpu.iota {dimensions = array<i32: 1>} : vector<512x256xi32>
    %eq3A = vector.broadcast %get3A_14 : vector<512x1xi32> to vector<512x256xi32>
    %eq3A_15 = arith.cmpi eq, %eq3A, %iota3A : vector<512x256xi32>
    %convert_element_type3A = arith.extui %eq3A_15 : vector<512x256xi1> to vector<512x256xi32>
    %convert_element_type3A_16 = arith.sitofp %convert_element_type3A : vector<512x256xi32> to vector<512x256xf32>
    %get3A_17 = arith.constant 0 : index
    %get3A_18 = arith.constant 0 : index
    %get3A_19 = vector.load %arg6[%get3A_17, %get3A_18] : memref<256x128xf32, #tpu.memory_space<vmem>>, vector<256x128xf32>
    %dot_general3A_20 = arith.constant dense<0.000000e+00> : vector<512x128xf32>
    %dot_general3A_21 = tpu.matmul %convert_element_type3A_16, %get3A_19, %dot_general3A_20 {dimension_numbers = #tpu.dot_dimension_numbers<[1], [0], [0], [1], [0, 0, 1, 1], [], []>, transpose_lhs_hint = false} : vector<512x256xf32>, vector<256x128xf32>, vector<512x128xf32> -> vector<512x128xf32>
    %max3A_22 = arith.constant 0.000000e+00 : f32
    %max3A_23 = vector.broadcast %max3A_22 : f32 to vector<512x128xf32>
    %max3A_24 = arith.maximumf %dot_general3A_21, %max3A_23 : vector<512x128xf32>
    %get3A_25 = arith.constant 0 : index
    %get3A_26 = arith.constant 0 : index
    %get3A_27 = vector.load %arg7[%get3A_25, %get3A_26] : memref<256x128xf32, #tpu.memory_space<vmem>>, vector<128x128xf32>
    %dot_general3A_28 = arith.constant dense<0.000000e+00> : vector<512x128xf32>
    %dot_general3A_29 = tpu.matmul %max3A_11, %get3A_27, %dot_general3A_28 {dimension_numbers = #tpu.dot_dimension_numbers<[1], [0], [0], [1], [0, 0, 1, 1], [], []>, transpose_lhs_hint = false} : vector<512x128xf32>, vector<128x128xf32>, vector<512x128xf32> -> vector<512x128xf32>
    %get3A_30 = arith.constant 128 : index
    %get3A_31 = arith.constant 0 : index
    %get3A_32 = vector.load %arg7[%get3A_30, %get3A_31] : memref<256x128xf32, #tpu.memory_space<vmem>>, vector<128x128xf32>
    %dot_general3A_33 = arith.constant dense<0.000000e+00> : vector<512x128xf32>
    %dot_general3A_34 = tpu.matmul %max3A_24, %get3A_32, %dot_general3A_33 {dimension_numbers = #tpu.dot_dimension_numbers<[1], [0], [0], [1], [0, 0, 1, 1], [], []>, transpose_lhs_hint = false} : vector<512x128xf32>, vector<128x128xf32>, vector<512x128xf32> -> vector<512x128xf32>
    %add3A_35 = arith.addf %dot_general3A_29, %dot_general3A_34 : vector<512x128xf32>
    %get3A_36 = arith.constant 0 : index
    %get3A_37 = arith.constant 0 : index
    %get3A_38 = vector.load %arg8[%get3A_36, %get3A_37] : memref<1x128xf32, #tpu.memory_space<vmem>>, vector<1x128xf32>
    %add3A_39 = vector.broadcast %get3A_38 : vector<1x128xf32> to vector<512x128xf32>
    %add3A_40 = arith.addf %add3A_35, %add3A_39 : vector<512x128xf32>
    %max3A_41 = arith.constant 0.000000e+00 : f32
    %max3A_42 = vector.broadcast %max3A_41 : f32 to vector<512x128xf32>
    %max3A_43 = arith.maximumf %add3A_40, %max3A_42 : vector<512x128xf32>
    %swap3A = arith.constant 0 : index
    %swap3A_44 = arith.constant 0 : index
    %swap3A_45 = vector.load %arg9[%swap3A, %swap3A_44] : memref<512x128xf32, #tpu.memory_space<vmem>>, vector<512x128xf32>
    tpu.vector_store %arg9[%swap3A, %swap3A_44], %max3A_43 {strides = array<i32>} : memref<512x128xf32, #tpu.memory_space<vmem>>, vector<512x128xf32>,
    %get3A_46 = arith.constant 0 : index
    %get3A_47 = arith.constant 0 : index
    %get3A_48 = vector.load %arg3[%get3A_46, %get3A_47] : memref<512x1xi32, #tpu.memory_space<vmem>>, vector<512x1xi32>
    %eq3A_49 = arith.constant 0 : i32
    %eq3A_50 = vector.broadcast %eq3A_49 : i32 to vector<512x1xi32>
    %eq3A_51 = arith.cmpi eq, %get3A_48, %eq3A_50 : vector<512x1xi32>
    %jit3A = arith.constant 0xFF800000 : f32
    %broadcast_in_dim3A = vector.shape_cast %eq3A_51 : vector<512x1xi1> to vector<512x1xi1>
    %broadcast_in_dim3A_52 = vector.broadcast %broadcast_in_dim3A : vector<512x1xi1> to vector<512x128xi1>
    %broadcast_in_dim3A_53 = vector.broadcast %jit3A : f32 to vector<512x128xf32>
    %select_n3A = arith.select %broadcast_in_dim3A_52, %max3A_43, %broadcast_in_dim3A_53 : vector<512x128xi1>, vector<512x128xf32>
    %reduce_max3A = arith.constant dense<0xFF800000> : vector<128xf32>
    %reduce_max3A_54 = vector.multi_reduction <maximumf>, %select_n3A, %reduce_max3A [0] : vector<512x128xf32> to vector<128xf32>
    %eq3A_55 = arith.constant 1 : i32
    %eq3A_56 = vector.broadcast %eq3A_55 : i32 to vector<512x1xi32>
    %eq3A_57 = arith.cmpi eq, %get3A_48, %eq3A_56 : vector<512x1xi32>
    %jit3A_58 = arith.constant 0xFF800000 : f32
    %broadcast_in_dim3A_59 = vector.shape_cast %eq3A_57 : vector<512x1xi1> to vector<512x1xi1>
    %broadcast_in_dim3A_60 = vector.broadcast %broadcast_in_dim3A_59 : vector<512x1xi1> to vector<512x128xi1>
    %broadcast_in_dim3A_61 = vector.broadcast %jit3A_58 : f32 to vector<512x128xf32>
    %select_n3A_62 = arith.select %broadcast_in_dim3A_60, %max3A_43, %broadcast_in_dim3A_61 : vector<512x128xi1>, vector<512x128xf32>
    %reduce_max3A_63 = arith.constant dense<0xFF800000> : vector<128xf32>
    %reduce_max3A_64 = vector.multi_reduction <maximumf>, %select_n3A_62, %reduce_max3A_63 [0] : vector<512x128xf32> to vector<128xf32>
    %eq3A_65 = arith.constant 2 : i32
    %eq3A_66 = vector.broadcast %eq3A_65 : i32 to vector<512x1xi32>
    %eq3A_67 = arith.cmpi eq, %get3A_48, %eq3A_66 : vector<512x1xi32>
    %jit3A_68 = arith.constant 0xFF800000 : f32
    %broadcast_in_dim3A_69 = vector.shape_cast %eq3A_67 : vector<512x1xi1> to vector<512x1xi1>
    %broadcast_in_dim3A_70 = vector.broadcast %broadcast_in_dim3A_69 : vector<512x1xi1> to vector<512x128xi1>
    %broadcast_in_dim3A_71 = vector.broadcast %jit3A_68 : f32 to vector<512x128xf32>
    %select_n3A_72 = arith.select %broadcast_in_dim3A_70, %max3A_43, %broadcast_in_dim3A_71 : vector<512x128xi1>, vector<512x128xf32>
    %reduce_max3A_73 = arith.constant dense<0xFF800000> : vector<128xf32>
    %reduce_max3A_74 = vector.multi_reduction <maximumf>, %select_n3A_72, %reduce_max3A_73 [0] : vector<512x128xf32> to vector<128xf32>
    %eq3A_75 = arith.constant 3 : i32
    %eq3A_76 = vector.broadcast %eq3A_75 : i32 to vector<512x1xi32>
    %eq3A_77 = arith.cmpi eq, %get3A_48, %eq3A_76 : vector<512x1xi32>
    %jit3A_78 = arith.constant 0xFF800000 : f32
    %broadcast_in_dim3A_79 = vector.shape_cast %eq3A_77 : vector<512x1xi1> to vector<512x1xi1>
    %broadcast_in_dim3A_80 = vector.broadcast %broadcast_in_dim3A_79 : vector<512x1xi1> to vector<512x128xi1>
    %broadcast_in_dim3A_81 = vector.broadcast %jit3A_78 : f32 to vector<512x128xf32>
    %select_n3A_82 = arith.select %broadcast_in_dim3A_80, %max3A_43, %broadcast_in_dim3A_81 : vector<512x128xi1>, vector<512x128xf32>
    %reduce_max3A_83 = arith.constant dense<0xFF800000> : vector<128xf32>
    %reduce_max3A_84 = vector.multi_reduction <maximumf>, %select_n3A_82, %reduce_max3A_83 [0] : vector<512x128xf32> to vector<128xf32>
    %eq3A_85 = arith.constant 4 : i32
    %eq3A_86 = vector.broadcast %eq3A_85 : i32 to vector<512x1xi32>
    %eq3A_87 = arith.cmpi eq, %get3A_48, %eq3A_86 : vector<512x1xi32>
    %jit3A_88 = arith.constant 0xFF800000 : f32
    %broadcast_in_dim3A_89 = vector.shape_cast %eq3A_87 : vector<512x1xi1> to vector<512x1xi1>
    %broadcast_in_dim3A_90 = vector.broadcast %broadcast_in_dim3A_89 : vector<512x1xi1> to vector<512x128xi1>
    %broadcast_in_dim3A_91 = vector.broadcast %jit3A_88 : f32 to vector<512x128xf32>
    %select_n3A_92 = arith.select %broadcast_in_dim3A_90, %max3A_43, %broadcast_in_dim3A_91 : vector<512x128xi1>, vector<512x128xf32>
    %reduce_max3A_93 = arith.constant dense<0xFF800000> : vector<128xf32>
    %reduce_max3A_94 = vector.multi_reduction <maximumf>, %select_n3A_92, %reduce_max3A_93 [0] : vector<512x128xf32> to vector<128xf32>
    %eq3A_95 = arith.constant 5 : i32
    %eq3A_96 = vector.broadcast %eq3A_95 : i32 to vector<512x1xi32>
    %eq3A_97 = arith.cmpi eq, %get3A_48, %eq3A_96 : vector<512x1xi32>
    %jit3A_98 = arith.constant 0xFF800000 : f32
    %broadcast_in_dim3A_99 = vector.shape_cast %eq3A_97 : vector<512x1xi1> to vector<512x1xi1>
    %broadcast_in_dim3A_100 = vector.broadcast %broadcast_in_dim3A_99 : vector<512x1xi1> to vector<512x128xi1>
    %broadcast_in_dim3A_101 = vector.broadcast %jit3A_98 : f32 to vector<512x128xf32>
    %select_n3A_102 = arith.select %broadcast_in_dim3A_100, %max3A_43, %broadcast_in_dim3A_101 : vector<512x128xi1>, vector<512x128xf32>
    %reduce_max3A_103 = arith.constant dense<0xFF800000> : vector<128xf32>
    %reduce_max3A_104 = vector.multi_reduction <maximumf>, %select_n3A_102, %reduce_max3A_103 [0] : vector<512x128xf32> to vector<128xf32>
    %eq3A_105 = arith.constant 6 : i32
    %eq3A_106 = vector.broadcast %eq3A_105 : i32 to vector<512x1xi32>
    %eq3A_107 = arith.cmpi eq, %get3A_48, %eq3A_106 : vector<512x1xi32>
    %jit3A_108 = arith.constant 0xFF800000 : f32
    %broadcast_in_dim3A_109 = vector.shape_cast %eq3A_107 : vector<512x1xi1> to vector<512x1xi1>
    %broadcast_in_dim3A_110 = vector.broadcast %broadcast_in_dim3A_109 : vector<512x1xi1> to vector<512x128xi1>
    %broadcast_in_dim3A_111 = vector.broadcast %jit3A_108 : f32 to vector<512x128xf32>
    %select_n3A_112 = arith.select %broadcast_in_dim3A_110, %max3A_43, %broadcast_in_dim3A_111 : vector<512x128xi1>, vector<512x128xf32>
    %reduce_max3A_113 = arith.constant dense<0xFF800000> : vector<128xf32>
    %reduce_max3A_114 = vector.multi_reduction <maximumf>, %select_n3A_112, %reduce_max3A_113 [0] : vector<512x128xf32> to vector<128xf32>
    %eq3A_115 = arith.constant 7 : i32
    %eq3A_116 = vector.broadcast %eq3A_115 : i32 to vector<512x1xi32>
    %eq3A_117 = arith.cmpi eq, %get3A_48, %eq3A_116 : vector<512x1xi32>
    %jit3A_118 = arith.constant 0xFF800000 : f32
    %broadcast_in_dim3A_119 = vector.shape_cast %eq3A_117 : vector<512x1xi1> to vector<512x1xi1>
    %broadcast_in_dim3A_120 = vector.broadcast %broadcast_in_dim3A_119 : vector<512x1xi1> to vector<512x128xi1>
    %broadcast_in_dim3A_121 = vector.broadcast %jit3A_118 : f32 to vector<512x128xf32>
    %select_n3A_122 = arith.select %broadcast_in_dim3A_120, %max3A_43, %broadcast_in_dim3A_121 : vector<512x128xi1>, vector<512x128xf32>
    %reduce_max3A_123 = arith.constant dense<0xFF800000> : vector<128xf32>
    %reduce_max3A_124 = vector.multi_reduction <maximumf>, %select_n3A_122, %reduce_max3A_123 [0] : vector<512x128xf32> to vector<128xf32>
    %eq3A_125 = arith.constant 8 : i32
    %eq3A_126 = vector.broadcast %eq3A_125 : i32 to vector<512x1xi32>
    %eq3A_127 = arith.cmpi eq, %get3A_48, %eq3A_126 : vector<512x1xi32>
    %jit3A_128 = arith.constant 0xFF800000 : f32
    %broadcast_in_dim3A_129 = vector.shape_cast %eq3A_127 : vector<512x1xi1> to vector<512x1xi1>
    %broadcast_in_dim3A_130 = vector.broadcast %broadcast_in_dim3A_129 : vector<512x1xi1> to vector<512x128xi1>
    %broadcast_in_dim3A_131 = vector.broadcast %jit3A_128 : f32 to vector<512x128xf32>
    %select_n3A_132 = arith.select %broadcast_in_dim3A_130, %max3A_43, %broadcast_in_dim3A_131 : vector<512x128xi1>, vector<512x128xf32>
    %reduce_max3A_133 = arith.constant dense<0xFF800000> : vector<128xf32>
    %reduce_max3A_134 = vector.multi_reduction <maximumf>, %select_n3A_132, %reduce_max3A_133 [0] : vector<512x128xf32> to vector<128xf32>
    %eq3A_135 = arith.constant 9 : i32
    %eq3A_136 = vector.broadcast %eq3A_135 : i32 to vector<512x1xi32>
    %eq3A_137 = arith.cmpi eq, %get3A_48, %eq3A_136 : vector<512x1xi32>
    %jit3A_138 = arith.constant 0xFF800000 : f32
    %broadcast_in_dim3A_139 = vector.shape_cast %eq3A_137 : vector<512x1xi1> to vector<512x1xi1>
    %broadcast_in_dim3A_140 = vector.broadcast %broadcast_in_dim3A_139 : vector<512x1xi1> to vector<512x128xi1>
    %broadcast_in_dim3A_141 = vector.broadcast %jit3A_138 : f32 to vector<512x128xf32>
    %select_n3A_142 = arith.select %broadcast_in_dim3A_140, %max3A_43, %broadcast_in_dim3A_141 : vector<512x128xi1>, vector<512x128xf32>
    %reduce_max3A_143 = arith.constant dense<0xFF800000> : vector<128xf32>
    %reduce_max3A_144 = vector.multi_reduction <maximumf>, %select_n3A_142, %reduce_max3A_143 [0] : vector<512x128xf32> to vector<128xf32>
    %eq3A_145 = arith.constant 10 : i32
    %eq3A_146 = vector.broadcast %eq3A_145 : i32 to vector<512x1xi32>
    %eq3A_147 = arith.cmpi eq, %get3A_48, %eq3A_146 : vector<512x1xi32>
    %jit3A_148 = arith.constant 0xFF800000 : f32
    %broadcast_in_dim3A_149 = vector.shape_cast %eq3A_147 : vector<512x1xi1> to vector<512x1xi1>
    %broadcast_in_dim3A_150 = vector.broadcast %broadcast_in_dim3A_149 : vector<512x1xi1> to vector<512x128xi1>
    %broadcast_in_dim3A_151 = vector.broadcast %jit3A_148 : f32 to vector<512x128xf32>
    %select_n3A_152 = arith.select %broadcast_in_dim3A_150, %max3A_43, %broadcast_in_dim3A_151 : vector<512x128xi1>, vector<512x128xf32>
    %reduce_max3A_153 = arith.constant dense<0xFF800000> : vector<128xf32>
    %reduce_max3A_154 = vector.multi_reduction <maximumf>, %select_n3A_152, %reduce_max3A_153 [0] : vector<512x128xf32> to vector<128xf32>
    %eq3A_155 = arith.constant 11 : i32
    %eq3A_156 = vector.broadcast %eq3A_155 : i32 to vector<512x1xi32>
    %eq3A_157 = arith.cmpi eq, %get3A_48, %eq3A_156 : vector<512x1xi32>
    %jit3A_158 = arith.constant 0xFF800000 : f32
    %broadcast_in_dim3A_159 = vector.shape_cast %eq3A_157 : vector<512x1xi1> to vector<512x1xi1>
    %broadcast_in_dim3A_160 = vector.broadcast %broadcast_in_dim3A_159 : vector<512x1xi1> to vector<512x128xi1>
    %broadcast_in_dim3A_161 = vector.broadcast %jit3A_158 : f32 to vector<512x128xf32>
    %select_n3A_162 = arith.select %broadcast_in_dim3A_160, %max3A_43, %broadcast_in_dim3A_161 : vector<512x128xi1>, vector<512x128xf32>
    %reduce_max3A_163 = arith.constant dense<0xFF800000> : vector<128xf32>
    %reduce_max3A_164 = vector.multi_reduction <maximumf>, %select_n3A_162, %reduce_max3A_163 [0] : vector<512x128xf32> to vector<128xf32>
    %eq3A_165 = arith.constant 12 : i32
    %eq3A_166 = vector.broadcast %eq3A_165 : i32 to vector<512x1xi32>
    %eq3A_167 = arith.cmpi eq, %get3A_48, %eq3A_166 : vector<512x1xi32>
    %jit3A_168 = arith.constant 0xFF800000 : f32
    %broadcast_in_dim3A_169 = vector.shape_cast %eq3A_167 : vector<512x1xi1> to vector<512x1xi1>
    %broadcast_in_dim3A_170 = vector.broadcast %broadcast_in_dim3A_169 : vector<512x1xi1> to vector<512x128xi1>
    %broadcast_in_dim3A_171 = vector.broadcast %jit3A_168 : f32 to vector<512x128xf32>
    %select_n3A_172 = arith.select %broadcast_in_dim3A_170, %max3A_43, %broadcast_in_dim3A_171 : vector<512x128xi1>, vector<512x128xf32>
    %reduce_max3A_173 = arith.constant dense<0xFF800000> : vector<128xf32>
    %reduce_max3A_174 = vector.multi_reduction <maximumf>, %select_n3A_172, %reduce_max3A_173 [0] : vector<512x128xf32> to vector<128xf32>
    %eq3A_175 = arith.constant 13 : i32
    %eq3A_176 = vector.broadcast %eq3A_175 : i32 to vector<512x1xi32>
    %eq3A_177 = arith.cmpi eq, %get3A_48, %eq3A_176 : vector<512x1xi32>
    %jit3A_178 = arith.constant 0xFF800000 : f32
    %broadcast_in_dim3A_179 = vector.shape_cast %eq3A_177 : vector<512x1xi1> to vector<512x1xi1>
    %broadcast_in_dim3A_180 = vector.broadcast %broadcast_in_dim3A_179 : vector<512x1xi1> to vector<512x128xi1>
    %broadcast_in_dim3A_181 = vector.broadcast %jit3A_178 : f32 to vector<512x128xf32>
    %select_n3A_182 = arith.select %broadcast_in_dim3A_180, %max3A_43, %broadcast_in_dim3A_181 : vector<512x128xi1>, vector<512x128xf32>
    %reduce_max3A_183 = arith.constant dense<0xFF800000> : vector<128xf32>
    %reduce_max3A_184 = vector.multi_reduction <maximumf>, %select_n3A_182, %reduce_max3A_183 [0] : vector<512x128xf32> to vector<128xf32>
    %eq3A_185 = arith.constant 14 : i32
    %eq3A_186 = vector.broadcast %eq3A_185 : i32 to vector<512x1xi32>
    %eq3A_187 = arith.cmpi eq, %get3A_48, %eq3A_186 : vector<512x1xi32>
    %jit3A_188 = arith.constant 0xFF800000 : f32
    %broadcast_in_dim3A_189 = vector.shape_cast %eq3A_187 : vector<512x1xi1> to vector<512x1xi1>
    %broadcast_in_dim3A_190 = vector.broadcast %broadcast_in_dim3A_189 : vector<512x1xi1> to vector<512x128xi1>
    %broadcast_in_dim3A_191 = vector.broadcast %jit3A_188 : f32 to vector<512x128xf32>
    %select_n3A_192 = arith.select %broadcast_in_dim3A_190, %max3A_43, %broadcast_in_dim3A_191 : vector<512x128xi1>, vector<512x128xf32>
    %reduce_max3A_193 = arith.constant dense<0xFF800000> : vector<128xf32>
    %reduce_max3A_194 = vector.multi_reduction <maximumf>, %select_n3A_192, %reduce_max3A_193 [0] : vector<512x128xf32> to vector<128xf32>
    %eq3A_195 = arith.constant 15 : i32
    %eq3A_196 = vector.broadcast %eq3A_195 : i32 to vector<512x1xi32>
    %eq3A_197 = arith.cmpi eq, %get3A_48, %eq3A_196 : vector<512x1xi32>
    %jit3A_198 = arith.constant 0xFF800000 : f32
    %broadcast_in_dim3A_199 = vector.shape_cast %eq3A_197 : vector<512x1xi1> to vector<512x1xi1>
    %broadcast_in_dim3A_200 = vector.broadcast %broadcast_in_dim3A_199 : vector<512x1xi1> to vector<512x128xi1>
    %broadcast_in_dim3A_201 = vector.broadcast %jit3A_198 : f32 to vector<512x128xf32>
    %select_n3A_202 = arith.select %broadcast_in_dim3A_200, %max3A_43, %broadcast_in_dim3A_201 : vector<512x128xi1>, vector<512x128xf32>
    %reduce_max3A_203 = arith.constant dense<0xFF800000> : vector<128xf32>
    %reduce_max3A_204 = vector.multi_reduction <maximumf>, %select_n3A_202, %reduce_max3A_203 [0] : vector<512x128xf32> to vector<128xf32>
    %stack3A = vector.shape_cast %reduce_max3A_54 : vector<128xf32> to vector<1x128xf32>
    %stack3A_205 = vector.shape_cast %reduce_max3A_64 : vector<128xf32> to vector<1x128xf32>
    %stack3A_206 = vector.shape_cast %reduce_max3A_74 : vector<128xf32> to vector<1x128xf32>
    %stack3A_207 = vector.shape_cast %reduce_max3A_84 : vector<128xf32> to vector<1x128xf32>
    %stack3A_208 = vector.shape_cast %reduce_max3A_94 : vector<128xf32> to vector<1x128xf32>
    %stack3A_209 = vector.shape_cast %reduce_max3A_104 : vector<128xf32> to vector<1x128xf32>
    %stack3A_210 = vector.shape_cast %reduce_max3A_114 : vector<128xf32> to vector<1x128xf32>
    %stack3A_211 = vector.shape_cast %reduce_max3A_124 : vector<128xf32> to vector<1x128xf32>
    %stack3A_212 = vector.shape_cast %reduce_max3A_134 : vector<128xf32> to vector<1x128xf32>
    %stack3A_213 = vector.shape_cast %reduce_max3A_144 : vector<128xf32> to vector<1x128xf32>
    %stack3A_214 = vector.shape_cast %reduce_max3A_154 : vector<128xf32> to vector<1x128xf32>
    %stack3A_215 = vector.shape_cast %reduce_max3A_164 : vector<128xf32> to vector<1x128xf32>
    %stack3A_216 = vector.shape_cast %reduce_max3A_174 : vector<128xf32> to vector<1x128xf32>
    %stack3A_217 = vector.shape_cast %reduce_max3A_184 : vector<128xf32> to vector<1x128xf32>
    %stack3A_218 = vector.shape_cast %reduce_max3A_194 : vector<128xf32> to vector<1x128xf32>
    %stack3A_219 = vector.shape_cast %reduce_max3A_204 : vector<128xf32> to vector<1x128xf32>
    %stack3A_220 = tpu.concatenate %stack3A, %stack3A_205, %stack3A_206, %stack3A_207, %stack3A_208, %stack3A_209, %stack3A_210, %stack3A_211, %stack3A_212, %stack3A_213, %stack3A_214, %stack3A_215, %stack3A_216, %stack3A_217, %stack3A_218, %stack3A_219 in 0 : vector<1x128xf32>, vector<1x128xf32>, vector<1x128xf32>, vector<1x128xf32>, vector<1x128xf32>, vector<1x128xf32>, vector<1x128xf32>, vector<1x128xf32>, vector<1x128xf32>, vector<1x128xf32>, vector<1x128xf32>, vector<1x128xf32>, vector<1x128xf32>, vector<1x128xf32>, vector<1x128xf32>, vector<1x128xf32> -> vector<16x128xf32>
    %eq3A_221 = arith.constant 0 : i32
    %eq3A_222 = arith.cmpi eq, %arg0, %eq3A_221 : i32
    %convert_element_type3A_223 = arith.extui %eq3A_222 : i1 to i32
    %cond3A = arith.constant 0 : i32
    %cond3A_224 = arith.cmpi ne, %convert_element_type3A_223, %cond3A : i32
    scf.if %cond3A_224 {
      %swap3A_229 = arith.constant 0 : index
      %swap3A_230 = arith.constant 0 : index
      %swap3A_231 = vector.load %arg10[%swap3A_229, %swap3A_230] : memref<16x128xf32, #tpu.memory_space<vmem>>, vector<16x128xf32>
      tpu.vector_store %arg10[%swap3A_229, %swap3A_230], %stack3A_220 {strides = array<i32>} : memref<16x128xf32, #tpu.memory_space<vmem>>, vector<16x128xf32>,
    } else {
    }
    %gt3A = arith.constant 0 : i32
    %gt3A_225 = arith.cmpi sgt, %arg0, %gt3A : i32
    %convert_element_type3A_226 = arith.extui %gt3A_225 : i1 to i32
    %cond3A_227 = arith.constant 0 : i32
    %cond3A_228 = arith.cmpi ne, %convert_element_type3A_226, %cond3A_227 : i32
    scf.if %cond3A_228 {
      %get3A_229 = arith.constant 0 : index
      %get3A_230 = arith.constant 0 : index
      %get3A_231 = vector.load %arg10[%get3A_229, %get3A_230] : memref<16x128xf32, #tpu.memory_space<vmem>>, vector<16x128xf32>
      %max3A_232 = arith.maximumf %get3A_231, %stack3A_220 : vector<16x128xf32>
      %swap3A_233 = arith.constant 0 : index
      %swap3A_234 = arith.constant 0 : index
      %swap3A_235 = vector.load %arg10[%swap3A_233, %swap3A_234] : memref<16x128xf32, #tpu.memory_space<vmem>>, vector<16x128xf32>
      tpu.vector_store %arg10[%swap3A_233, %swap3A_234], %max3A_232 {strides = array<i32>} : memref<16x128xf32, #tpu.memory_space<vmem>>, vector<16x128xf32>,
    } else {
    }
    return
  }
  func.func @transform_0(%arg0: i32) -> (i32, i32) {
    %c0_i32 = arith.constant 0 : i32
    %c0_i32_0 = arith.constant 0 : i32
    return %arg0, %c0_i32 : i32, i32
  }
  func.func @transform_1(%arg0: i32) -> (i32, i32) {
    %c0_i32 = arith.constant 0 : i32
    %c0_i32_0 = arith.constant 0 : i32
    return %arg0, %c0_i32 : i32, i32
  }
  func.func @transform_2(%arg0: i32) -> (i32, i32) {
    %c0_i32 = arith.constant 0 : i32
    %c0_i32_0 = arith.constant 0 : i32
    return %arg0, %c0_i32 : i32, i32
  }
  func.func @transform_3(%arg0: i32) -> (i32, i32) {
    %c0_i32 = arith.constant 0 : i32
    %c0_i32_0 = arith.constant 0 : i32
    %c0_i32_1 = arith.constant 0 : i32
    return %c0_i32, %c0_i32_0 : i32, i32
  }
  func.func @transform_4(%arg0: i32) -> (i32, i32) {
    %c0_i32 = arith.constant 0 : i32
    %c0_i32_0 = arith.constant 0 : i32
    %c0_i32_1 = arith.constant 0 : i32
    return %c0_i32, %c0_i32_0 : i32, i32
  }
  func.func @transform_5(%arg0: i32) -> (i32, i32) {
    %c0_i32 = arith.constant 0 : i32
    %c0_i32_0 = arith.constant 0 : i32
    %c0_i32_1 = arith.constant 0 : i32
    return %c0_i32, %c0_i32_0 : i32, i32
  }
  func.func @transform_6(%arg0: i32) -> (i32, i32) {
    %c0_i32 = arith.constant 0 : i32
    %c0_i32_0 = arith.constant 0 : i32
    %c0_i32_1 = arith.constant 0 : i32
    return %c0_i32, %c0_i32_0 : i32, i32
  }
  func.func @transform_7(%arg0: i32) -> (i32, i32) {
    %c0_i32 = arith.constant 0 : i32
    %c0_i32_0 = arith.constant 0 : i32
    %c0_i32_1 = arith.constant 0 : i32
    return %c0_i32, %c0_i32_0 : i32, i32
  }
  func.func @transform_8(%arg0: i32) -> (i32, i32) {
    %c0_i32 = arith.constant 0 : i32
    %c0_i32_0 = arith.constant 0 : i32
    return %arg0, %c0_i32 : i32, i32
  }
  func.func @transform_9(%arg0: i32) -> (i32, i32) {
    %c0_i32 = arith.constant 0 : i32
    %c0_i32_0 = arith.constant 0 : i32
    %c0_i32_1 = arith.constant 0 : i32
    return %c0_i32, %c0_i32_0 : i32, i32
  }
}

module attributes {stable_mosaic.version = 14 : i64} {
  func.func @_prescale_body(%arg0: i32, %arg1: memref<2x512x8xf32, #tpu.memory_space<vmem>>, %arg2: memref<512x128xf32, #tpu.memory_space<vmem>>, %arg3: memref<128x128xf32, #tpu.memory_space<vmem>>, %arg4: memref<512x128xf32, #tpu.memory_space<vmem>>, %arg5: memref<512x1xf32, #tpu.memory_space<vmem>>) attributes {dimension_semantics = [#tpu.dimension_semantics<arbitrary>], iteration_bounds = array<i64: 20>, scalar_prefetch = 0 : i64, scratch_operands = 0 : i64, tpu.core_type = #tpu.core_type<tc>, window_params = [{transform_indices = @transform_0, window_bounds = array<i64: 2, 512, 8>}, {transform_indices = @transform_1, window_bounds = array<i64: 512, 128>}, {pipeline_mode = #tpu.pipeline_mode<synchronous>, transform_indices = @transform_2, window_bounds = array<i64: 128, 128>}, {transform_indices = @transform_3, window_bounds = array<i64: 512, 128>}, {transform_indices = @transform_4, window_bounds = array<i64: 512, 1>}]} {
    %get3A = arith.constant 0 : index
    %get3A_0 = arith.constant 0 : index
    %get3A_1 = arith.constant 0 : index
    %get3A_2 = vector.load %arg1[%get3A, %get3A_0, %get3A_1] : memref<2x512x8xf32, #tpu.memory_space<vmem>>, vector<1x512x1xf32>
    %get3A_3 = vector.shape_cast %get3A_2 : vector<1x512x1xf32> to vector<512x1xf32>
    %get3A_4 = arith.constant 1 : index
    %get3A_5 = arith.constant 0 : index
    %get3A_6 = arith.constant 0 : index
    %get3A_7 = vector.load %arg1[%get3A_4, %get3A_5, %get3A_6] : memref<2x512x8xf32, #tpu.memory_space<vmem>>, vector<1x512x1xf32>
    %get3A_8 = vector.shape_cast %get3A_7 : vector<1x512x1xf32> to vector<512x1xf32>
    %add3A = arith.addf %get3A_3, %get3A_8 : vector<512x1xf32>
    %add3A_9 = arith.constant 1.000000e+00 : f32
    %add3A_10 = vector.broadcast %add3A_9 : f32 to vector<512x1xf32>
    %add3A_11 = arith.addf %add3A, %add3A_10 : vector<512x1xf32>
    %rsqrt3A = math.rsqrt %add3A_11 : vector<512x1xf32>
    %get3A_12 = arith.constant 0 : index
    %get3A_13 = arith.constant 0 : index
    %get3A_14 = vector.load %arg2[%get3A_12, %get3A_13] : memref<512x128xf32, #tpu.memory_space<vmem>>, vector<512x128xf32>
    %get3A_15 = arith.constant 0 : index
    %get3A_16 = arith.constant 0 : index
    %get3A_17 = vector.load %arg3[%get3A_15, %get3A_16] : memref<128x128xf32, #tpu.memory_space<vmem>>, vector<128x128xf32>
    %dot_general3A = arith.constant dense<0.000000e+00> : vector<512x128xf32>
    %dot_general3A_18 = tpu.matmul %get3A_14, %get3A_17, %dot_general3A {dimension_numbers = #tpu.dot_dimension_numbers<[1], [0], [0], [1], [0, 0, 1, 1], [], []>, transpose_lhs_hint = false} : vector<512x128xf32>, vector<128x128xf32>, vector<512x128xf32> -> vector<512x128xf32>
    %mul3A = vector.broadcast %rsqrt3A : vector<512x1xf32> to vector<512x128xf32>
    %mul3A_19 = arith.mulf %dot_general3A_18, %mul3A : vector<512x128xf32>
    %swap3A = arith.constant 0 : index
    %swap3A_20 = arith.constant 0 : index
    %swap3A_21 = vector.load %arg4[%swap3A, %swap3A_20] : memref<512x128xf32, #tpu.memory_space<vmem>>, vector<512x128xf32>
    tpu.vector_store %arg4[%swap3A, %swap3A_20], %mul3A_19 {strides = array<i32>} : memref<512x128xf32, #tpu.memory_space<vmem>>, vector<512x128xf32>,
    %swap3A_22 = arith.constant 0 : index
    %swap3A_23 = arith.constant 0 : index
    %swap3A_24 = vector.load %arg5[%swap3A_22, %swap3A_23] : memref<512x1xf32, #tpu.memory_space<vmem>>, vector<512x1xf32>
    tpu.vector_store %arg5[%swap3A_22, %swap3A_23], %rsqrt3A {strides = array<i32>} : memref<512x1xf32, #tpu.memory_space<vmem>>, vector<512x1xf32>,
    return
  }
  func.func @transform_0(%arg0: i32) -> (i32, i32, i32) {
    %c0_i32 = arith.constant 0 : i32
    %c0_i32_0 = arith.constant 0 : i32
    %c0_i32_1 = arith.constant 0 : i32
    return %c0_i32, %arg0, %c0_i32_0 : i32, i32, i32
  }
  func.func @transform_1(%arg0: i32) -> (i32, i32) {
    %c0_i32 = arith.constant 0 : i32
    %c0_i32_0 = arith.constant 0 : i32
    return %arg0, %c0_i32 : i32, i32
  }
  func.func @transform_2(%arg0: i32) -> (i32, i32) {
    %c0_i32 = arith.constant 0 : i32
    %c0_i32_0 = arith.constant 0 : i32
    %c0_i32_1 = arith.constant 0 : i32
    return %c0_i32, %c0_i32_0 : i32, i32
  }
  func.func @transform_3(%arg0: i32) -> (i32, i32) {
    %c0_i32 = arith.constant 0 : i32
    %c0_i32_0 = arith.constant 0 : i32
    return %arg0, %c0_i32 : i32, i32
  }
  func.func @transform_4(%arg0: i32) -> (i32, i32) {
    %c0_i32 = arith.constant 0 : i32
    %c0_i32_0 = arith.constant 0 : i32
    return %arg0, %c0_i32 : i32, i32
  }
}

module attributes {stable_mosaic.version = 14 : i64} {
  func.func @_combine_body(%arg0: i32, %arg1: memref<2x512x128xf32, #tpu.memory_space<vmem>>, %arg2: memref<512x128xf32, #tpu.memory_space<vmem>>, %arg3: memref<512x1xf32, #tpu.memory_space<vmem>>, %arg4: memref<1x128xf32, #tpu.memory_space<vmem>>, %arg5: memref<128x128xf32, #tpu.memory_space<vmem>>, %arg6: memref<512x1xi32, #tpu.memory_space<vmem>>, %arg7: memref<512x128xf32, #tpu.memory_space<vmem>>, %arg8: memref<16x128xf32, #tpu.memory_space<vmem>>) attributes {dimension_semantics = [#tpu.dimension_semantics<arbitrary>], iteration_bounds = array<i64: 20>, scalar_prefetch = 0 : i64, scratch_operands = 0 : i64, tpu.core_type = #tpu.core_type<tc>, window_params = [{transform_indices = @transform_0, window_bounds = array<i64: 2, 512, 128>}, {transform_indices = @transform_1, window_bounds = array<i64: 512, 128>}, {transform_indices = @transform_2, window_bounds = array<i64: 512, 1>}, {pipeline_mode = #tpu.pipeline_mode<synchronous>, transform_indices = @transform_3, window_bounds = array<i64: 1, 128>}, {pipeline_mode = #tpu.pipeline_mode<synchronous>, transform_indices = @transform_4, window_bounds = array<i64: 128, 128>}, {transform_indices = @transform_5, window_bounds = array<i64: 512, 1>}, {transform_indices = @transform_6, window_bounds = array<i64: 512, 128>}, {pipeline_mode = #tpu.pipeline_mode<synchronous>, transform_indices = @transform_7, window_bounds = array<i64: 16, 128>}]} {
    %get3A = arith.constant 0 : index
    %get3A_0 = arith.constant 0 : index
    %get3A_1 = arith.constant 0 : index
    %get3A_2 = vector.load %arg1[%get3A, %get3A_0, %get3A_1] : memref<2x512x128xf32, #tpu.memory_space<vmem>>, vector<1x512x128xf32>
    %get3A_3 = vector.shape_cast %get3A_2 : vector<1x512x128xf32> to vector<512x128xf32>
    %get3A_4 = arith.constant 1 : index
    %get3A_5 = arith.constant 0 : index
    %get3A_6 = arith.constant 0 : index
    %get3A_7 = vector.load %arg1[%get3A_4, %get3A_5, %get3A_6] : memref<2x512x128xf32, #tpu.memory_space<vmem>>, vector<1x512x128xf32>
    %get3A_8 = vector.shape_cast %get3A_7 : vector<1x512x128xf32> to vector<512x128xf32>
    %add3A = arith.addf %get3A_3, %get3A_8 : vector<512x128xf32>
    %get3A_9 = arith.constant 0 : index
    %get3A_10 = arith.constant 0 : index
    %get3A_11 = vector.load %arg2[%get3A_9, %get3A_10] : memref<512x128xf32, #tpu.memory_space<vmem>>, vector<512x128xf32>
    %add3A_12 = arith.addf %add3A, %get3A_11 : vector<512x128xf32>
    %get3A_13 = arith.constant 0 : index
    %get3A_14 = arith.constant 0 : index
    %get3A_15 = vector.load %arg3[%get3A_13, %get3A_14] : memref<512x1xf32, #tpu.memory_space<vmem>>, vector<512x1xf32>
    %mul3A = vector.broadcast %get3A_15 : vector<512x1xf32> to vector<512x128xf32>
    %mul3A_16 = arith.mulf %mul3A, %add3A_12 : vector<512x128xf32>
    %get3A_17 = arith.constant 0 : index
    %get3A_18 = arith.constant 0 : index
    %get3A_19 = vector.load %arg4[%get3A_17, %get3A_18] : memref<1x128xf32, #tpu.memory_space<vmem>>, vector<1x128xf32>
    %add3A_20 = vector.broadcast %get3A_19 : vector<1x128xf32> to vector<512x128xf32>
    %add3A_21 = arith.addf %mul3A_16, %add3A_20 : vector<512x128xf32>
    %max3A = arith.constant 0.000000e+00 : f32
    %max3A_22 = vector.broadcast %max3A : f32 to vector<512x128xf32>
    %max3A_23 = arith.maximumf %add3A_21, %max3A_22 : vector<512x128xf32>
    %get3A_24 = arith.constant 0 : index
    %get3A_25 = arith.constant 0 : index
    %get3A_26 = vector.load %arg5[%get3A_24, %get3A_25] : memref<128x128xf32, #tpu.memory_space<vmem>>, vector<128x128xf32>
    %dot_general3A = arith.constant dense<0.000000e+00> : vector<512x128xf32>
    %dot_general3A_27 = tpu.matmul %max3A_23, %get3A_26, %dot_general3A {dimension_numbers = #tpu.dot_dimension_numbers<[1], [0], [0], [1], [0, 0, 1, 1], [], []>, transpose_lhs_hint = false} : vector<512x128xf32>, vector<128x128xf32>, vector<512x128xf32> -> vector<512x128xf32>
    %get3A_28 = arith.constant 0 : index
    %get3A_29 = arith.constant 0 : index
    %get3A_30 = vector.load %arg3[%get3A_28, %get3A_29] : memref<512x1xf32, #tpu.memory_space<vmem>>, vector<512x1xf32>
    %mul3A_31 = vector.broadcast %get3A_30 : vector<512x1xf32> to vector<512x128xf32>
    %mul3A_32 = arith.mulf %dot_general3A_27, %mul3A_31 : vector<512x128xf32>
    %swap3A = arith.constant 0 : index
    %swap3A_33 = arith.constant 0 : index
    %swap3A_34 = vector.load %arg7[%swap3A, %swap3A_33] : memref<512x128xf32, #tpu.memory_space<vmem>>, vector<512x128xf32>
    tpu.vector_store %arg7[%swap3A, %swap3A_33], %mul3A_32 {strides = array<i32>} : memref<512x128xf32, #tpu.memory_space<vmem>>, vector<512x128xf32>,
    %get3A_35 = arith.constant 0 : index
    %get3A_36 = arith.constant 0 : index
    %get3A_37 = vector.load %arg6[%get3A_35, %get3A_36] : memref<512x1xi32, #tpu.memory_space<vmem>>, vector<512x1xi32>
    %eq3A = arith.constant 0 : i32
    %eq3A_38 = vector.broadcast %eq3A : i32 to vector<512x1xi32>
    %eq3A_39 = arith.cmpi eq, %get3A_37, %eq3A_38 : vector<512x1xi32>
    %jit3A = arith.constant 0xFF800000 : f32
    %broadcast_in_dim3A = vector.shape_cast %eq3A_39 : vector<512x1xi1> to vector<512x1xi1>
    %broadcast_in_dim3A_40 = vector.broadcast %broadcast_in_dim3A : vector<512x1xi1> to vector<512x128xi1>
    %broadcast_in_dim3A_41 = vector.broadcast %jit3A : f32 to vector<512x128xf32>
    %select_n3A = arith.select %broadcast_in_dim3A_40, %max3A_23, %broadcast_in_dim3A_41 : vector<512x128xi1>, vector<512x128xf32>
    %reduce_max3A = arith.constant dense<0xFF800000> : vector<128xf32>
    %reduce_max3A_42 = vector.multi_reduction <maximumf>, %select_n3A, %reduce_max3A [0] : vector<512x128xf32> to vector<128xf32>
    %eq3A_43 = arith.constant 1 : i32
    %eq3A_44 = vector.broadcast %eq3A_43 : i32 to vector<512x1xi32>
    %eq3A_45 = arith.cmpi eq, %get3A_37, %eq3A_44 : vector<512x1xi32>
    %jit3A_46 = arith.constant 0xFF800000 : f32
    %broadcast_in_dim3A_47 = vector.shape_cast %eq3A_45 : vector<512x1xi1> to vector<512x1xi1>
    %broadcast_in_dim3A_48 = vector.broadcast %broadcast_in_dim3A_47 : vector<512x1xi1> to vector<512x128xi1>
    %broadcast_in_dim3A_49 = vector.broadcast %jit3A_46 : f32 to vector<512x128xf32>
    %select_n3A_50 = arith.select %broadcast_in_dim3A_48, %max3A_23, %broadcast_in_dim3A_49 : vector<512x128xi1>, vector<512x128xf32>
    %reduce_max3A_51 = arith.constant dense<0xFF800000> : vector<128xf32>
    %reduce_max3A_52 = vector.multi_reduction <maximumf>, %select_n3A_50, %reduce_max3A_51 [0] : vector<512x128xf32> to vector<128xf32>
    %eq3A_53 = arith.constant 2 : i32
    %eq3A_54 = vector.broadcast %eq3A_53 : i32 to vector<512x1xi32>
    %eq3A_55 = arith.cmpi eq, %get3A_37, %eq3A_54 : vector<512x1xi32>
    %jit3A_56 = arith.constant 0xFF800000 : f32
    %broadcast_in_dim3A_57 = vector.shape_cast %eq3A_55 : vector<512x1xi1> to vector<512x1xi1>
    %broadcast_in_dim3A_58 = vector.broadcast %broadcast_in_dim3A_57 : vector<512x1xi1> to vector<512x128xi1>
    %broadcast_in_dim3A_59 = vector.broadcast %jit3A_56 : f32 to vector<512x128xf32>
    %select_n3A_60 = arith.select %broadcast_in_dim3A_58, %max3A_23, %broadcast_in_dim3A_59 : vector<512x128xi1>, vector<512x128xf32>
    %reduce_max3A_61 = arith.constant dense<0xFF800000> : vector<128xf32>
    %reduce_max3A_62 = vector.multi_reduction <maximumf>, %select_n3A_60, %reduce_max3A_61 [0] : vector<512x128xf32> to vector<128xf32>
    %eq3A_63 = arith.constant 3 : i32
    %eq3A_64 = vector.broadcast %eq3A_63 : i32 to vector<512x1xi32>
    %eq3A_65 = arith.cmpi eq, %get3A_37, %eq3A_64 : vector<512x1xi32>
    %jit3A_66 = arith.constant 0xFF800000 : f32
    %broadcast_in_dim3A_67 = vector.shape_cast %eq3A_65 : vector<512x1xi1> to vector<512x1xi1>
    %broadcast_in_dim3A_68 = vector.broadcast %broadcast_in_dim3A_67 : vector<512x1xi1> to vector<512x128xi1>
    %broadcast_in_dim3A_69 = vector.broadcast %jit3A_66 : f32 to vector<512x128xf32>
    %select_n3A_70 = arith.select %broadcast_in_dim3A_68, %max3A_23, %broadcast_in_dim3A_69 : vector<512x128xi1>, vector<512x128xf32>
    %reduce_max3A_71 = arith.constant dense<0xFF800000> : vector<128xf32>
    %reduce_max3A_72 = vector.multi_reduction <maximumf>, %select_n3A_70, %reduce_max3A_71 [0] : vector<512x128xf32> to vector<128xf32>
    %eq3A_73 = arith.constant 4 : i32
    %eq3A_74 = vector.broadcast %eq3A_73 : i32 to vector<512x1xi32>
    %eq3A_75 = arith.cmpi eq, %get3A_37, %eq3A_74 : vector<512x1xi32>
    %jit3A_76 = arith.constant 0xFF800000 : f32
    %broadcast_in_dim3A_77 = vector.shape_cast %eq3A_75 : vector<512x1xi1> to vector<512x1xi1>
    %broadcast_in_dim3A_78 = vector.broadcast %broadcast_in_dim3A_77 : vector<512x1xi1> to vector<512x128xi1>
    %broadcast_in_dim3A_79 = vector.broadcast %jit3A_76 : f32 to vector<512x128xf32>
    %select_n3A_80 = arith.select %broadcast_in_dim3A_78, %max3A_23, %broadcast_in_dim3A_79 : vector<512x128xi1>, vector<512x128xf32>
    %reduce_max3A_81 = arith.constant dense<0xFF800000> : vector<128xf32>
    %reduce_max3A_82 = vector.multi_reduction <maximumf>, %select_n3A_80, %reduce_max3A_81 [0] : vector<512x128xf32> to vector<128xf32>
    %eq3A_83 = arith.constant 5 : i32
    %eq3A_84 = vector.broadcast %eq3A_83 : i32 to vector<512x1xi32>
    %eq3A_85 = arith.cmpi eq, %get3A_37, %eq3A_84 : vector<512x1xi32>
    %jit3A_86 = arith.constant 0xFF800000 : f32
    %broadcast_in_dim3A_87 = vector.shape_cast %eq3A_85 : vector<512x1xi1> to vector<512x1xi1>
    %broadcast_in_dim3A_88 = vector.broadcast %broadcast_in_dim3A_87 : vector<512x1xi1> to vector<512x128xi1>
    %broadcast_in_dim3A_89 = vector.broadcast %jit3A_86 : f32 to vector<512x128xf32>
    %select_n3A_90 = arith.select %broadcast_in_dim3A_88, %max3A_23, %broadcast_in_dim3A_89 : vector<512x128xi1>, vector<512x128xf32>
    %reduce_max3A_91 = arith.constant dense<0xFF800000> : vector<128xf32>
    %reduce_max3A_92 = vector.multi_reduction <maximumf>, %select_n3A_90, %reduce_max3A_91 [0] : vector<512x128xf32> to vector<128xf32>
    %eq3A_93 = arith.constant 6 : i32
    %eq3A_94 = vector.broadcast %eq3A_93 : i32 to vector<512x1xi32>
    %eq3A_95 = arith.cmpi eq, %get3A_37, %eq3A_94 : vector<512x1xi32>
    %jit3A_96 = arith.constant 0xFF800000 : f32
    %broadcast_in_dim3A_97 = vector.shape_cast %eq3A_95 : vector<512x1xi1> to vector<512x1xi1>
    %broadcast_in_dim3A_98 = vector.broadcast %broadcast_in_dim3A_97 : vector<512x1xi1> to vector<512x128xi1>
    %broadcast_in_dim3A_99 = vector.broadcast %jit3A_96 : f32 to vector<512x128xf32>
    %select_n3A_100 = arith.select %broadcast_in_dim3A_98, %max3A_23, %broadcast_in_dim3A_99 : vector<512x128xi1>, vector<512x128xf32>
    %reduce_max3A_101 = arith.constant dense<0xFF800000> : vector<128xf32>
    %reduce_max3A_102 = vector.multi_reduction <maximumf>, %select_n3A_100, %reduce_max3A_101 [0] : vector<512x128xf32> to vector<128xf32>
    %eq3A_103 = arith.constant 7 : i32
    %eq3A_104 = vector.broadcast %eq3A_103 : i32 to vector<512x1xi32>
    %eq3A_105 = arith.cmpi eq, %get3A_37, %eq3A_104 : vector<512x1xi32>
    %jit3A_106 = arith.constant 0xFF800000 : f32
    %broadcast_in_dim3A_107 = vector.shape_cast %eq3A_105 : vector<512x1xi1> to vector<512x1xi1>
    %broadcast_in_dim3A_108 = vector.broadcast %broadcast_in_dim3A_107 : vector<512x1xi1> to vector<512x128xi1>
    %broadcast_in_dim3A_109 = vector.broadcast %jit3A_106 : f32 to vector<512x128xf32>
    %select_n3A_110 = arith.select %broadcast_in_dim3A_108, %max3A_23, %broadcast_in_dim3A_109 : vector<512x128xi1>, vector<512x128xf32>
    %reduce_max3A_111 = arith.constant dense<0xFF800000> : vector<128xf32>
    %reduce_max3A_112 = vector.multi_reduction <maximumf>, %select_n3A_110, %reduce_max3A_111 [0] : vector<512x128xf32> to vector<128xf32>
    %eq3A_113 = arith.constant 8 : i32
    %eq3A_114 = vector.broadcast %eq3A_113 : i32 to vector<512x1xi32>
    %eq3A_115 = arith.cmpi eq, %get3A_37, %eq3A_114 : vector<512x1xi32>
    %jit3A_116 = arith.constant 0xFF800000 : f32
    %broadcast_in_dim3A_117 = vector.shape_cast %eq3A_115 : vector<512x1xi1> to vector<512x1xi1>
    %broadcast_in_dim3A_118 = vector.broadcast %broadcast_in_dim3A_117 : vector<512x1xi1> to vector<512x128xi1>
    %broadcast_in_dim3A_119 = vector.broadcast %jit3A_116 : f32 to vector<512x128xf32>
    %select_n3A_120 = arith.select %broadcast_in_dim3A_118, %max3A_23, %broadcast_in_dim3A_119 : vector<512x128xi1>, vector<512x128xf32>
    %reduce_max3A_121 = arith.constant dense<0xFF800000> : vector<128xf32>
    %reduce_max3A_122 = vector.multi_reduction <maximumf>, %select_n3A_120, %reduce_max3A_121 [0] : vector<512x128xf32> to vector<128xf32>
    %eq3A_123 = arith.constant 9 : i32
    %eq3A_124 = vector.broadcast %eq3A_123 : i32 to vector<512x1xi32>
    %eq3A_125 = arith.cmpi eq, %get3A_37, %eq3A_124 : vector<512x1xi32>
    %jit3A_126 = arith.constant 0xFF800000 : f32
    %broadcast_in_dim3A_127 = vector.shape_cast %eq3A_125 : vector<512x1xi1> to vector<512x1xi1>
    %broadcast_in_dim3A_128 = vector.broadcast %broadcast_in_dim3A_127 : vector<512x1xi1> to vector<512x128xi1>
    %broadcast_in_dim3A_129 = vector.broadcast %jit3A_126 : f32 to vector<512x128xf32>
    %select_n3A_130 = arith.select %broadcast_in_dim3A_128, %max3A_23, %broadcast_in_dim3A_129 : vector<512x128xi1>, vector<512x128xf32>
    %reduce_max3A_131 = arith.constant dense<0xFF800000> : vector<128xf32>
    %reduce_max3A_132 = vector.multi_reduction <maximumf>, %select_n3A_130, %reduce_max3A_131 [0] : vector<512x128xf32> to vector<128xf32>
    %eq3A_133 = arith.constant 10 : i32
    %eq3A_134 = vector.broadcast %eq3A_133 : i32 to vector<512x1xi32>
    %eq3A_135 = arith.cmpi eq, %get3A_37, %eq3A_134 : vector<512x1xi32>
    %jit3A_136 = arith.constant 0xFF800000 : f32
    %broadcast_in_dim3A_137 = vector.shape_cast %eq3A_135 : vector<512x1xi1> to vector<512x1xi1>
    %broadcast_in_dim3A_138 = vector.broadcast %broadcast_in_dim3A_137 : vector<512x1xi1> to vector<512x128xi1>
    %broadcast_in_dim3A_139 = vector.broadcast %jit3A_136 : f32 to vector<512x128xf32>
    %select_n3A_140 = arith.select %broadcast_in_dim3A_138, %max3A_23, %broadcast_in_dim3A_139 : vector<512x128xi1>, vector<512x128xf32>
    %reduce_max3A_141 = arith.constant dense<0xFF800000> : vector<128xf32>
    %reduce_max3A_142 = vector.multi_reduction <maximumf>, %select_n3A_140, %reduce_max3A_141 [0] : vector<512x128xf32> to vector<128xf32>
    %eq3A_143 = arith.constant 11 : i32
    %eq3A_144 = vector.broadcast %eq3A_143 : i32 to vector<512x1xi32>
    %eq3A_145 = arith.cmpi eq, %get3A_37, %eq3A_144 : vector<512x1xi32>
    %jit3A_146 = arith.constant 0xFF800000 : f32
    %broadcast_in_dim3A_147 = vector.shape_cast %eq3A_145 : vector<512x1xi1> to vector<512x1xi1>
    %broadcast_in_dim3A_148 = vector.broadcast %broadcast_in_dim3A_147 : vector<512x1xi1> to vector<512x128xi1>
    %broadcast_in_dim3A_149 = vector.broadcast %jit3A_146 : f32 to vector<512x128xf32>
    %select_n3A_150 = arith.select %broadcast_in_dim3A_148, %max3A_23, %broadcast_in_dim3A_149 : vector<512x128xi1>, vector<512x128xf32>
    %reduce_max3A_151 = arith.constant dense<0xFF800000> : vector<128xf32>
    %reduce_max3A_152 = vector.multi_reduction <maximumf>, %select_n3A_150, %reduce_max3A_151 [0] : vector<512x128xf32> to vector<128xf32>
    %eq3A_153 = arith.constant 12 : i32
    %eq3A_154 = vector.broadcast %eq3A_153 : i32 to vector<512x1xi32>
    %eq3A_155 = arith.cmpi eq, %get3A_37, %eq3A_154 : vector<512x1xi32>
    %jit3A_156 = arith.constant 0xFF800000 : f32
    %broadcast_in_dim3A_157 = vector.shape_cast %eq3A_155 : vector<512x1xi1> to vector<512x1xi1>
    %broadcast_in_dim3A_158 = vector.broadcast %broadcast_in_dim3A_157 : vector<512x1xi1> to vector<512x128xi1>
    %broadcast_in_dim3A_159 = vector.broadcast %jit3A_156 : f32 to vector<512x128xf32>
    %select_n3A_160 = arith.select %broadcast_in_dim3A_158, %max3A_23, %broadcast_in_dim3A_159 : vector<512x128xi1>, vector<512x128xf32>
    %reduce_max3A_161 = arith.constant dense<0xFF800000> : vector<128xf32>
    %reduce_max3A_162 = vector.multi_reduction <maximumf>, %select_n3A_160, %reduce_max3A_161 [0] : vector<512x128xf32> to vector<128xf32>
    %eq3A_163 = arith.constant 13 : i32
    %eq3A_164 = vector.broadcast %eq3A_163 : i32 to vector<512x1xi32>
    %eq3A_165 = arith.cmpi eq, %get3A_37, %eq3A_164 : vector<512x1xi32>
    %jit3A_166 = arith.constant 0xFF800000 : f32
    %broadcast_in_dim3A_167 = vector.shape_cast %eq3A_165 : vector<512x1xi1> to vector<512x1xi1>
    %broadcast_in_dim3A_168 = vector.broadcast %broadcast_in_dim3A_167 : vector<512x1xi1> to vector<512x128xi1>
    %broadcast_in_dim3A_169 = vector.broadcast %jit3A_166 : f32 to vector<512x128xf32>
    %select_n3A_170 = arith.select %broadcast_in_dim3A_168, %max3A_23, %broadcast_in_dim3A_169 : vector<512x128xi1>, vector<512x128xf32>
    %reduce_max3A_171 = arith.constant dense<0xFF800000> : vector<128xf32>
    %reduce_max3A_172 = vector.multi_reduction <maximumf>, %select_n3A_170, %reduce_max3A_171 [0] : vector<512x128xf32> to vector<128xf32>
    %eq3A_173 = arith.constant 14 : i32
    %eq3A_174 = vector.broadcast %eq3A_173 : i32 to vector<512x1xi32>
    %eq3A_175 = arith.cmpi eq, %get3A_37, %eq3A_174 : vector<512x1xi32>
    %jit3A_176 = arith.constant 0xFF800000 : f32
    %broadcast_in_dim3A_177 = vector.shape_cast %eq3A_175 : vector<512x1xi1> to vector<512x1xi1>
    %broadcast_in_dim3A_178 = vector.broadcast %broadcast_in_dim3A_177 : vector<512x1xi1> to vector<512x128xi1>
    %broadcast_in_dim3A_179 = vector.broadcast %jit3A_176 : f32 to vector<512x128xf32>
    %select_n3A_180 = arith.select %broadcast_in_dim3A_178, %max3A_23, %broadcast_in_dim3A_179 : vector<512x128xi1>, vector<512x128xf32>
    %reduce_max3A_181 = arith.constant dense<0xFF800000> : vector<128xf32>
    %reduce_max3A_182 = vector.multi_reduction <maximumf>, %select_n3A_180, %reduce_max3A_181 [0] : vector<512x128xf32> to vector<128xf32>
    %eq3A_183 = arith.constant 15 : i32
    %eq3A_184 = vector.broadcast %eq3A_183 : i32 to vector<512x1xi32>
    %eq3A_185 = arith.cmpi eq, %get3A_37, %eq3A_184 : vector<512x1xi32>
    %jit3A_186 = arith.constant 0xFF800000 : f32
    %broadcast_in_dim3A_187 = vector.shape_cast %eq3A_185 : vector<512x1xi1> to vector<512x1xi1>
    %broadcast_in_dim3A_188 = vector.broadcast %broadcast_in_dim3A_187 : vector<512x1xi1> to vector<512x128xi1>
    %broadcast_in_dim3A_189 = vector.broadcast %jit3A_186 : f32 to vector<512x128xf32>
    %select_n3A_190 = arith.select %broadcast_in_dim3A_188, %max3A_23, %broadcast_in_dim3A_189 : vector<512x128xi1>, vector<512x128xf32>
    %reduce_max3A_191 = arith.constant dense<0xFF800000> : vector<128xf32>
    %reduce_max3A_192 = vector.multi_reduction <maximumf>, %select_n3A_190, %reduce_max3A_191 [0] : vector<512x128xf32> to vector<128xf32>
    %stack3A = vector.shape_cast %reduce_max3A_42 : vector<128xf32> to vector<1x128xf32>
    %stack3A_193 = vector.shape_cast %reduce_max3A_52 : vector<128xf32> to vector<1x128xf32>
    %stack3A_194 = vector.shape_cast %reduce_max3A_62 : vector<128xf32> to vector<1x128xf32>
    %stack3A_195 = vector.shape_cast %reduce_max3A_72 : vector<128xf32> to vector<1x128xf32>
    %stack3A_196 = vector.shape_cast %reduce_max3A_82 : vector<128xf32> to vector<1x128xf32>
    %stack3A_197 = vector.shape_cast %reduce_max3A_92 : vector<128xf32> to vector<1x128xf32>
    %stack3A_198 = vector.shape_cast %reduce_max3A_102 : vector<128xf32> to vector<1x128xf32>
    %stack3A_199 = vector.shape_cast %reduce_max3A_112 : vector<128xf32> to vector<1x128xf32>
    %stack3A_200 = vector.shape_cast %reduce_max3A_122 : vector<128xf32> to vector<1x128xf32>
    %stack3A_201 = vector.shape_cast %reduce_max3A_132 : vector<128xf32> to vector<1x128xf32>
    %stack3A_202 = vector.shape_cast %reduce_max3A_142 : vector<128xf32> to vector<1x128xf32>
    %stack3A_203 = vector.shape_cast %reduce_max3A_152 : vector<128xf32> to vector<1x128xf32>
    %stack3A_204 = vector.shape_cast %reduce_max3A_162 : vector<128xf32> to vector<1x128xf32>
    %stack3A_205 = vector.shape_cast %reduce_max3A_172 : vector<128xf32> to vector<1x128xf32>
    %stack3A_206 = vector.shape_cast %reduce_max3A_182 : vector<128xf32> to vector<1x128xf32>
    %stack3A_207 = vector.shape_cast %reduce_max3A_192 : vector<128xf32> to vector<1x128xf32>
    %stack3A_208 = tpu.concatenate %stack3A, %stack3A_193, %stack3A_194, %stack3A_195, %stack3A_196, %stack3A_197, %stack3A_198, %stack3A_199, %stack3A_200, %stack3A_201, %stack3A_202, %stack3A_203, %stack3A_204, %stack3A_205, %stack3A_206, %stack3A_207 in 0 : vector<1x128xf32>, vector<1x128xf32>, vector<1x128xf32>, vector<1x128xf32>, vector<1x128xf32>, vector<1x128xf32>, vector<1x128xf32>, vector<1x128xf32>, vector<1x128xf32>, vector<1x128xf32>, vector<1x128xf32>, vector<1x128xf32>, vector<1x128xf32>, vector<1x128xf32>, vector<1x128xf32>, vector<1x128xf32> -> vector<16x128xf32>
    %eq3A_209 = arith.constant 0 : i32
    %eq3A_210 = arith.cmpi eq, %arg0, %eq3A_209 : i32
    %convert_element_type3A = arith.extui %eq3A_210 : i1 to i32
    %cond3A = arith.constant 0 : i32
    %cond3A_211 = arith.cmpi ne, %convert_element_type3A, %cond3A : i32
    scf.if %cond3A_211 {
      %swap3A_216 = arith.constant 0 : index
      %swap3A_217 = arith.constant 0 : index
      %swap3A_218 = vector.load %arg8[%swap3A_216, %swap3A_217] : memref<16x128xf32, #tpu.memory_space<vmem>>, vector<16x128xf32>
      tpu.vector_store %arg8[%swap3A_216, %swap3A_217], %stack3A_208 {strides = array<i32>} : memref<16x128xf32, #tpu.memory_space<vmem>>, vector<16x128xf32>,
    } else {
    }
    %gt3A = arith.constant 0 : i32
    %gt3A_212 = arith.cmpi sgt, %arg0, %gt3A : i32
    %convert_element_type3A_213 = arith.extui %gt3A_212 : i1 to i32
    %cond3A_214 = arith.constant 0 : i32
    %cond3A_215 = arith.cmpi ne, %convert_element_type3A_213, %cond3A_214 : i32
    scf.if %cond3A_215 {
      %get3A_216 = arith.constant 0 : index
      %get3A_217 = arith.constant 0 : index
      %get3A_218 = vector.load %arg8[%get3A_216, %get3A_217] : memref<16x128xf32, #tpu.memory_space<vmem>>, vector<16x128xf32>
      %max3A_219 = arith.maximumf %get3A_218, %stack3A_208 : vector<16x128xf32>
      %swap3A_220 = arith.constant 0 : index
      %swap3A_221 = arith.constant 0 : index
      %swap3A_222 = vector.load %arg8[%swap3A_220, %swap3A_221] : memref<16x128xf32, #tpu.memory_space<vmem>>, vector<16x128xf32>
      tpu.vector_store %arg8[%swap3A_220, %swap3A_221], %max3A_219 {strides = array<i32>} : memref<16x128xf32, #tpu.memory_space<vmem>>, vector<16x128xf32>,
    } else {
    }
    return
  }
  func.func @transform_0(%arg0: i32) -> (i32, i32, i32) {
    %c0_i32 = arith.constant 0 : i32
    %c0_i32_0 = arith.constant 0 : i32
    %c0_i32_1 = arith.constant 0 : i32
    return %c0_i32, %arg0, %c0_i32_0 : i32, i32, i32
  }
  func.func @transform_1(%arg0: i32) -> (i32, i32) {
    %c0_i32 = arith.constant 0 : i32
    %c0_i32_0 = arith.constant 0 : i32
    return %arg0, %c0_i32 : i32, i32
  }
  func.func @transform_2(%arg0: i32) -> (i32, i32) {
    %c0_i32 = arith.constant 0 : i32
    %c0_i32_0 = arith.constant 0 : i32
    return %arg0, %c0_i32 : i32, i32
  }
  func.func @transform_3(%arg0: i32) -> (i32, i32) {
    %c0_i32 = arith.constant 0 : i32
    %c0_i32_0 = arith.constant 0 : i32
    %c0_i32_1 = arith.constant 0 : i32
    return %c0_i32, %c0_i32_0 : i32, i32
  }
  func.func @transform_4(%arg0: i32) -> (i32, i32) {
    %c0_i32 = arith.constant 0 : i32
    %c0_i32_0 = arith.constant 0 : i32
    %c0_i32_1 = arith.constant 0 : i32
    return %c0_i32, %c0_i32_0 : i32, i32
  }
  func.func @transform_5(%arg0: i32) -> (i32, i32) {
    %c0_i32 = arith.constant 0 : i32
    %c0_i32_0 = arith.constant 0 : i32
    return %arg0, %c0_i32 : i32, i32
  }
  func.func @transform_6(%arg0: i32) -> (i32, i32) {
    %c0_i32 = arith.constant 0 : i32
    %c0_i32_0 = arith.constant 0 : i32
    return %arg0, %c0_i32 : i32, i32
  }
  func.func @transform_7(%arg0: i32) -> (i32, i32) {
    %c0_i32 = arith.constant 0 : i32
    %c0_i32_0 = arith.constant 0 : i32
    %c0_i32_1 = arith.constant 0 : i32
    return %c0_i32, %c0_i32_0 : i32, i32
  }
}

module attributes {stable_mosaic.version = 14 : i64} {
  func.func @_final_body(%arg0: i32, %arg1: memref<2x512x128xf32, #tpu.memory_space<vmem>>, %arg2: memref<512x128xf32, #tpu.memory_space<vmem>>, %arg3: memref<512x1xf32, #tpu.memory_space<vmem>>, %arg4: memref<1x128xf32, #tpu.memory_space<vmem>>, %arg5: memref<512x1xi32, #tpu.memory_space<vmem>>, %arg6: memref<16x128xf32, #tpu.memory_space<vmem>>, %arg7: memref<16x128xf32, #tpu.memory_space<vmem>>, %arg8: memref<16x128xf32, #tpu.memory_space<vmem>>, %arg9: memref<512x128xf32, #tpu.memory_space<vmem>>, %arg10: memref<1x128xf32, #tpu.memory_space<vmem>>, %arg11: memref<16x128xf32, #tpu.memory_space<vmem>>, %arg12: memref<16x128xf32, #tpu.memory_space<vmem>>) attributes {dimension_semantics = [#tpu.dimension_semantics<arbitrary>], iteration_bounds = array<i64: 20>, scalar_prefetch = 0 : i64, scratch_operands = 1 : i64, tpu.core_type = #tpu.core_type<tc>, window_params = [{transform_indices = @transform_0, window_bounds = array<i64: 2, 512, 128>}, {transform_indices = @transform_1, window_bounds = array<i64: 512, 128>}, {transform_indices = @transform_2, window_bounds = array<i64: 512, 1>}, {pipeline_mode = #tpu.pipeline_mode<synchronous>, transform_indices = @transform_3, window_bounds = array<i64: 1, 128>}, {transform_indices = @transform_4, window_bounds = array<i64: 512, 1>}, {pipeline_mode = #tpu.pipeline_mode<synchronous>, transform_indices = @transform_5, window_bounds = array<i64: 16, 128>}, {pipeline_mode = #tpu.pipeline_mode<synchronous>, transform_indices = @transform_6, window_bounds = array<i64: 16, 128>}, {pipeline_mode = #tpu.pipeline_mode<synchronous>, transform_indices = @transform_7, window_bounds = array<i64: 16, 128>}, {pipeline_mode = #tpu.pipeline_mode<synchronous>, transform_indices = @transform_8, window_bounds = array<i64: 512, 128>}, {pipeline_mode = #tpu.pipeline_mode<synchronous>, transform_indices = @transform_9, window_bounds = array<i64: 1, 128>}, {pipeline_mode = #tpu.pipeline_mode<synchronous>, transform_indices = @transform_10, window_bounds = array<i64: 16, 128>}]} {
    %get3A = arith.constant 0 : index
    %get3A_0 = arith.constant 0 : index
    %get3A_1 = arith.constant 0 : index
    %get3A_2 = vector.load %arg1[%get3A, %get3A_0, %get3A_1] : memref<2x512x128xf32, #tpu.memory_space<vmem>>, vector<1x512x128xf32>
    %get3A_3 = vector.shape_cast %get3A_2 : vector<1x512x128xf32> to vector<512x128xf32>
    %get3A_4 = arith.constant 1 : index
    %get3A_5 = arith.constant 0 : index
    %get3A_6 = arith.constant 0 : index
    %get3A_7 = vector.load %arg1[%get3A_4, %get3A_5, %get3A_6] : memref<2x512x128xf32, #tpu.memory_space<vmem>>, vector<1x512x128xf32>
    %get3A_8 = vector.shape_cast %get3A_7 : vector<1x512x128xf32> to vector<512x128xf32>
    %add3A = arith.addf %get3A_3, %get3A_8 : vector<512x128xf32>
    %get3A_9 = arith.constant 0 : index
    %get3A_10 = arith.constant 0 : index
    %get3A_11 = vector.load %arg2[%get3A_9, %get3A_10] : memref<512x128xf32, #tpu.memory_space<vmem>>, vector<512x128xf32>
    %add3A_12 = arith.addf %add3A, %get3A_11 : vector<512x128xf32>
    %get3A_13 = arith.constant 0 : index
    %get3A_14 = arith.constant 0 : index
    %get3A_15 = vector.load %arg3[%get3A_13, %get3A_14] : memref<512x1xf32, #tpu.memory_space<vmem>>, vector<512x1xf32>
    %mul3A = vector.broadcast %get3A_15 : vector<512x1xf32> to vector<512x128xf32>
    %mul3A_16 = arith.mulf %mul3A, %add3A_12 : vector<512x128xf32>
    %get3A_17 = arith.constant 0 : index
    %get3A_18 = arith.constant 0 : index
    %get3A_19 = vector.load %arg4[%get3A_17, %get3A_18] : memref<1x128xf32, #tpu.memory_space<vmem>>, vector<1x128xf32>
    %add3A_20 = vector.broadcast %get3A_19 : vector<1x128xf32> to vector<512x128xf32>
    %add3A_21 = arith.addf %mul3A_16, %add3A_20 : vector<512x128xf32>
    %max3A = arith.constant 0.000000e+00 : f32
    %max3A_22 = vector.broadcast %max3A : f32 to vector<512x128xf32>
    %max3A_23 = arith.maximumf %add3A_21, %max3A_22 : vector<512x128xf32>
    %get3A_24 = arith.constant 0 : index
    %get3A_25 = arith.constant 0 : index
    %get3A_26 = vector.load %arg5[%get3A_24, %get3A_25] : memref<512x1xi32, #tpu.memory_space<vmem>>, vector<512x1xi32>
    %eq3A = arith.constant 0 : i32
    %eq3A_27 = vector.broadcast %eq3A : i32 to vector<512x1xi32>
    %eq3A_28 = arith.cmpi eq, %get3A_26, %eq3A_27 : vector<512x1xi32>
    %jit3A = arith.constant 0xFF800000 : f32
    %broadcast_in_dim3A = vector.shape_cast %eq3A_28 : vector<512x1xi1> to vector<512x1xi1>
    %broadcast_in_dim3A_29 = vector.broadcast %broadcast_in_dim3A : vector<512x1xi1> to vector<512x128xi1>
    %broadcast_in_dim3A_30 = vector.broadcast %jit3A : f32 to vector<512x128xf32>
    %select_n3A = arith.select %broadcast_in_dim3A_29, %max3A_23, %broadcast_in_dim3A_30 : vector<512x128xi1>, vector<512x128xf32>
    %reduce_max3A = arith.constant dense<0xFF800000> : vector<128xf32>
    %reduce_max3A_31 = vector.multi_reduction <maximumf>, %select_n3A, %reduce_max3A [0] : vector<512x128xf32> to vector<128xf32>
    %eq3A_32 = arith.constant 1 : i32
    %eq3A_33 = vector.broadcast %eq3A_32 : i32 to vector<512x1xi32>
    %eq3A_34 = arith.cmpi eq, %get3A_26, %eq3A_33 : vector<512x1xi32>
    %jit3A_35 = arith.constant 0xFF800000 : f32
    %broadcast_in_dim3A_36 = vector.shape_cast %eq3A_34 : vector<512x1xi1> to vector<512x1xi1>
    %broadcast_in_dim3A_37 = vector.broadcast %broadcast_in_dim3A_36 : vector<512x1xi1> to vector<512x128xi1>
    %broadcast_in_dim3A_38 = vector.broadcast %jit3A_35 : f32 to vector<512x128xf32>
    %select_n3A_39 = arith.select %broadcast_in_dim3A_37, %max3A_23, %broadcast_in_dim3A_38 : vector<512x128xi1>, vector<512x128xf32>
    %reduce_max3A_40 = arith.constant dense<0xFF800000> : vector<128xf32>
    %reduce_max3A_41 = vector.multi_reduction <maximumf>, %select_n3A_39, %reduce_max3A_40 [0] : vector<512x128xf32> to vector<128xf32>
    %eq3A_42 = arith.constant 2 : i32
    %eq3A_43 = vector.broadcast %eq3A_42 : i32 to vector<512x1xi32>
    %eq3A_44 = arith.cmpi eq, %get3A_26, %eq3A_43 : vector<512x1xi32>
    %jit3A_45 = arith.constant 0xFF800000 : f32
    %broadcast_in_dim3A_46 = vector.shape_cast %eq3A_44 : vector<512x1xi1> to vector<512x1xi1>
    %broadcast_in_dim3A_47 = vector.broadcast %broadcast_in_dim3A_46 : vector<512x1xi1> to vector<512x128xi1>
    %broadcast_in_dim3A_48 = vector.broadcast %jit3A_45 : f32 to vector<512x128xf32>
    %select_n3A_49 = arith.select %broadcast_in_dim3A_47, %max3A_23, %broadcast_in_dim3A_48 : vector<512x128xi1>, vector<512x128xf32>
    %reduce_max3A_50 = arith.constant dense<0xFF800000> : vector<128xf32>
    %reduce_max3A_51 = vector.multi_reduction <maximumf>, %select_n3A_49, %reduce_max3A_50 [0] : vector<512x128xf32> to vector<128xf32>
    %eq3A_52 = arith.constant 3 : i32
    %eq3A_53 = vector.broadcast %eq3A_52 : i32 to vector<512x1xi32>
    %eq3A_54 = arith.cmpi eq, %get3A_26, %eq3A_53 : vector<512x1xi32>
    %jit3A_55 = arith.constant 0xFF800000 : f32
    %broadcast_in_dim3A_56 = vector.shape_cast %eq3A_54 : vector<512x1xi1> to vector<512x1xi1>
    %broadcast_in_dim3A_57 = vector.broadcast %broadcast_in_dim3A_56 : vector<512x1xi1> to vector<512x128xi1>
    %broadcast_in_dim3A_58 = vector.broadcast %jit3A_55 : f32 to vector<512x128xf32>
    %select_n3A_59 = arith.select %broadcast_in_dim3A_57, %max3A_23, %broadcast_in_dim3A_58 : vector<512x128xi1>, vector<512x128xf32>
    %reduce_max3A_60 = arith.constant dense<0xFF800000> : vector<128xf32>
    %reduce_max3A_61 = vector.multi_reduction <maximumf>, %select_n3A_59, %reduce_max3A_60 [0] : vector<512x128xf32> to vector<128xf32>
    %eq3A_62 = arith.constant 4 : i32
    %eq3A_63 = vector.broadcast %eq3A_62 : i32 to vector<512x1xi32>
    %eq3A_64 = arith.cmpi eq, %get3A_26, %eq3A_63 : vector<512x1xi32>
    %jit3A_65 = arith.constant 0xFF800000 : f32
    %broadcast_in_dim3A_66 = vector.shape_cast %eq3A_64 : vector<512x1xi1> to vector<512x1xi1>
    %broadcast_in_dim3A_67 = vector.broadcast %broadcast_in_dim3A_66 : vector<512x1xi1> to vector<512x128xi1>
    %broadcast_in_dim3A_68 = vector.broadcast %jit3A_65 : f32 to vector<512x128xf32>
    %select_n3A_69 = arith.select %broadcast_in_dim3A_67, %max3A_23, %broadcast_in_dim3A_68 : vector<512x128xi1>, vector<512x128xf32>
    %reduce_max3A_70 = arith.constant dense<0xFF800000> : vector<128xf32>
    %reduce_max3A_71 = vector.multi_reduction <maximumf>, %select_n3A_69, %reduce_max3A_70 [0] : vector<512x128xf32> to vector<128xf32>
    %eq3A_72 = arith.constant 5 : i32
    %eq3A_73 = vector.broadcast %eq3A_72 : i32 to vector<512x1xi32>
    %eq3A_74 = arith.cmpi eq, %get3A_26, %eq3A_73 : vector<512x1xi32>
    %jit3A_75 = arith.constant 0xFF800000 : f32
    %broadcast_in_dim3A_76 = vector.shape_cast %eq3A_74 : vector<512x1xi1> to vector<512x1xi1>
    %broadcast_in_dim3A_77 = vector.broadcast %broadcast_in_dim3A_76 : vector<512x1xi1> to vector<512x128xi1>
    %broadcast_in_dim3A_78 = vector.broadcast %jit3A_75 : f32 to vector<512x128xf32>
    %select_n3A_79 = arith.select %broadcast_in_dim3A_77, %max3A_23, %broadcast_in_dim3A_78 : vector<512x128xi1>, vector<512x128xf32>
    %reduce_max3A_80 = arith.constant dense<0xFF800000> : vector<128xf32>
    %reduce_max3A_81 = vector.multi_reduction <maximumf>, %select_n3A_79, %reduce_max3A_80 [0] : vector<512x128xf32> to vector<128xf32>
    %eq3A_82 = arith.constant 6 : i32
    %eq3A_83 = vector.broadcast %eq3A_82 : i32 to vector<512x1xi32>
    %eq3A_84 = arith.cmpi eq, %get3A_26, %eq3A_83 : vector<512x1xi32>
    %jit3A_85 = arith.constant 0xFF800000 : f32
    %broadcast_in_dim3A_86 = vector.shape_cast %eq3A_84 : vector<512x1xi1> to vector<512x1xi1>
    %broadcast_in_dim3A_87 = vector.broadcast %broadcast_in_dim3A_86 : vector<512x1xi1> to vector<512x128xi1>
    %broadcast_in_dim3A_88 = vector.broadcast %jit3A_85 : f32 to vector<512x128xf32>
    %select_n3A_89 = arith.select %broadcast_in_dim3A_87, %max3A_23, %broadcast_in_dim3A_88 : vector<512x128xi1>, vector<512x128xf32>
    %reduce_max3A_90 = arith.constant dense<0xFF800000> : vector<128xf32>
    %reduce_max3A_91 = vector.multi_reduction <maximumf>, %select_n3A_89, %reduce_max3A_90 [0] : vector<512x128xf32> to vector<128xf32>
    %eq3A_92 = arith.constant 7 : i32
    %eq3A_93 = vector.broadcast %eq3A_92 : i32 to vector<512x1xi32>
    %eq3A_94 = arith.cmpi eq, %get3A_26, %eq3A_93 : vector<512x1xi32>
    %jit3A_95 = arith.constant 0xFF800000 : f32
    %broadcast_in_dim3A_96 = vector.shape_cast %eq3A_94 : vector<512x1xi1> to vector<512x1xi1>
    %broadcast_in_dim3A_97 = vector.broadcast %broadcast_in_dim3A_96 : vector<512x1xi1> to vector<512x128xi1>
    %broadcast_in_dim3A_98 = vector.broadcast %jit3A_95 : f32 to vector<512x128xf32>
    %select_n3A_99 = arith.select %broadcast_in_dim3A_97, %max3A_23, %broadcast_in_dim3A_98 : vector<512x128xi1>, vector<512x128xf32>
    %reduce_max3A_100 = arith.constant dense<0xFF800000> : vector<128xf32>
    %reduce_max3A_101 = vector.multi_reduction <maximumf>, %select_n3A_99, %reduce_max3A_100 [0] : vector<512x128xf32> to vector<128xf32>
    %eq3A_102 = arith.constant 8 : i32
    %eq3A_103 = vector.broadcast %eq3A_102 : i32 to vector<512x1xi32>
    %eq3A_104 = arith.cmpi eq, %get3A_26, %eq3A_103 : vector<512x1xi32>
    %jit3A_105 = arith.constant 0xFF800000 : f32
    %broadcast_in_dim3A_106 = vector.shape_cast %eq3A_104 : vector<512x1xi1> to vector<512x1xi1>
    %broadcast_in_dim3A_107 = vector.broadcast %broadcast_in_dim3A_106 : vector<512x1xi1> to vector<512x128xi1>
    %broadcast_in_dim3A_108 = vector.broadcast %jit3A_105 : f32 to vector<512x128xf32>
    %select_n3A_109 = arith.select %broadcast_in_dim3A_107, %max3A_23, %broadcast_in_dim3A_108 : vector<512x128xi1>, vector<512x128xf32>
    %reduce_max3A_110 = arith.constant dense<0xFF800000> : vector<128xf32>
    %reduce_max3A_111 = vector.multi_reduction <maximumf>, %select_n3A_109, %reduce_max3A_110 [0] : vector<512x128xf32> to vector<128xf32>
    %eq3A_112 = arith.constant 9 : i32
    %eq3A_113 = vector.broadcast %eq3A_112 : i32 to vector<512x1xi32>
    %eq3A_114 = arith.cmpi eq, %get3A_26, %eq3A_113 : vector<512x1xi32>
    %jit3A_115 = arith.constant 0xFF800000 : f32
    %broadcast_in_dim3A_116 = vector.shape_cast %eq3A_114 : vector<512x1xi1> to vector<512x1xi1>
    %broadcast_in_dim3A_117 = vector.broadcast %broadcast_in_dim3A_116 : vector<512x1xi1> to vector<512x128xi1>
    %broadcast_in_dim3A_118 = vector.broadcast %jit3A_115 : f32 to vector<512x128xf32>
    %select_n3A_119 = arith.select %broadcast_in_dim3A_117, %max3A_23, %broadcast_in_dim3A_118 : vector<512x128xi1>, vector<512x128xf32>
    %reduce_max3A_120 = arith.constant dense<0xFF800000> : vector<128xf32>
    %reduce_max3A_121 = vector.multi_reduction <maximumf>, %select_n3A_119, %reduce_max3A_120 [0] : vector<512x128xf32> to vector<128xf32>
    %eq3A_122 = arith.constant 10 : i32
    %eq3A_123 = vector.broadcast %eq3A_122 : i32 to vector<512x1xi32>
    %eq3A_124 = arith.cmpi eq, %get3A_26, %eq3A_123 : vector<512x1xi32>
    %jit3A_125 = arith.constant 0xFF800000 : f32
    %broadcast_in_dim3A_126 = vector.shape_cast %eq3A_124 : vector<512x1xi1> to vector<512x1xi1>
    %broadcast_in_dim3A_127 = vector.broadcast %broadcast_in_dim3A_126 : vector<512x1xi1> to vector<512x128xi1>
    %broadcast_in_dim3A_128 = vector.broadcast %jit3A_125 : f32 to vector<512x128xf32>
    %select_n3A_129 = arith.select %broadcast_in_dim3A_127, %max3A_23, %broadcast_in_dim3A_128 : vector<512x128xi1>, vector<512x128xf32>
    %reduce_max3A_130 = arith.constant dense<0xFF800000> : vector<128xf32>
    %reduce_max3A_131 = vector.multi_reduction <maximumf>, %select_n3A_129, %reduce_max3A_130 [0] : vector<512x128xf32> to vector<128xf32>
    %eq3A_132 = arith.constant 11 : i32
    %eq3A_133 = vector.broadcast %eq3A_132 : i32 to vector<512x1xi32>
    %eq3A_134 = arith.cmpi eq, %get3A_26, %eq3A_133 : vector<512x1xi32>
    %jit3A_135 = arith.constant 0xFF800000 : f32
    %broadcast_in_dim3A_136 = vector.shape_cast %eq3A_134 : vector<512x1xi1> to vector<512x1xi1>
    %broadcast_in_dim3A_137 = vector.broadcast %broadcast_in_dim3A_136 : vector<512x1xi1> to vector<512x128xi1>
    %broadcast_in_dim3A_138 = vector.broadcast %jit3A_135 : f32 to vector<512x128xf32>
    %select_n3A_139 = arith.select %broadcast_in_dim3A_137, %max3A_23, %broadcast_in_dim3A_138 : vector<512x128xi1>, vector<512x128xf32>
    %reduce_max3A_140 = arith.constant dense<0xFF800000> : vector<128xf32>
    %reduce_max3A_141 = vector.multi_reduction <maximumf>, %select_n3A_139, %reduce_max3A_140 [0] : vector<512x128xf32> to vector<128xf32>
    %eq3A_142 = arith.constant 12 : i32
    %eq3A_143 = vector.broadcast %eq3A_142 : i32 to vector<512x1xi32>
    %eq3A_144 = arith.cmpi eq, %get3A_26, %eq3A_143 : vector<512x1xi32>
    %jit3A_145 = arith.constant 0xFF800000 : f32
    %broadcast_in_dim3A_146 = vector.shape_cast %eq3A_144 : vector<512x1xi1> to vector<512x1xi1>
    %broadcast_in_dim3A_147 = vector.broadcast %broadcast_in_dim3A_146 : vector<512x1xi1> to vector<512x128xi1>
    %broadcast_in_dim3A_148 = vector.broadcast %jit3A_145 : f32 to vector<512x128xf32>
    %select_n3A_149 = arith.select %broadcast_in_dim3A_147, %max3A_23, %broadcast_in_dim3A_148 : vector<512x128xi1>, vector<512x128xf32>
    %reduce_max3A_150 = arith.constant dense<0xFF800000> : vector<128xf32>
    %reduce_max3A_151 = vector.multi_reduction <maximumf>, %select_n3A_149, %reduce_max3A_150 [0] : vector<512x128xf32> to vector<128xf32>
    %eq3A_152 = arith.constant 13 : i32
    %eq3A_153 = vector.broadcast %eq3A_152 : i32 to vector<512x1xi32>
    %eq3A_154 = arith.cmpi eq, %get3A_26, %eq3A_153 : vector<512x1xi32>
    %jit3A_155 = arith.constant 0xFF800000 : f32
    %broadcast_in_dim3A_156 = vector.shape_cast %eq3A_154 : vector<512x1xi1> to vector<512x1xi1>
    %broadcast_in_dim3A_157 = vector.broadcast %broadcast_in_dim3A_156 : vector<512x1xi1> to vector<512x128xi1>
    %broadcast_in_dim3A_158 = vector.broadcast %jit3A_155 : f32 to vector<512x128xf32>
    %select_n3A_159 = arith.select %broadcast_in_dim3A_157, %max3A_23, %broadcast_in_dim3A_158 : vector<512x128xi1>, vector<512x128xf32>
    %reduce_max3A_160 = arith.constant dense<0xFF800000> : vector<128xf32>
    %reduce_max3A_161 = vector.multi_reduction <maximumf>, %select_n3A_159, %reduce_max3A_160 [0] : vector<512x128xf32> to vector<128xf32>
    %eq3A_162 = arith.constant 14 : i32
    %eq3A_163 = vector.broadcast %eq3A_162 : i32 to vector<512x1xi32>
    %eq3A_164 = arith.cmpi eq, %get3A_26, %eq3A_163 : vector<512x1xi32>
    %jit3A_165 = arith.constant 0xFF800000 : f32
    %broadcast_in_dim3A_166 = vector.shape_cast %eq3A_164 : vector<512x1xi1> to vector<512x1xi1>
    %broadcast_in_dim3A_167 = vector.broadcast %broadcast_in_dim3A_166 : vector<512x1xi1> to vector<512x128xi1>
    %broadcast_in_dim3A_168 = vector.broadcast %jit3A_165 : f32 to vector<512x128xf32>
    %select_n3A_169 = arith.select %broadcast_in_dim3A_167, %max3A_23, %broadcast_in_dim3A_168 : vector<512x128xi1>, vector<512x128xf32>
    %reduce_max3A_170 = arith.constant dense<0xFF800000> : vector<128xf32>
    %reduce_max3A_171 = vector.multi_reduction <maximumf>, %select_n3A_169, %reduce_max3A_170 [0] : vector<512x128xf32> to vector<128xf32>
    %eq3A_172 = arith.constant 15 : i32
    %eq3A_173 = vector.broadcast %eq3A_172 : i32 to vector<512x1xi32>
    %eq3A_174 = arith.cmpi eq, %get3A_26, %eq3A_173 : vector<512x1xi32>
    %jit3A_175 = arith.constant 0xFF800000 : f32
    %broadcast_in_dim3A_176 = vector.shape_cast %eq3A_174 : vector<512x1xi1> to vector<512x1xi1>
    %broadcast_in_dim3A_177 = vector.broadcast %broadcast_in_dim3A_176 : vector<512x1xi1> to vector<512x128xi1>
    %broadcast_in_dim3A_178 = vector.broadcast %jit3A_175 : f32 to vector<512x128xf32>
    %select_n3A_179 = arith.select %broadcast_in_dim3A_177, %max3A_23, %broadcast_in_dim3A_178 : vector<512x128xi1>, vector<512x128xf32>
    %reduce_max3A_180 = arith.constant dense<0xFF800000> : vector<128xf32>
    %reduce_max3A_181 = vector.multi_reduction <maximumf>, %select_n3A_179, %reduce_max3A_180 [0] : vector<512x128xf32> to vector<128xf32>
    %stack3A = vector.shape_cast %reduce_max3A_31 : vector<128xf32> to vector<1x128xf32>
    %stack3A_182 = vector.shape_cast %reduce_max3A_41 : vector<128xf32> to vector<1x128xf32>
    %stack3A_183 = vector.shape_cast %reduce_max3A_51 : vector<128xf32> to vector<1x128xf32>
    %stack3A_184 = vector.shape_cast %reduce_max3A_61 : vector<128xf32> to vector<1x128xf32>
    %stack3A_185 = vector.shape_cast %reduce_max3A_71 : vector<128xf32> to vector<1x128xf32>
    %stack3A_186 = vector.shape_cast %reduce_max3A_81 : vector<128xf32> to vector<1x128xf32>
    %stack3A_187 = vector.shape_cast %reduce_max3A_91 : vector<128xf32> to vector<1x128xf32>
    %stack3A_188 = vector.shape_cast %reduce_max3A_101 : vector<128xf32> to vector<1x128xf32>
    %stack3A_189 = vector.shape_cast %reduce_max3A_111 : vector<128xf32> to vector<1x128xf32>
    %stack3A_190 = vector.shape_cast %reduce_max3A_121 : vector<128xf32> to vector<1x128xf32>
    %stack3A_191 = vector.shape_cast %reduce_max3A_131 : vector<128xf32> to vector<1x128xf32>
    %stack3A_192 = vector.shape_cast %reduce_max3A_141 : vector<128xf32> to vector<1x128xf32>
    %stack3A_193 = vector.shape_cast %reduce_max3A_151 : vector<128xf32> to vector<1x128xf32>
    %stack3A_194 = vector.shape_cast %reduce_max3A_161 : vector<128xf32> to vector<1x128xf32>
    %stack3A_195 = vector.shape_cast %reduce_max3A_171 : vector<128xf32> to vector<1x128xf32>
    %stack3A_196 = vector.shape_cast %reduce_max3A_181 : vector<128xf32> to vector<1x128xf32>
    %stack3A_197 = tpu.concatenate %stack3A, %stack3A_182, %stack3A_183, %stack3A_184, %stack3A_185, %stack3A_186, %stack3A_187, %stack3A_188, %stack3A_189, %stack3A_190, %stack3A_191, %stack3A_192, %stack3A_193, %stack3A_194, %stack3A_195, %stack3A_196 in 0 : vector<1x128xf32>, vector<1x128xf32>, vector<1x128xf32>, vector<1x128xf32>, vector<1x128xf32>, vector<1x128xf32>, vector<1x128xf32>, vector<1x128xf32>, vector<1x128xf32>, vector<1x128xf32>, vector<1x128xf32>, vector<1x128xf32>, vector<1x128xf32>, vector<1x128xf32>, vector<1x128xf32>, vector<1x128xf32> -> vector<16x128xf32>
    %eq3A_198 = arith.constant 0 : i32
    %eq3A_199 = arith.cmpi eq, %arg0, %eq3A_198 : i32
    %convert_element_type3A = arith.extui %eq3A_199 : i1 to i32
    %cond3A = arith.constant 0 : i32
    %cond3A_200 = arith.cmpi ne, %convert_element_type3A, %cond3A : i32
    scf.if %cond3A_200 {
      %swap3A = arith.constant 0 : index
      %swap3A_210 = arith.constant 0 : index
      %swap3A_211 = vector.load %arg12[%swap3A, %swap3A_210] : memref<16x128xf32, #tpu.memory_space<vmem>>, vector<16x128xf32>
      tpu.vector_store %arg12[%swap3A, %swap3A_210], %stack3A_197 {strides = array<i32>} : memref<16x128xf32, #tpu.memory_space<vmem>>, vector<16x128xf32>,
    } else {
    }
    %gt3A = arith.constant 0 : i32
    %gt3A_201 = arith.cmpi sgt, %arg0, %gt3A : i32
    %convert_element_type3A_202 = arith.extui %gt3A_201 : i1 to i32
    %cond3A_203 = arith.constant 0 : i32
    %cond3A_204 = arith.cmpi ne, %convert_element_type3A_202, %cond3A_203 : i32
    scf.if %cond3A_204 {
      %get3A_210 = arith.constant 0 : index
      %get3A_211 = arith.constant 0 : index
      %get3A_212 = vector.load %arg12[%get3A_210, %get3A_211] : memref<16x128xf32, #tpu.memory_space<vmem>>, vector<16x128xf32>
      %max3A_213 = arith.maximumf %get3A_212, %stack3A_197 : vector<16x128xf32>
      %swap3A = arith.constant 0 : index
      %swap3A_214 = arith.constant 0 : index
      %swap3A_215 = vector.load %arg12[%swap3A, %swap3A_214] : memref<16x128xf32, #tpu.memory_space<vmem>>, vector<16x128xf32>
      tpu.vector_store %arg12[%swap3A, %swap3A_214], %max3A_213 {strides = array<i32>} : memref<16x128xf32, #tpu.memory_space<vmem>>, vector<16x128xf32>,
    } else {
    }
    %eq3A_205 = arith.constant 19 : i32
    %eq3A_206 = arith.cmpi eq, %arg0, %eq3A_205 : i32
    %convert_element_type3A_207 = arith.extui %eq3A_206 : i1 to i32
    %cond3A_208 = arith.constant 0 : i32
    %cond3A_209 = arith.cmpi ne, %convert_element_type3A_207, %cond3A_208 : i32
    scf.if %cond3A_209 {
      %get3A_210 = arith.constant 0 : index
      %get3A_211 = arith.constant 0 : index
      %get3A_212 = vector.load %arg6[%get3A_210, %get3A_211] : memref<16x128xf32, #tpu.memory_space<vmem>>, vector<16x128xf32>
      %get3A_213 = arith.constant 0 : index
      %get3A_214 = arith.constant 0 : index
      %get3A_215 = vector.load %arg9[%get3A_213, %get3A_214] : memref<512x128xf32, #tpu.memory_space<vmem>>, vector<128x128xf32>
      %dot_general3A = arith.constant dense<0.000000e+00> : vector<16x128xf32>
      %dot_general3A_216 = tpu.matmul %get3A_212, %get3A_215, %dot_general3A {dimension_numbers = #tpu.dot_dimension_numbers<[1], [0], [0], [1], [0, 0, 1, 1], [], []>, transpose_lhs_hint = false} : vector<16x128xf32>, vector<128x128xf32>, vector<16x128xf32> -> vector<16x128xf32>
      %get3A_217 = arith.constant 0 : index
      %get3A_218 = arith.constant 0 : index
      %get3A_219 = vector.load %arg7[%get3A_217, %get3A_218] : memref<16x128xf32, #tpu.memory_space<vmem>>, vector<16x128xf32>
      %get3A_220 = arith.constant 128 : index
      %get3A_221 = arith.constant 0 : index
      %get3A_222 = vector.load %arg9[%get3A_220, %get3A_221] : memref<512x128xf32, #tpu.memory_space<vmem>>, vector<128x128xf32>
      %dot_general3A_223 = arith.constant dense<0.000000e+00> : vector<16x128xf32>
      %dot_general3A_224 = tpu.matmul %get3A_219, %get3A_222, %dot_general3A_223 {dimension_numbers = #tpu.dot_dimension_numbers<[1], [0], [0], [1], [0, 0, 1, 1], [], []>, transpose_lhs_hint = false} : vector<16x128xf32>, vector<128x128xf32>, vector<16x128xf32> -> vector<16x128xf32>
      %add3A_225 = arith.addf %dot_general3A_216, %dot_general3A_224 : vector<16x128xf32>
      %get3A_226 = arith.constant 0 : index
      %get3A_227 = arith.constant 0 : index
      %get3A_228 = vector.load %arg8[%get3A_226, %get3A_227] : memref<16x128xf32, #tpu.memory_space<vmem>>, vector<16x128xf32>
      %get3A_229 = arith.constant 256 : index
      %get3A_230 = arith.constant 0 : index
      %get3A_231 = vector.load %arg9[%get3A_229, %get3A_230] : memref<512x128xf32, #tpu.memory_space<vmem>>, vector<128x128xf32>
      %dot_general3A_232 = arith.constant dense<0.000000e+00> : vector<16x128xf32>
      %dot_general3A_233 = tpu.matmul %get3A_228, %get3A_231, %dot_general3A_232 {dimension_numbers = #tpu.dot_dimension_numbers<[1], [0], [0], [1], [0, 0, 1, 1], [], []>, transpose_lhs_hint = false} : vector<16x128xf32>, vector<128x128xf32>, vector<16x128xf32> -> vector<16x128xf32>
      %add3A_234 = arith.addf %add3A_225, %dot_general3A_233 : vector<16x128xf32>
      %get3A_235 = arith.constant 0 : index
      %get3A_236 = arith.constant 0 : index
      %get3A_237 = vector.load %arg12[%get3A_235, %get3A_236] : memref<16x128xf32, #tpu.memory_space<vmem>>, vector<16x128xf32>
      %get3A_238 = arith.constant 384 : index
      %get3A_239 = arith.constant 0 : index
      %get3A_240 = vector.load %arg9[%get3A_238, %get3A_239] : memref<512x128xf32, #tpu.memory_space<vmem>>, vector<128x128xf32>
      %dot_general3A_241 = arith.constant dense<0.000000e+00> : vector<16x128xf32>
      %dot_general3A_242 = tpu.matmul %get3A_237, %get3A_240, %dot_general3A_241 {dimension_numbers = #tpu.dot_dimension_numbers<[1], [0], [0], [1], [0, 0, 1, 1], [], []>, transpose_lhs_hint = false} : vector<16x128xf32>, vector<128x128xf32>, vector<16x128xf32> -> vector<16x128xf32>
      %add3A_243 = arith.addf %add3A_234, %dot_general3A_242 : vector<16x128xf32>
      %get3A_244 = arith.constant 0 : index
      %get3A_245 = arith.constant 0 : index
      %get3A_246 = vector.load %arg10[%get3A_244, %get3A_245] : memref<1x128xf32, #tpu.memory_space<vmem>>, vector<1x128xf32>
      %add3A_247 = vector.broadcast %get3A_246 : vector<1x128xf32> to vector<16x128xf32>
      %add3A_248 = arith.addf %add3A_243, %add3A_247 : vector<16x128xf32>
      %swap3A = arith.constant 0 : index
      %swap3A_249 = arith.constant 0 : index
      %swap3A_250 = vector.load %arg11[%swap3A, %swap3A_249] : memref<16x128xf32, #tpu.memory_space<vmem>>, vector<16x128xf32>
      tpu.vector_store %arg11[%swap3A, %swap3A_249], %add3A_248 {strides = array<i32>} : memref<16x128xf32, #tpu.memory_space<vmem>>, vector<16x128xf32>,
    } else {
    }
    return
  }
  func.func @transform_0(%arg0: i32) -> (i32, i32, i32) {
    %c0_i32 = arith.constant 0 : i32
    %c0_i32_0 = arith.constant 0 : i32
    %c0_i32_1 = arith.constant 0 : i32
    return %c0_i32, %arg0, %c0_i32_0 : i32, i32, i32
  }
  func.func @transform_1(%arg0: i32) -> (i32, i32) {
    %c0_i32 = arith.constant 0 : i32
    %c0_i32_0 = arith.constant 0 : i32
    return %arg0, %c0_i32 : i32, i32
  }
  func.func @transform_2(%arg0: i32) -> (i32, i32) {
    %c0_i32 = arith.constant 0 : i32
    %c0_i32_0 = arith.constant 0 : i32
    return %arg0, %c0_i32 : i32, i32
  }
  func.func @transform_3(%arg0: i32) -> (i32, i32) {
    %c0_i32 = arith.constant 0 : i32
    %c0_i32_0 = arith.constant 0 : i32
    %c0_i32_1 = arith.constant 0 : i32
    return %c0_i32, %c0_i32_0 : i32, i32
  }
  func.func @transform_4(%arg0: i32) -> (i32, i32) {
    %c0_i32 = arith.constant 0 : i32
    %c0_i32_0 = arith.constant 0 : i32
    return %arg0, %c0_i32 : i32, i32
  }
  func.func @transform_5(%arg0: i32) -> (i32, i32) {
    %c0_i32 = arith.constant 0 : i32
    %c0_i32_0 = arith.constant 0 : i32
    %c0_i32_1 = arith.constant 0 : i32
    return %c0_i32, %c0_i32_0 : i32, i32
  }
  func.func @transform_6(%arg0: i32) -> (i32, i32) {
    %c0_i32 = arith.constant 0 : i32
    %c0_i32_0 = arith.constant 0 : i32
    %c0_i32_1 = arith.constant 0 : i32
    return %c0_i32, %c0_i32_0 : i32, i32
  }
  func.func @transform_7(%arg0: i32) -> (i32, i32) {
    %c0_i32 = arith.constant 0 : i32
    %c0_i32_0 = arith.constant 0 : i32
    %c0_i32_1 = arith.constant 0 : i32
    return %c0_i32, %c0_i32_0 : i32, i32
  }
  func.func @transform_8(%arg0: i32) -> (i32, i32) {
    %c0_i32 = arith.constant 0 : i32
    %c0_i32_0 = arith.constant 0 : i32
    %c0_i32_1 = arith.constant 0 : i32
    return %c0_i32, %c0_i32_0 : i32, i32
  }
  func.func @transform_9(%arg0: i32) -> (i32, i32) {
    %c0_i32 = arith.constant 0 : i32
    %c0_i32_0 = arith.constant 0 : i32
    %c0_i32_1 = arith.constant 0 : i32
    return %c0_i32, %c0_i32_0 : i32, i32
  }
  func.func @transform_10(%arg0: i32) -> (i32, i32) {
    %c0_i32 = arith.constant 0 : i32
    %c0_i32_0 = arith.constant 0 : i32
    %c0_i32_1 = arith.constant 0 : i32
    return %c0_i32, %c0_i32_0 : i32, i32
  }
}

</mosaic_0001>

<sc_bundles>
// kernel: kernel.11.cloned.1.call-start
scs
__scs_entry_jumppad:
0x0: {  	(pc) =	sbr.rel $0x88, $3  }
0x1: {  	(tag) =	ssettag $0x0;
	lr =	simm.s32 $0x1  }
0x2: {  	[smem:$0x3F94] =	sst lr;
	_ =	strace $0xD0000000  }
0x3: {  	_ = 	snop  }
0x4: {  	_ = 	snop  }
0x5: {  	_ = 	snop  }
0x6: {  	_ = 	snop  }
0x7: {  	_ = 	snop  }
__scs_overlays_trampoline_lowered:
0x8: {  	[smem:$0x3FA3] =	sst s0  }
0x9: {  	[smem:$0x3FA4] =	sst s1  }
0xa: {  	[smem:$0x3FA5] =	sst s2  }
0xb: {  	[smem:$0x3FA6] =	sst s3  }
0xc: {  	[smem:$0x3FA7] =	sst s4  }
0xd: {  	[smem:$0x3FA8] =	sst s5  }
0xe: {  	[smem:$0x3FA9] =	sst s6  }
0xf: {  	[smem:$0x3FAA] =	sst s7  }
0x10: {  	[smem:$0x3FAB] =	sst s8  }
0x11: {  	[smem:$0x3FAC] =	sst s9;
	s0 =	simm.s32 @!p0 $0x0  }
0x12: {  	s1 =	sld [smem:$0x3F92];
	s0 =	simm.s32 @p0 $0x1  }
0x13: {  	[smem:$0x3FAD] =	sst s0;
	s0 =	simm.s32 @!p1 $0x0  }
0x14: {  	s2 =	sld [smem:$0x3F91];
	s0 =	simm.s32 @p1 $0x1  }
0x15: {  	[smem:$0x3FAE] =	sst s0;
	s0 =	simm.s32 @!p2 $0x0  }
0x16: {  	s3 =	sld [smem:$0x3FDB];
	s0 =	simm.s32 @p2 $0x1  }
0x17: {  	s4 =	simm.s32 $0x1BF5;
	[smem:$0x3FB0] =	sst s0  }
0x18: {  	s0 =	sld [smem:$0x3F93];
	_ =	swait.ge [sflag:s4], $0x0  }
0x19: {  	s7 =	sld [smem:$0x3F94]  }
0x1a: {  	s8 =	sadd.s32 $0xFFFFE003, lr  }
0x1b: {  	s9 =	sadd.s32 $0xFFFFFEF7, lr;
	s5 =	simm.s32 $0xFFFFFFFF;
	p2 =	slt.u32 s8, $0xFFFFF086  }
0x1c: {  	p1 =	slt.u32 s9, $0xF7A;
	s5 =	simm.s32 @!p2 $0x0  }
0x1d: {  	s5 =	simm.s32 @p1 $0x1;
	p0 =	seq.s32 s7, s2  }
0x1e: {  	s7 =	smul.u32 @!p0 $0xF7A, s2;
	p2 =	seq.s32 @!p0 s5, $0x0  }
0x1f: {  	s9 =	smul.u32 $0xF7A, s1;
	s8 =	simm.s32 @!p0 $0x1BF5;
	p2 =	por !p2, p0  }
0x20: {  	[sflag:s8] =	ssyncset.s32 @!p0 $0xFFFFF086;
	s6 =	sadd.s32 @!p0 s3, s7;
	s7 =	simm.s32 @!p0 $0x108  }
0x21: {  	s3 =	sadd.s32 s3, s9;
	s6 =	sadd.s32 @!p0 $0x88, s6;
	s7 =	simm.s32 @p2 $0x1082  }
0x22: {  	[simem:s7], [sflag:s8] =	dma.local @!p0 [hbm:s6], $0xF7A  }
0x23: {  	s9 =	sor.u32 $0xD0000000, s2;
	s6 =	simm.s32 $0x108;
	_ =	swait.ge @!p0 [sflag:s8], $0x0  }
0x24: {  	s3 =	sadd.s32 $0x88, s3;
	s6 =	simm.s32 @!p1 $0x1082;
	[sflag:s4] =	ssyncset.s32 $0xFFFFF086  }
0x25: {  	[simem:s6], [sflag:s4] =	dma.local [hbm:s3], $0xF7A  }
0x26: {  	[smem:$0x3F94] =	sst s1;
	(tag) =	ssettag s2;
	_ =	strace s9  }
0x27: {  	s1 =	sld [smem:$0x3FA4]  }
0x28: {  	s2 =	sld [smem:$0x3FA5]  }
0x29: {  	s4 =	sld [smem:$0x3FA7]  }
0x2a: {  	p0 =	seq.s32 s5, $0x0;
	s5 =	sld [smem:$0x3FA8]  }
0x2b: {  	s6 =	sld [smem:$0x3FA9]  }
0x2c: {  	s7 =	sld [smem:$0x3FAA]  }
0x2d: {  	s3 =	simm.s32 $0x108;
	s8 =	sld [smem:$0x3FAB]  }
0x2e: {  	s3 =	simm.s32 @!p0 $0x1082;
	s9 =	sld [smem:$0x3FAC]  }
0x2f: {  	lr =	sadd.s32 s0, s3;
	s0 =	sld [smem:$0x3FA3]  }
0x30: {  	s3 =	sld [smem:$0x3FA6]  }
0x31: {  	[smem:$0x3FAF] =	sst s10  }
0x32: {  	s10 =	sld [smem:$0x3FAD];
	_ =	sdelay $0x3  }
0x33: {  	p0 =	seq.s32 s10, $0x1;
	s10 =	sld [smem:$0x3FAF];
	_ =	sdelay $0x3  }
0x34: {  	[smem:$0x3FAF] =	sst s10  }
0x35: {  	s10 =	sld [smem:$0x3FAE];
	_ =	sdelay $0x3  }
0x36: {  	p1 =	seq.s32 s10, $0x1;
	s10 =	sld [smem:$0x3FAF];
	_ =	sdelay $0x3  }
0x37: {  	[smem:$0x3FAF] =	sst s10  }
0x38: {  	s10 =	sld [smem:$0x3FB0]  }
0x39: {  	_ = 	snop;
	(pc) =	sbr.ind lr, $3  }
0x3a: {  	_ = 	snop  }
0x3b: {  	_ = 	snop  }
0x3c: {  	p2 =	seq.s32 s10, $0x1;
	s10 =	sld [smem:$0x3FAF]  }
0x3d: {  	_ =	shalt  }
0x3e: {  	_ =	shalt  }
0x3f: {  	_ =	shalt  }
0x40: {  	_ =	shalt  }
0x41: {  	_ =	shalt  }
0x42: {  	_ =	shalt  }
0x43: {  	_ =	shalt  }
0x44: {  	_ =	shalt  }
0x45: {  	_ =	shalt  }
0x46: {  	_ =	shalt  }
0x47: {  	_ =	shalt  }
0x48: {  	_ =	shalt  }
0x49: {  	_ =	shalt  }
0x4a: {  	_ =	shalt  }
0x4b: {  	_ =	shalt  }
0x4c: {  	_ =	shalt  }
0x4d: {  	_ =	shalt  }
0x4e: {  	_ =	shalt  }
0x4f: {  	_ =	shalt  }
0x50: {  	_ =	shalt  }
0x51: {  	_ =	shalt  }
0x52: {  	_ =	shalt  }
0x53: {  	_ =	shalt  }
0x54: {  	_ =	shalt  }
0x55: {  	_ =	shalt  }
0x56: {  	_ =	shalt  }
0x57: {  	_ =	shalt  }
0x58: {  	_ =	shalt  }
0x59: {  	_ =	shalt  }
0x5a: {  	_ =	shalt  }
0x5b: {  	_ =	shalt  }
0x5c: {  	_ =	shalt  }
0x5d: {  	_ =	shalt  }
0x5e: {  	_ =	shalt  }
0x5f: {  	_ =	shalt  }
0x60: {  	_ =	shalt  }
0x61: {  	_ =	shalt  }
0x62: {  	_ =	shalt  }
0x63: {  	_ =	shalt  }
0x64: {  	_ =	shalt  }
0x65: {  	_ =	shalt  }
0x66: {  	_ =	shalt  }
0x67: {  	_ =	shalt  }
0x68: {  	_ =	shalt  }
0x69: {  	_ =	shalt  }
0x6a: {  	_ =	shalt  }
0x6b: {  	_ =	shalt  }
0x6c: {  	_ =	shalt  }
0x6d: {  	_ =	shalt  }
0x6e: {  	_ =	shalt  }
0x6f: {  	_ =	shalt  }
0x70: {  	_ =	shalt  }
0x71: {  	_ =	shalt  }
0x72: {  	_ =	shalt  }
0x73: {  	_ =	shalt  }
0x74: {  	_ =	shalt  }
0x75: {  	_ =	shalt  }
0x76: {  	_ =	shalt  }
0x77: {  	_ =	shalt  }
0x78: {  	_ =	shalt  }
0x79: {  	_ =	shalt  }
0x7a: {  	_ =	shalt  }
0x7b: {  	_ =	shalt  }
0x7c: {  	_ =	shalt  }
0x7d: {  	_ =	shalt  }
0x7e: {  	_ =	shalt  }
0x7f: {  	_ =	shalt  }
0x80: {  	_ =	shalt  }
0x81: {  	_ =	shalt  }
0x82: {  	_ =	shalt  }
0x83: {  	_ =	shalt  }
0x84: {  	_ =	shalt  }
0x85: {  	_ =	shalt  }
0x86: {  	_ =	shalt  }
0x87: {  	_ =	shalt  }
.Lfunc_end0:
.L_simem_size_0:
called_computation_lowered:
.L_overlay_start_0:
0x88: {  	s2 =	sld [smem:$0x3FD9]  }
0x89: {  	s3 =	sld [smem:$0x3FFE];
	_ =	sdelay $0x1  }
0x8a: {  	s1 =	srdreg.scid  }
0x8b: {  	s0 =	sand.u32 $0x1, s1  }
0x8c: {  	s16 =	sshll.u32 s0, $0xA;
	s2 =	sadd.s32 s3, s2  }
0x8d: {  	s2 =	sadd.s32 s2, s16  }
0x8e: {  	[smem:$0x3FBB] =	sst s2  }
0x8f: {  	_ = 	snop  }
0x90: {  	(tm) =	ssettm $0x1  }
0x91: {  	s17 =	sld [smem:$0x3FFB];
	_ =	sdelay $0x3  }
0x92: {  	_ =	strace s17  }
0x93: {  	s2 =	sld [smem:$0x3FFC];
	_ =	sdelay $0x3  }
0x94: {  	_ =	strace s2  }
0x95: {  	s2 =	sld [smem:$0x3FFD];
	_ =	sdelay $0x3  }
0x96: {  	_ =	strace s2  }
0x97: {  	_ =	strace $0x8FFFFFFF  }
0x98: {  	s18 =	sld [smem:$0x3FDB];
	_ =	sdelay $0x1  }
0x99: {  	s19 =	simm.s32 $_scs_section_size  }
0x9a: {  	s4 =	simm.s32 $_size__tile_overlayer_lowered;
	s5 =	simm.s32 $_tile_overlayer_lowered  }
0x9b: {  	s22 =	simm.s32 $0x1BFF;
	s21 =	sshll.u32 s5, $0x1;
	s2 =	sadd.s32 s19, s18  }
0x9c: {  	s6 =	simm.s32 $0x0;
	s20 =	sshll.u32 s4, $0x1;
	s4 =	sadd.s32 s21, s2  }
0x9d: {  	[timem:s6], [sflag:s22] =	dma.local [hbm:s4], s20  }
0x9e: {  	_ =	swait.ge [sflag:s22], s20  }
0x9f: {  	s3 =	ssub.s32 $0x0, s20;
	[sflag:s22] =	ssyncset.done $0x0  }
0xa0: {  	[sflag:s22] =	ssyncadd.s32 s3;
	_ =	sdelay $0x1  }
0xa1: {  	s23 =	simm.s32 $0x1B8B  }
0xa2: {  	_ =	swait.ge [sflag:s23], $0x1  }
0xa3: {  	[sflag:s23] =	ssyncset.done $0x0  }
0xa4: {  	s25 =	simm.s32 $0x1B8E;
	s24 =	sld [smem:$0x3FFE];
	[sflag:s23] =	ssyncadd.s32 $0xFFFFFFFF  }
0xa5: {  	s26 =	simm.s32 $execute0_lowered;
	[smem:$0x3FD2] =	sst s25  }
0xa6: {  	s4 =	sshll.u32 s26, $0x1;
	_ =	strace $0x80000046;
	[dreg:$0x1] =	wrdreg $0xFFFFFFFF  }
0xa7: {  	s28 =	simm.s32 $_size_execute0_lowered;
	s2 =	sadd.s32 s2, s4;
	[dreg:$0x0] =	wrdreg $0x0  }
0xa8: {  	s4 =	sshll.u32 s28, $0x1;
	[dreg:$0x2] =	wrdreg s2  }
0xa9: {  	[dreg:$0x3] =	wrdreg s4  }
0xaa: {  	[dreg:$0x4] =	wrdreg $0xC0  }
0xab: {  	_ =	task [dreg:s6], $0x5FFFF  }
0xac: {  	[dreg:$0x1] =	wrdreg $0xFFFFFFFF  }
0xad: {  	[dreg:$0x0] =	wrdreg $0x60  }
0xae: {  	[dreg:$0x2] =	wrdreg s24  }
0xaf: {  	[dreg:$0x3] =	wrdreg $0x68000  }
0xb0: {  	[dreg:$0x4] =	wrdreg $0x9  }
0xb1: {  	_ =	task.clear_ibuf [dreg:s6], $0x5FFFF;
	_ =	strace $0x90000046  }
0xb2: {  	s29 =	simm.s32 $0x9;
	_ =	strace $0x80000048  }
0xb3: {  	_ =	swait.ge [sflag:s29], $0x1  }
0xb4: {  	[sflag:s29] =	ssyncadd.s32 $0xFFFFFFFF  }
0xb5: {  	_ =	strace $0x90000048  }
0xb6: {  	_ =	sfence  }
0xb7: {  	s30 =	sld [smem:$0x0];
	_ =	sdelay $0x2  }
0xb8: {  	s31 =	sshll.u32 s1, $0xD;
	s1 =	sshrl.u32 s1, $0x2  }
0xb9: {  	s3 =	sand.u32 $0x4000, s31;
	s1 =	sadd.s32 s1, s30  }
0xba: {  	s0 =	sor.u32 s3, s0;
	s1 =	sshll.u32 s1, $0x11  }
0xbb: {  	s0 =	sor.u32 s1, s0  }
0xbc: {  	s0 =	sadd.s32 $0x8F2B, s0  }
0xbd: {  	[sflag:s0] =	ssyncadd.remote.s32 $0x1  }
0xbe: {  	_ =	sfence.sel $0xFFFF  }
0xbf: {  	[dreg:$0x0] =	wrdreg $0xFFFFFFFF;
	(pc) =	sbr.abs _section_cstart, $3  }
0xc0: {  	[dreg:$0x1] =	wrdreg $0xFFFFFFFF  }
0xc1: {  	_ =	task.clear_ibuf [dreg:s6], $0x2FFFF;
	_ =	strace $0x9FFFFFFF  }
0xc2: {  	(tm) =	ssettm $0x7FFFFFFF  }
0xc3: {  	_ =	shalt  }
tec
execute0_lowered:
.L_overlay_start_1:
0x0: {  	(tag) =	ssettag $0x1  }
0x1: {  	s7 =	rddreg [dreg:$0x0]  }
0x2: {  	s0 =	srdreg.scid;
	s2 =	rddreg [dreg:$0x1]  }
0x3: {  	s3 =	simm.s32 $0x0;
	s13 =	simm.s32 $0x80;
	s6 =	sand.u32 $0x1, s0  }
0x4: {  	s14 =	simm.s32 $0x0;
	s0 =	stileid.u32;
	s5 =	smul.u32 $0x140000, s6  }
0x5: {  	[smem:$0x7FF] =	sst s3;
	s1 =	sshll.u32 s6, $0x4;
	s8 =	smul.u32 $0x14000, s0  }
0x6: {  	s10 =	smul.u32 $0x50000, s0;
	s6 =	ssub.s32 $0x2, s6;
	s11 =	sshll.u32 s0, $0x6  }
0x7: {  	s1 =	sor.u32 s0, s1;
	s31 =	sshrl.u32 s6, $0x1;
	s11 =	sor.u32 $0x1C01, s11  }
0x8: {  	s4 =	smul.u32 $0x500, s1;
	s1 =	rddreg [dreg:$0x2];
	_ =	strace $0x80000047  }
0x9: {  	s8 =	sadd.s32 s8, s5;
	s5 =	sadd.s32 $0x18C00, s7;
	s10 =	sshrl.u32 s10, $0x2  }
0xa: {  	s8 =	sshrl.u32 s8, $0x3;
	s12 =	sadd.s32 s10, s2;
	s10 =	simm.s32 $0x2800  }
0xb: {  	s9 =	sadd.s32 s4, s7;
	s4 =	sadd.s32 $0x1B400, s7;
	s7 =	sadd.s32 s8, s7  }
0xc: {  	s8 =	ssub.s32 s6, s31;
	s12 =	sshrl.u32 s12, $0x3;
	s6 =	sadd.s32 $0x4C00, s9  }
0xd: {  	s7 =	sadd.s32 $0x1BC00, s7;
	s8 =	smax.u32 s8, $0x1;
	s9 =	simm.s32 $0x1  }
.LBB2_1:
0xe: {  	[tilespmem:s3], [sflag:$0x1] =	stream.linear.gather [hbm4b:s6+s3], $0x2800, $0x38;
	[tilespmem:$0x7C00] =	vst v63  }
0xf: {  	_ =	swait.ge [sflag:s9], $0x2800  }
0x10: {  	[sflag:s9] =	ssyncset.done $0x0  }
0x11: {  	[sflag:s9] =	ssyncadd.s32 $0xFFFFD800  }
0x12: {  	[tilespmem:s10], [sflag:$0x1] =	stream.linear.gather [hbm4b:s4+s3], $0x4000, $0x38;
	[tilespmem:$0x7C00] =	vst v63  }
0x13: {  	_ =	swait.ge [sflag:s9], $0x4000  }
0x14: {  	[sflag:s9] =	ssyncset.done $0x0  }
0x15: {  	[sflag:s9] =	ssyncadd.s32 $0xFFFFC000  }
0x16: {  	[spmem:s12], [sflag:s11] =	dma.local [hbm:s5], $0x2800  }
0x17: {  	_ =	swait.ge [sflag:s9], $0x2800  }
0x18: {  	[sflag:s9] =	ssyncset.done $0x0  }
0x19: {  	[sflag:s9] =	ssyncadd.s32 $0xFFFFD800  }
0x1a: {  	s15 =	simm.s32 $0x0;
	[bflag:$0x0] =	sbarrier.arrive $0xFFFF  }
0x1b: {  	[spmem:s2] =	stream.indirect.scatter.add.f32 [tilespmem:s10], [sflag:$0x1], $0x8, s15, s13, $0xb8;
	[tilespmem:$0x7C00] =	vst v63  }
0x1c: {  	_ =	swait.ge [sflag:s9], $0x400  }
0x1d: {  	s15 =	simm.s32 $0x200;
	[sflag:s9] =	ssyncset.done $0x0  }
.LBB2_2:
0x1e: {  	s16 =	sshra.s32 s15, $0x2;
	[sflag:s9] =	ssyncadd.s32 $0xFFFFFC00;
	p0 =	sne.s32 s15, $0x9E00  }
0x1f: {  	[spmem:s2] =	stream.indirect.scatter.add.f32 [tilespmem:s10], [sflag:$0x1], $0x8, s16, s13, $0xb8;
	[tilespmem:$0x7C00] =	vst v63  }
.Ltmp0:
0x20: {  	_ = 	snop;
	(pc) =	sbr.rel @p0 .LBB2_2-.Ltmp0, $4  }
0x21: {  	_ = 	snop  }
0x22: {  	s15 =	sadd.s32 $0x200, s15  }
0x23: {  	_ =	swait.ge [sflag:s9], $0x400  }
0x24: {  	[sflag:s9] =	ssyncset.done $0x0  }
0x25: {  	s14 =	sadd.s32 $0x1, s14  }
0x26: {  	[sflag:s9] =	ssyncadd.s32 $0xFFFFFC00;
	p0 =	sne.s32 s14, s8  }
.Ltmp1:
0x27: {  	[bflag:$0x0] =	sbarrier.arrive $0xFFFF;
	(pc) =	sbr.rel @p0 .LBB2_1-.Ltmp1, $4  }
0x28: {  	[hbm:s7], [sflag:s11] =	dma.local [spmem:s12], $0x2800  }
0x29: {  	_ =	swait.ge [sflag:s9], $0x2800  }
0x2a: {  	[sflag:s9] =	ssyncset.done $0x0  }
0x2b: {  	[sflag:s9] =	ssyncadd.s32 $0xFFFFD800  }
0x2c: {  	_ =	sfence.sel $0x180000  }
0x2d: {  	[bflag:$0x0] =	sbarrier.arrive $0xFFFF  }
0x2e: {  	p0 =	sne.s32 s0, $0x0;
	_ =	strace $0x90000047  }
0x2f: {  	s0 =	sadd.s32 @!p0 $0x100000, s1;
	[bflag:$0x2] =	sbarrier.arrive $0xFFFF  }
0x30: {  	[sflag:s0] =	ssyncadd.tile.s32 @!p0 $0x1;
	_ =	shalt  }
.Lfunc_end2:
_tile_overlayer_lowered:
.L_overlay_start_2:
0x31: {  	(tag) =	ssettag $0x2  }
0x32: {  	s0 =	rddreg [dreg:$0x0];
	s2 =	stileid.u32  }
0x33: {  	s1 =	rddreg [dreg:$0x1];
	p0 =	sne.s32 s2, $0x0  }
0x34: {  	s3 =	rddreg [dreg:$0x2];
	[bflag:$0x3] =	sbarrier.arrive $0xFFFF;
	s2 =	simm.s32 @!p0 $0x1C01  }
0x35: {  	[timem:s3], [sflag:s2] =	dma.local @!p0 [hbm:s0], s1  }
0x36: {  	s0 =	simm.s32 @!p0 $0x1  }
0x37: {  	_ =	swait.ge @!p0 [sflag:s0], s1  }
0x38: {  	s1 =	ssub.s32 @!p0 $0x0, s1;
	[sflag:s0] =	ssyncset.done @!p0 $0x0  }
0x39: {  	[sflag:s0] =	ssyncadd.s32 @!p0 s1  }
0x3a: {  	[bflag:$0x3] =	sbarrier.arrive $0xFFFF  }
0x3b: {  	_ =	shalt  }

// kernel: kernel.14.cloned.1.call-start
scs
__scs_entry_jumppad:
0x0: {  	(pc) =	sbr.rel $0x88, $3  }
0x1: {  	(tag) =	ssettag $0x0;
	lr =	simm.s32 $0x1  }
0x2: {  	[smem:$0x3F94] =	sst lr;
	_ =	strace $0xD0000000  }
0x3: {  	_ = 	snop  }
0x4: {  	_ = 	snop  }
0x5: {  	_ = 	snop  }
0x6: {  	_ = 	snop  }
0x7: {  	_ = 	snop  }
__scs_overlays_trampoline_lowered:
0x8: {  	[smem:$0x3FA3] =	sst s0  }
0x9: {  	[smem:$0x3FA4] =	sst s1  }
0xa: {  	[smem:$0x3FA5] =	sst s2  }
0xb: {  	[smem:$0x3FA6] =	sst s3  }
0xc: {  	[smem:$0x3FA7] =	sst s4  }
0xd: {  	[smem:$0x3FA8] =	sst s5  }
0xe: {  	[smem:$0x3FA9] =	sst s6  }
0xf: {  	[smem:$0x3FAA] =	sst s7  }
0x10: {  	[smem:$0x3FAB] =	sst s8  }
0x11: {  	[smem:$0x3FAC] =	sst s9;
	s0 =	simm.s32 @!p0 $0x0  }
0x12: {  	s1 =	sld [smem:$0x3F92];
	s0 =	simm.s32 @p0 $0x1  }
0x13: {  	[smem:$0x3FAD] =	sst s0;
	s0 =	simm.s32 @!p1 $0x0  }
0x14: {  	s2 =	sld [smem:$0x3F91];
	s0 =	simm.s32 @p1 $0x1  }
0x15: {  	[smem:$0x3FAE] =	sst s0;
	s0 =	simm.s32 @!p2 $0x0  }
0x16: {  	s3 =	sld [smem:$0x3FDB];
	s0 =	simm.s32 @p2 $0x1  }
0x17: {  	s4 =	simm.s32 $0x1BF5;
	[smem:$0x3FB0] =	sst s0  }
0x18: {  	s0 =	sld [smem:$0x3F93];
	_ =	swait.ge [sflag:s4], $0x0  }
0x19: {  	s7 =	sld [smem:$0x3F94]  }
0x1a: {  	s8 =	sadd.s32 $0xFFFFE003, lr  }
0x1b: {  	s9 =	sadd.s32 $0xFFFFFEF7, lr;
	s5 =	simm.s32 $0xFFFFFFFF;
	p2 =	slt.u32 s8, $0xFFFFF086  }
0x1c: {  	p1 =	slt.u32 s9, $0xF7A;
	s5 =	simm.s32 @!p2 $0x0  }
0x1d: {  	s5 =	simm.s32 @p1 $0x1;
	p0 =	seq.s32 s7, s2  }
0x1e: {  	s7 =	smul.u32 @!p0 $0xF7A, s2;
	p2 =	seq.s32 @!p0 s5, $0x0  }
0x1f: {  	s9 =	smul.u32 $0xF7A, s1;
	s8 =	simm.s32 @!p0 $0x1BF5;
	p2 =	por !p2, p0  }
0x20: {  	[sflag:s8] =	ssyncset.s32 @!p0 $0xFFFFF086;
	s6 =	sadd.s32 @!p0 s3, s7;
	s7 =	simm.s32 @!p0 $0x108  }
0x21: {  	s3 =	sadd.s32 s3, s9;
	s6 =	sadd.s32 @!p0 $0x88, s6;
	s7 =	simm.s32 @p2 $0x1082  }
0x22: {  	[simem:s7], [sflag:s8] =	dma.local @!p0 [hbm:s6], $0xF7A  }
0x23: {  	s9 =	sor.u32 $0xD0000000, s2;
	s6 =	simm.s32 $0x108;
	_ =	swait.ge @!p0 [sflag:s8], $0x0  }
0x24: {  	s3 =	sadd.s32 $0x88, s3;
	s6 =	simm.s32 @!p1 $0x1082;
	[sflag:s4] =	ssyncset.s32 $0xFFFFF086  }
0x25: {  	[simem:s6], [sflag:s4] =	dma.local [hbm:s3], $0xF7A  }
0x26: {  	[smem:$0x3F94] =	sst s1;
	(tag) =	ssettag s2;
	_ =	strace s9  }
0x27: {  	s1 =	sld [smem:$0x3FA4]  }
0x28: {  	s2 =	sld [smem:$0x3FA5]  }
0x29: {  	s4 =	sld [smem:$0x3FA7]  }
0x2a: {  	p0 =	seq.s32 s5, $0x0;
	s5 =	sld [smem:$0x3FA8]  }
0x2b: {  	s6 =	sld [smem:$0x3FA9]  }
0x2c: {  	s7 =	sld [smem:$0x3FAA]  }
0x2d: {  	s3 =	simm.s32 $0x108;
	s8 =	sld [smem:$0x3FAB]  }
0x2e: {  	s3 =	simm.s32 @!p0 $0x1082;
	s9 =	sld [smem:$0x3FAC]  }
0x2f: {  	lr =	sadd.s32 s0, s3;
	s0 =	sld [smem:$0x3FA3]  }
0x30: {  	s3 =	sld [smem:$0x3FA6]  }
0x31: {  	[smem:$0x3FAF] =	sst s10  }
0x32: {  	s10 =	sld [smem:$0x3FAD];
	_ =	sdelay $0x3  }
0x33: {  	p0 =	seq.s32 s10, $0x1;
	s10 =	sld [smem:$0x3FAF];
	_ =	sdelay $0x3  }
0x34: {  	[smem:$0x3FAF] =	sst s10  }
0x35: {  	s10 =	sld [smem:$0x3FAE];
	_ =	sdelay $0x3  }
0x36: {  	p1 =	seq.s32 s10, $0x1;
	s10 =	sld [smem:$0x3FAF];
	_ =	sdelay $0x3  }
0x37: {  	[smem:$0x3FAF] =	sst s10  }
0x38: {  	s10 =	sld [smem:$0x3FB0]  }
0x39: {  	_ = 	snop;
	(pc) =	sbr.ind lr, $3  }
0x3a: {  	_ = 	snop  }
0x3b: {  	_ = 	snop  }
0x3c: {  	p2 =	seq.s32 s10, $0x1;
	s10 =	sld [smem:$0x3FAF]  }
0x3d: {  	_ =	shalt  }
0x3e: {  	_ =	shalt  }
0x3f: {  	_ =	shalt  }
0x40: {  	_ =	shalt  }
0x41: {  	_ =	shalt  }
0x42: {  	_ =	shalt  }
0x43: {  	_ =	shalt  }
0x44: {  	_ =	shalt  }
0x45: {  	_ =	shalt  }
0x46: {  	_ =	shalt  }
0x47: {  	_ =	shalt  }
0x48: {  	_ =	shalt  }
0x49: {  	_ =	shalt  }
0x4a: {  	_ =	shalt  }
0x4b: {  	_ =	shalt  }
0x4c: {  	_ =	shalt  }
0x4d: {  	_ =	shalt  }
0x4e: {  	_ =	shalt  }
0x4f: {  	_ =	shalt  }
0x50: {  	_ =	shalt  }
0x51: {  	_ =	shalt  }
0x52: {  	_ =	shalt  }
0x53: {  	_ =	shalt  }
0x54: {  	_ =	shalt  }
0x55: {  	_ =	shalt  }
0x56: {  	_ =	shalt  }
0x57: {  	_ =	shalt  }
0x58: {  	_ =	shalt  }
0x59: {  	_ =	shalt  }
0x5a: {  	_ =	shalt  }
0x5b: {  	_ =	shalt  }
0x5c: {  	_ =	shalt  }
0x5d: {  	_ =	shalt  }
0x5e: {  	_ =	shalt  }
0x5f: {  	_ =	shalt  }
0x60: {  	_ =	shalt  }
0x61: {  	_ =	shalt  }
0x62: {  	_ =	shalt  }
0x63: {  	_ =	shalt  }
0x64: {  	_ =	shalt  }
0x65: {  	_ =	shalt  }
0x66: {  	_ =	shalt  }
0x67: {  	_ =	shalt  }
0x68: {  	_ =	shalt  }
0x69: {  	_ =	shalt  }
0x6a: {  	_ =	shalt  }
0x6b: {  	_ =	shalt  }
0x6c: {  	_ =	shalt  }
0x6d: {  	_ =	shalt  }
0x6e: {  	_ =	shalt  }
0x6f: {  	_ =	shalt  }
0x70: {  	_ =	shalt  }
0x71: {  	_ =	shalt  }
0x72: {  	_ =	shalt  }
0x73: {  	_ =	shalt  }
0x74: {  	_ =	shalt  }
0x75: {  	_ =	shalt  }
0x76: {  	_ =	shalt  }
0x77: {  	_ =	shalt  }
0x78: {  	_ =	shalt  }
0x79: {  	_ =	shalt  }
0x7a: {  	_ =	shalt  }
0x7b: {  	_ =	shalt  }
0x7c: {  	_ =	shalt  }
0x7d: {  	_ =	shalt  }
0x7e: {  	_ =	shalt  }
0x7f: {  	_ =	shalt  }
0x80: {  	_ =	shalt  }
0x81: {  	_ =	shalt  }
0x82: {  	_ =	shalt  }
0x83: {  	_ =	shalt  }
0x84: {  	_ =	shalt  }
0x85: {  	_ =	shalt  }
0x86: {  	_ =	shalt  }
0x87: {  	_ =	shalt  }
.Lfunc_end0:
.L_simem_size_0:
called_computation.1_lowered:
.L_overlay_start_0:
0x88: {  	s2 =	sld [smem:$0x3FD9]  }
0x89: {  	s3 =	sld [smem:$0x3FFE];
	_ =	sdelay $0x1  }
0x8a: {  	s1 =	srdreg.scid  }
0x8b: {  	s0 =	sand.u32 $0x1, s1  }
0x8c: {  	s16 =	sshll.u32 s0, $0xA;
	s2 =	sadd.s32 s3, s2  }
0x8d: {  	s2 =	sadd.s32 s2, s16  }
0x8e: {  	[smem:$0x3FBB] =	sst s2  }
0x8f: {  	_ = 	snop  }
0x90: {  	(tm) =	ssettm $0x1  }
0x91: {  	s17 =	sld [smem:$0x3FFB];
	_ =	sdelay $0x3  }
0x92: {  	_ =	strace s17  }
0x93: {  	s2 =	sld [smem:$0x3FFC];
	_ =	sdelay $0x3  }
0x94: {  	_ =	strace s2  }
0x95: {  	s2 =	sld [smem:$0x3FFD];
	_ =	sdelay $0x3  }
0x96: {  	_ =	strace s2  }
0x97: {  	_ =	strace $0x8FFFFFFF  }
0x98: {  	s18 =	sld [smem:$0x3FDB];
	_ =	sdelay $0x1  }
0x99: {  	s19 =	simm.s32 $_scs_section_size  }
0x9a: {  	s4 =	simm.s32 $_size__tile_overlayer_lowered;
	s5 =	simm.s32 $_tile_overlayer_lowered  }
0x9b: {  	s22 =	simm.s32 $0x1BFF;
	s21 =	sshll.u32 s5, $0x1;
	s2 =	sadd.s32 s19, s18  }
0x9c: {  	s6 =	simm.s32 $0x0;
	s20 =	sshll.u32 s4, $0x1;
	s4 =	sadd.s32 s21, s2  }
0x9d: {  	[timem:s6], [sflag:s22] =	dma.local [hbm:s4], s20  }
0x9e: {  	_ =	swait.ge [sflag:s22], s20  }
0x9f: {  	s3 =	ssub.s32 $0x0, s20;
	[sflag:s22] =	ssyncset.done $0x0  }
0xa0: {  	[sflag:s22] =	ssyncadd.s32 s3;
	_ =	sdelay $0x1  }
0xa1: {  	s23 =	simm.s32 $0x1B8B  }
0xa2: {  	_ =	swait.ge [sflag:s23], $0x1  }
0xa3: {  	[sflag:s23] =	ssyncset.done $0x0  }
0xa4: {  	s25 =	simm.s32 $0x1B8E;
	s24 =	sld [smem:$0x3FFE];
	[sflag:s23] =	ssyncadd.s32 $0xFFFFFFFF  }
0xa5: {  	s26 =	simm.s32 $execute0_lowered;
	[smem:$0x3FD2] =	sst s25  }
0xa6: {  	s4 =	sshll.u32 s26, $0x1;
	_ =	strace $0x80000049;
	[dreg:$0x1] =	wrdreg $0xFFFFFFFF  }
0xa7: {  	s28 =	simm.s32 $_size_execute0_lowered;
	s2 =	sadd.s32 s2, s4;
	[dreg:$0x0] =	wrdreg $0x0  }
0xa8: {  	s4 =	sshll.u32 s28, $0x1;
	[dreg:$0x2] =	wrdreg s2  }
0xa9: {  	[dreg:$0x3] =	wrdreg s4  }
0xaa: {  	[dreg:$0x4] =	wrdreg $0xC0  }
0xab: {  	_ =	task [dreg:s6], $0x5FFFF  }
0xac: {  	[dreg:$0x1] =	wrdreg $0xFFFFFFFF  }
0xad: {  	[dreg:$0x0] =	wrdreg $0x60  }
0xae: {  	[dreg:$0x2] =	wrdreg s24  }
0xaf: {  	[dreg:$0x3] =	wrdreg $0x90000  }
0xb0: {  	[dreg:$0x4] =	wrdreg $0x9  }
0xb1: {  	_ =	task.clear_ibuf [dreg:s6], $0x5FFFF;
	_ =	strace $0x90000049  }
0xb2: {  	s29 =	simm.s32 $0x9;
	_ =	strace $0x8000004B  }
0xb3: {  	_ =	swait.ge [sflag:s29], $0x1  }
0xb4: {  	[sflag:s29] =	ssyncadd.s32 $0xFFFFFFFF  }
0xb5: {  	_ =	strace $0x9000004B  }
0xb6: {  	_ =	sfence  }
0xb7: {  	s30 =	sld [smem:$0x0];
	_ =	sdelay $0x2  }
0xb8: {  	s31 =	sshll.u32 s1, $0xD;
	s1 =	sshrl.u32 s1, $0x2  }
0xb9: {  	s3 =	sand.u32 $0x4000, s31;
	s1 =	sadd.s32 s1, s30  }
0xba: {  	s0 =	sor.u32 s3, s0;
	s1 =	sshll.u32 s1, $0x11  }
0xbb: {  	s0 =	sor.u32 s1, s0  }
0xbc: {  	s0 =	sadd.s32 $0x8F2B, s0  }
0xbd: {  	[sflag:s0] =	ssyncadd.remote.s32 $0x1  }
0xbe: {  	_ =	sfence.sel $0xFFFF  }
0xbf: {  	[dreg:$0x0] =	wrdreg $0xFFFFFFFF;
	(pc) =	sbr.abs _section_cstart, $3  }
0xc0: {  	[dreg:$0x1] =	wrdreg $0xFFFFFFFF  }
0xc1: {  	_ =	task.clear_ibuf [dreg:s6], $0x2FFFF;
	_ =	strace $0x9FFFFFFF  }
0xc2: {  	(tm) =	ssettm $0x7FFFFFFF  }
0xc3: {  	_ =	shalt  }
tec
execute0_lowered:
.L_overlay_start_1:
0x0: {  	(tag) =	ssettag $0x1  }
0x1: {  	s6 =	rddreg [dreg:$0x0]  }
0x2: {  	s0 =	srdreg.scid;
	s2 =	rddreg [dreg:$0x1]  }
0x3: {  	s3 =	simm.s32 $0x0;
	s14 =	simm.s32 $0x80;
	s15 =	simm.s32 $0x5000  }
0x4: {  	s16 =	simm.s32 $0x1;
	s5 =	sand.u32 $0x1, s0;
	s0 =	stileid.u32  }
0x5: {  	s17 =	simm.s32 $0x0;
	[smem:$0x7FF] =	sst s3;
	s8 =	smul.u32 $0x140000, s5  }
0x6: {  	s4 =	sadd.s32 $0x18C00, s6;
	s1 =	sshll.u32 s5, $0x4;
	s9 =	smul.u32 $0x14000, s0  }
0x7: {  	s30 =	ssub.s32 $0x2, s5;
	s11 =	smul.u32 $0x50000, s0;
	s5 =	sadd.s32 $0x40C00, s6  }
0x8: {  	s12 =	sshll.u32 s0, $0x6;
	s1 =	sor.u32 s0, s1;
	s10 =	sshrl.u32 s30, $0x1  }
0x9: {  	s12 =	sor.u32 $0x1C02, s12;
	s7 =	smul.u32 $0x500, s1;
	s1 =	rddreg [dreg:$0x2]  }
0xa: {  	_ =	strace $0x8000004A;
	s8 =	sadd.s32 s9, s8;
	s9 =	ssub.s32 s30, s10  }
0xb: {  	s31 =	sshrl.u32 s11, $0x2;
	s10 =	simm.s32 $0x2;
	s11 =	simm.s32 $0x2800  }
0xc: {  	s8 =	sshrl.u32 s8, $0x3;
	s13 =	sadd.s32 s31, s2;
	s9 =	smax.u32 s9, $0x1  }
0xd: {  	s7 =	sadd.s32 s7, s6;
	s8 =	sadd.s32 s8, s6;
	s13 =	sshrl.u32 s13, $0x3  }
0xe: {  	s6 =	sadd.s32 $0xEC00, s7;
	s7 =	sadd.s32 $0x4C00, s7;
	s8 =	sadd.s32 $0x43400, s8  }
.LBB2_1:
0xf: {  	[tilespmem:s3], [sflag:$0x2] =	stream.linear.gather [hbm4b:s6+s3], $0x2800, $0x38;
	[tilespmem:$0x1D000] =	vst v63  }
0x10: {  	_ =	swait.ge [sflag:s10], $0x2800  }
0x11: {  	[sflag:s10] =	ssyncset.done $0x0  }
0x12: {  	[sflag:s10] =	ssyncadd.s32 $0xFFFFD800  }
0x13: {  	[tilespmem:s11], [sflag:$0x2] =	stream.linear.gather [hbm4b:s7+s3], $0x2800, $0x38;
	[tilespmem:$0x1D000] =	vst v63  }
0x14: {  	_ =	swait.ge [sflag:s10], $0x2800  }
0x15: {  	[sflag:s10] =	ssyncset.done $0x0  }
0x16: {  	[sflag:s10] =	ssyncadd.s32 $0xFFFFD800  }
0x17: {  	[spmem:s13], [sflag:s12] =	dma.local [hbm:s5], $0x2800  }
0x18: {  	_ =	swait.ge [sflag:s10], $0x2800  }
0x19: {  	[sflag:s10] =	ssyncset.done $0x0  }
0x1a: {  	[sflag:s10] =	ssyncadd.s32 $0xFFFFD800  }
0x1b: {  	s18 =	simm.s32 $0x0;
	[bflag:$0x0] =	sbarrier.arrive $0xFFFF  }
0x1c: {  	[tilespmem:s15], [sflag:$0x1] =	stream.indirect.gather [hbm4b:s4+s14], $0x80, s18, s14, $0xb8;
	[tilespmem:$0x1D000] =	vst v63  }
0x1d: {  	_ =	swait.ge [sflag:s16], $0x4000  }
0x1e: {  	[sflag:s16] =	ssyncset.done $0x0  }
0x1f: {  	s31 =	simm.s32 $0x2800;
	[sflag:s16] =	ssyncadd.s32 $0xFFFFC000  }
0x20: {  	[spmem:s2] =	stream.indirect.scatter.add.f32 [tilespmem:s15], [sflag:$0x2], $0x80, s31, s14, $0xb8;
	[tilespmem:$0x1D000] =	vst v63  }
0x21: {  	_ =	swait.ge [sflag:s10], $0x4000  }
0x22: {  	s19 =	simm.s32 $0x400;
	s18 =	simm.s32 $0x200;
	[sflag:s10] =	ssyncset.done $0x0  }
.LBB2_2:
0x23: {  	s20 =	sshra.s32 s18, $0x2  }
0x24: {  	[sflag:s10] =	ssyncadd.s32 $0xFFFFC000;
	s18 =	smov.u32 s19;
	s21 =	sadd.s32 $0x200, s19  }
0x25: {  	[tilespmem:s15], [sflag:$0x1] =	stream.indirect.gather [hbm4b:s4+s14], $0x80, s20, s14, $0xb8;
	[tilespmem:$0x1D000] =	vst v63  }
0x26: {  	p0 =	sne.s32 s19, $0x9E00;
	_ =	swait.ge [sflag:s16], $0x4000  }
.Ltmp0:
0x27: {  	[sflag:s16] =	ssyncset.done $0x0;
	(pc) =	sbr.rel @p0 .LBB2_2-.Ltmp0, $4  }
0x28: {  	s19 =	sadd.s32 $0x2800, s20;
	[sflag:s16] =	ssyncadd.s32 $0xFFFFC000  }
0x29: {  	[spmem:s2] =	stream.indirect.scatter.add.f32 [tilespmem:s15], [sflag:$0x2], $0x80, s19, s14, $0xb8;
	[tilespmem:$0x1D000] =	vst v63  }
0x2a: {  	_ =	swait.ge [sflag:s10], $0x4000  }
0x2b: {  	s19 =	smov.u32 s21;
	[sflag:s10] =	ssyncset.done $0x0  }
0x2c: {  	s18 =	sshra.s32 s18, $0x2;
	[sflag:s10] =	ssyncadd.s32 $0xFFFFC000  }
0x2d: {  	[tilespmem:s15], [sflag:$0x1] =	stream.indirect.gather [hbm4b:s4+s14], $0x80, s18, s14, $0xb8;
	[tilespmem:$0x1D000] =	vst v63  }
0x2e: {  	_ =	swait.ge [sflag:s16], $0x4000  }
0x2f: {  	[sflag:s16] =	ssyncset.done $0x0  }
0x30: {  	s18 =	sadd.s32 $0x2800, s18;
	[sflag:s16] =	ssyncadd.s32 $0xFFFFC000  }
0x31: {  	[spmem:s2] =	stream.indirect.scatter.add.f32 [tilespmem:s15], [sflag:$0x2], $0x80, s18, s14, $0xb8;
	[tilespmem:$0x1D000] =	vst v63  }
0x32: {  	_ =	swait.ge [sflag:s10], $0x4000  }
0x33: {  	s17 =	sadd.s32 $0x1, s17;
	[sflag:s10] =	ssyncset.done $0x0  }
0x34: {  	p0 =	sne.s32 s17, s9;
	[sflag:s10] =	ssyncadd.s32 $0xFFFFC000  }
.Ltmp1:
0x35: {  	[bflag:$0x0] =	sbarrier.arrive $0xFFFF;
	(pc) =	sbr.rel @p0 .LBB2_1-.Ltmp1, $4  }
0x36: {  	[hbm:s8], [sflag:s12] =	dma.local [spmem:s13], $0x2800  }
0x37: {  	_ =	swait.ge [sflag:s10], $0x2800  }
0x38: {  	[sflag:s10] =	ssyncset.done $0x0  }
0x39: {  	[sflag:s10] =	ssyncadd.s32 $0xFFFFD800  }
0x3a: {  	_ =	sfence.sel $0x180000  }
0x3b: {  	[bflag:$0x0] =	sbarrier.arrive $0xFFFF  }
0x3c: {  	p0 =	sne.s32 s0, $0x0;
	_ =	strace $0x9000004A  }
0x3d: {  	s0 =	sadd.s32 @!p0 $0x100000, s1;
	[bflag:$0x2] =	sbarrier.arrive $0xFFFF  }
0x3e: {  	[sflag:s0] =	ssyncadd.tile.s32 @!p0 $0x1;
	_ =	shalt  }
.Lfunc_end2:
_tile_overlayer_lowered:
.L_overlay_start_2:
0x3f: {  	(tag) =	ssettag $0x2  }
0x40: {  	s0 =	rddreg [dreg:$0x0];
	s2 =	stileid.u32  }
0x41: {  	s1 =	rddreg [dreg:$0x1];
	p0 =	sne.s32 s2, $0x0  }
0x42: {  	s3 =	rddreg [dreg:$0x2];
	[bflag:$0x3] =	sbarrier.arrive $0xFFFF;
	s2 =	simm.s32 @!p0 $0x1C02  }
0x43: {  	[timem:s3], [sflag:s2] =	dma.local @!p0 [hbm:s0], s1  }
0x44: {  	s0 =	simm.s32 @!p0 $0x2  }
0x45: {  	_ =	swait.ge @!p0 [sflag:s0], s1  }
0x46: {  	s1 =	ssub.s32 @!p0 $0x0, s1;
	[sflag:s0] =	ssyncset.done @!p0 $0x0  }
0x47: {  	[sflag:s0] =	ssyncadd.s32 @!p0 s1  }
0x48: {  	[bflag:$0x3] =	sbarrier.arrive $0xFFFF  }
0x49: {  	_ =	shalt  }

// kernel: kernel.17.cloned.1.call-start
scs
__scs_entry_jumppad:
0x0: {  	(pc) =	sbr.rel $0x88, $3  }
0x1: {  	(tag) =	ssettag $0x0;
	lr =	simm.s32 $0x1  }
0x2: {  	[smem:$0x3F94] =	sst lr;
	_ =	strace $0xD0000000  }
0x3: {  	_ = 	snop  }
0x4: {  	_ = 	snop  }
0x5: {  	_ = 	snop  }
0x6: {  	_ = 	snop  }
0x7: {  	_ = 	snop  }
__scs_overlays_trampoline_lowered:
0x8: {  	[smem:$0x3FA3] =	sst s0  }
0x9: {  	[smem:$0x3FA4] =	sst s1  }
0xa: {  	[smem:$0x3FA5] =	sst s2  }
0xb: {  	[smem:$0x3FA6] =	sst s3  }
0xc: {  	[smem:$0x3FA7] =	sst s4  }
0xd: {  	[smem:$0x3FA8] =	sst s5  }
0xe: {  	[smem:$0x3FA9] =	sst s6  }
0xf: {  	[smem:$0x3FAA] =	sst s7  }
0x10: {  	[smem:$0x3FAB] =	sst s8  }
0x11: {  	[smem:$0x3FAC] =	sst s9;
	s0 =	simm.s32 @!p0 $0x0  }
0x12: {  	s1 =	sld [smem:$0x3F92];
	s0 =	simm.s32 @p0 $0x1  }
0x13: {  	[smem:$0x3FAD] =	sst s0;
	s0 =	simm.s32 @!p1 $0x0  }
0x14: {  	s2 =	sld [smem:$0x3F91];
	s0 =	simm.s32 @p1 $0x1  }
0x15: {  	[smem:$0x3FAE] =	sst s0;
	s0 =	simm.s32 @!p2 $0x0  }
0x16: {  	s3 =	sld [smem:$0x3FDB];
	s0 =	simm.s32 @p2 $0x1  }
0x17: {  	s4 =	simm.s32 $0x1BF5;
	[smem:$0x3FB0] =	sst s0  }
0x18: {  	s0 =	sld [smem:$0x3F93];
	_ =	swait.ge [sflag:s4], $0x0  }
0x19: {  	s7 =	sld [smem:$0x3F94]  }
0x1a: {  	s8 =	sadd.s32 $0xFFFFE003, lr  }
0x1b: {  	s9 =	sadd.s32 $0xFFFFFEF7, lr;
	s5 =	simm.s32 $0xFFFFFFFF;
	p2 =	slt.u32 s8, $0xFFFFF086  }
0x1c: {  	p1 =	slt.u32 s9, $0xF7A;
	s5 =	simm.s32 @!p2 $0x0  }
0x1d: {  	s5 =	simm.s32 @p1 $0x1;
	p0 =	seq.s32 s7, s2  }
0x1e: {  	s7 =	smul.u32 @!p0 $0xF7A, s2;
	p2 =	seq.s32 @!p0 s5, $0x0  }
0x1f: {  	s9 =	smul.u32 $0xF7A, s1;
	s8 =	simm.s32 @!p0 $0x1BF5;
	p2 =	por !p2, p0  }
0x20: {  	[sflag:s8] =	ssyncset.s32 @!p0 $0xFFFFF086;
	s6 =	sadd.s32 @!p0 s3, s7;
	s7 =	simm.s32 @!p0 $0x108  }
0x21: {  	s3 =	sadd.s32 s3, s9;
	s6 =	sadd.s32 @!p0 $0x88, s6;
	s7 =	simm.s32 @p2 $0x1082  }
0x22: {  	[simem:s7], [sflag:s8] =	dma.local @!p0 [hbm:s6], $0xF7A  }
0x23: {  	s9 =	sor.u32 $0xD0000000, s2;
	s6 =	simm.s32 $0x108;
	_ =	swait.ge @!p0 [sflag:s8], $0x0  }
0x24: {  	s3 =	sadd.s32 $0x88, s3;
	s6 =	simm.s32 @!p1 $0x1082;
	[sflag:s4] =	ssyncset.s32 $0xFFFFF086  }
0x25: {  	[simem:s6], [sflag:s4] =	dma.local [hbm:s3], $0xF7A  }
0x26: {  	[smem:$0x3F94] =	sst s1;
	(tag) =	ssettag s2;
	_ =	strace s9  }
0x27: {  	s1 =	sld [smem:$0x3FA4]  }
0x28: {  	s2 =	sld [smem:$0x3FA5]  }
0x29: {  	s4 =	sld [smem:$0x3FA7]  }
0x2a: {  	p0 =	seq.s32 s5, $0x0;
	s5 =	sld [smem:$0x3FA8]  }
0x2b: {  	s6 =	sld [smem:$0x3FA9]  }
0x2c: {  	s7 =	sld [smem:$0x3FAA]  }
0x2d: {  	s3 =	simm.s32 $0x108;
	s8 =	sld [smem:$0x3FAB]  }
0x2e: {  	s3 =	simm.s32 @!p0 $0x1082;
	s9 =	sld [smem:$0x3FAC]  }
0x2f: {  	lr =	sadd.s32 s0, s3;
	s0 =	sld [smem:$0x3FA3]  }
0x30: {  	s3 =	sld [smem:$0x3FA6]  }
0x31: {  	[smem:$0x3FAF] =	sst s10  }
0x32: {  	s10 =	sld [smem:$0x3FAD];
	_ =	sdelay $0x3  }
0x33: {  	p0 =	seq.s32 s10, $0x1;
	s10 =	sld [smem:$0x3FAF];
	_ =	sdelay $0x3  }
0x34: {  	[smem:$0x3FAF] =	sst s10  }
0x35: {  	s10 =	sld [smem:$0x3FAE];
	_ =	sdelay $0x3  }
0x36: {  	p1 =	seq.s32 s10, $0x1;
	s10 =	sld [smem:$0x3FAF];
	_ =	sdelay $0x3  }
0x37: {  	[smem:$0x3FAF] =	sst s10  }
0x38: {  	s10 =	sld [smem:$0x3FB0]  }
0x39: {  	_ = 	snop;
	(pc) =	sbr.ind lr, $3  }
0x3a: {  	_ = 	snop  }
0x3b: {  	_ = 	snop  }
0x3c: {  	p2 =	seq.s32 s10, $0x1;
	s10 =	sld [smem:$0x3FAF]  }
0x3d: {  	_ =	shalt  }
0x3e: {  	_ =	shalt  }
0x3f: {  	_ =	shalt  }
0x40: {  	_ =	shalt  }
0x41: {  	_ =	shalt  }
0x42: {  	_ =	shalt  }
0x43: {  	_ =	shalt  }
0x44: {  	_ =	shalt  }
0x45: {  	_ =	shalt  }
0x46: {  	_ =	shalt  }
0x47: {  	_ =	shalt  }
0x48: {  	_ =	shalt  }
0x49: {  	_ =	shalt  }
0x4a: {  	_ =	shalt  }
0x4b: {  	_ =	shalt  }
0x4c: {  	_ =	shalt  }
0x4d: {  	_ =	shalt  }
0x4e: {  	_ =	shalt  }
0x4f: {  	_ =	shalt  }
0x50: {  	_ =	shalt  }
0x51: {  	_ =	shalt  }
0x52: {  	_ =	shalt  }
0x53: {  	_ =	shalt  }
0x54: {  	_ =	shalt  }
0x55: {  	_ =	shalt  }
0x56: {  	_ =	shalt  }
0x57: {  	_ =	shalt  }
0x58: {  	_ =	shalt  }
0x59: {  	_ =	shalt  }
0x5a: {  	_ =	shalt  }
0x5b: {  	_ =	shalt  }
0x5c: {  	_ =	shalt  }
0x5d: {  	_ =	shalt  }
0x5e: {  	_ =	shalt  }
0x5f: {  	_ =	shalt  }
0x60: {  	_ =	shalt  }
0x61: {  	_ =	shalt  }
0x62: {  	_ =	shalt  }
0x63: {  	_ =	shalt  }
0x64: {  	_ =	shalt  }
0x65: {  	_ =	shalt  }
0x66: {  	_ =	shalt  }
0x67: {  	_ =	shalt  }
0x68: {  	_ =	shalt  }
0x69: {  	_ =	shalt  }
0x6a: {  	_ =	shalt  }
0x6b: {  	_ =	shalt  }
0x6c: {  	_ =	shalt  }
0x6d: {  	_ =	shalt  }
0x6e: {  	_ =	shalt  }
0x6f: {  	_ =	shalt  }
0x70: {  	_ =	shalt  }
0x71: {  	_ =	shalt  }
0x72: {  	_ =	shalt  }
0x73: {  	_ =	shalt  }
0x74: {  	_ =	shalt  }
0x75: {  	_ =	shalt  }
0x76: {  	_ =	shalt  }
0x77: {  	_ =	shalt  }
0x78: {  	_ =	shalt  }
0x79: {  	_ =	shalt  }
0x7a: {  	_ =	shalt  }
0x7b: {  	_ =	shalt  }
0x7c: {  	_ =	shalt  }
0x7d: {  	_ =	shalt  }
0x7e: {  	_ =	shalt  }
0x7f: {  	_ =	shalt  }
0x80: {  	_ =	shalt  }
0x81: {  	_ =	shalt  }
0x82: {  	_ =	shalt  }
0x83: {  	_ =	shalt  }
0x84: {  	_ =	shalt  }
0x85: {  	_ =	shalt  }
0x86: {  	_ =	shalt  }
0x87: {  	_ =	shalt  }
.Lfunc_end0:
.L_simem_size_0:
called_computation.2_lowered:
.L_overlay_start_0:
0x88: {  	s2 =	sld [smem:$0x3FD9]  }
0x89: {  	s3 =	sld [smem:$0x3FFE];
	_ =	sdelay $0x1  }
0x8a: {  	s1 =	srdreg.scid  }
0x8b: {  	s0 =	sand.u32 $0x1, s1  }
0x8c: {  	s16 =	sshll.u32 s0, $0xA;
	s2 =	sadd.s32 s3, s2  }
0x8d: {  	s2 =	sadd.s32 s2, s16  }
0x8e: {  	[smem:$0x3FBB] =	sst s2  }
0x8f: {  	_ = 	snop  }
0x90: {  	(tm) =	ssettm $0x1  }
0x91: {  	s17 =	sld [smem:$0x3FFB];
	_ =	sdelay $0x3  }
0x92: {  	_ =	strace s17  }
0x93: {  	s2 =	sld [smem:$0x3FFC];
	_ =	sdelay $0x3  }
0x94: {  	_ =	strace s2  }
0x95: {  	s2 =	sld [smem:$0x3FFD];
	_ =	sdelay $0x3  }
0x96: {  	_ =	strace s2  }
0x97: {  	_ =	strace $0x8FFFFFFF  }
0x98: {  	s18 =	sld [smem:$0x3FDB];
	_ =	sdelay $0x1  }
0x99: {  	s19 =	simm.s32 $_scs_section_size  }
0x9a: {  	s4 =	simm.s32 $_size__tile_overlayer_lowered;
	s5 =	simm.s32 $_tile_overlayer_lowered  }
0x9b: {  	s22 =	simm.s32 $0x1BFF;
	s21 =	sshll.u32 s5, $0x1;
	s2 =	sadd.s32 s19, s18  }
0x9c: {  	s6 =	simm.s32 $0x0;
	s20 =	sshll.u32 s4, $0x1;
	s4 =	sadd.s32 s21, s2  }
0x9d: {  	[timem:s6], [sflag:s22] =	dma.local [hbm:s4], s20  }
0x9e: {  	_ =	swait.ge [sflag:s22], s20  }
0x9f: {  	s3 =	ssub.s32 $0x0, s20;
	[sflag:s22] =	ssyncset.done $0x0  }
0xa0: {  	[sflag:s22] =	ssyncadd.s32 s3;
	_ =	sdelay $0x1  }
0xa1: {  	s23 =	simm.s32 $0x1B8B  }
0xa2: {  	_ =	swait.ge [sflag:s23], $0x1  }
0xa3: {  	[sflag:s23] =	ssyncset.done $0x0  }
0xa4: {  	s25 =	simm.s32 $0x1B8E;
	s24 =	sld [smem:$0x3FFE];
	[sflag:s23] =	ssyncadd.s32 $0xFFFFFFFF  }
0xa5: {  	s26 =	simm.s32 $execute0_lowered;
	[smem:$0x3FD2] =	sst s25  }
0xa6: {  	s4 =	sshll.u32 s26, $0x1;
	_ =	strace $0x8000004C;
	[dreg:$0x1] =	wrdreg $0xFFFFFFFF  }
0xa7: {  	s28 =	simm.s32 $_size_execute0_lowered;
	s2 =	sadd.s32 s2, s4;
	[dreg:$0x0] =	wrdreg $0x0  }
0xa8: {  	s4 =	sshll.u32 s28, $0x1;
	[dreg:$0x2] =	wrdreg s2  }
0xa9: {  	[dreg:$0x3] =	wrdreg s4  }
0xaa: {  	[dreg:$0x4] =	wrdreg $0xC0  }
0xab: {  	_ =	task [dreg:s6], $0x5FFFF  }
0xac: {  	[dreg:$0x1] =	wrdreg $0xFFFFFFFF  }
0xad: {  	[dreg:$0x0] =	wrdreg $0x60  }
0xae: {  	[dreg:$0x2] =	wrdreg s24  }
0xaf: {  	[dreg:$0x3] =	wrdreg $0x90000  }
0xb0: {  	[dreg:$0x4] =	wrdreg $0x9  }
0xb1: {  	_ =	task.clear_ibuf [dreg:s6], $0x5FFFF;
	_ =	strace $0x9000004C  }
0xb2: {  	s29 =	simm.s32 $0x9;
	_ =	strace $0x8000004E  }
0xb3: {  	_ =	swait.ge [sflag:s29], $0x1  }
0xb4: {  	[sflag:s29] =	ssyncadd.s32 $0xFFFFFFFF  }
0xb5: {  	_ =	strace $0x9000004E  }
0xb6: {  	_ =	sfence  }
0xb7: {  	s30 =	sld [smem:$0x0];
	_ =	sdelay $0x2  }
0xb8: {  	s31 =	sshll.u32 s1, $0xD;
	s1 =	sshrl.u32 s1, $0x2  }
0xb9: {  	s3 =	sand.u32 $0x4000, s31;
	s1 =	sadd.s32 s1, s30  }
0xba: {  	s0 =	sor.u32 s3, s0;
	s1 =	sshll.u32 s1, $0x11  }
0xbb: {  	s0 =	sor.u32 s1, s0  }
0xbc: {  	s0 =	sadd.s32 $0x8F2B, s0  }
0xbd: {  	[sflag:s0] =	ssyncadd.remote.s32 $0x1  }
0xbe: {  	_ =	sfence.sel $0xFFFF  }
0xbf: {  	[dreg:$0x0] =	wrdreg $0xFFFFFFFF;
	(pc) =	sbr.abs _section_cstart, $3  }
0xc0: {  	[dreg:$0x1] =	wrdreg $0xFFFFFFFF  }
0xc1: {  	_ =	task.clear_ibuf [dreg:s6], $0x2FFFF;
	_ =	strace $0x9FFFFFFF  }
0xc2: {  	(tm) =	ssettm $0x7FFFFFFF  }
0xc3: {  	_ =	shalt  }
tec
execute0_lowered:
.L_overlay_start_1:
0x0: {  	(tag) =	ssettag $0x1  }
0x1: {  	s6 =	rddreg [dreg:$0x0]  }
0x2: {  	s0 =	srdreg.scid;
	s2 =	rddreg [dreg:$0x1]  }
0x3: {  	s3 =	simm.s32 $0x0;
	s14 =	simm.s32 $0x80;
	s15 =	simm.s32 $0x5000  }
0x4: {  	s16 =	simm.s32 $0x1;
	s5 =	sand.u32 $0x1, s0;
	s0 =	stileid.u32  }
0x5: {  	s17 =	simm.s32 $0x0;
	[smem:$0x7FF] =	sst s3;
	s8 =	smul.u32 $0x140000, s5  }
0x6: {  	s4 =	sadd.s32 $0x18C00, s6;
	s1 =	sshll.u32 s5, $0x4;
	s9 =	smul.u32 $0x14000, s0  }
0x7: {  	s30 =	ssub.s32 $0x2, s5;
	s11 =	smul.u32 $0x50000, s0;
	s5 =	sadd.s32 $0x40C00, s6  }
0x8: {  	s12 =	sshll.u32 s0, $0x6;
	s1 =	sor.u32 s0, s1;
	s10 =	sshrl.u32 s30, $0x1  }
0x9: {  	s12 =	sor.u32 $0x1C02, s12;
	s7 =	smul.u32 $0x500, s1;
	s1 =	rddreg [dreg:$0x2]  }
0xa: {  	_ =	strace $0x8000004D;
	s8 =	sadd.s32 s9, s8;
	s9 =	ssub.s32 s30, s10  }
0xb: {  	s31 =	sshrl.u32 s11, $0x2;
	s10 =	simm.s32 $0x2;
	s11 =	simm.s32 $0x2800  }
0xc: {  	s8 =	sshrl.u32 s8, $0x3;
	s13 =	sadd.s32 s31, s2;
	s9 =	smax.u32 s9, $0x1  }
0xd: {  	s7 =	sadd.s32 s7, s6;
	s8 =	sadd.s32 s8, s6;
	s13 =	sshrl.u32 s13, $0x3  }
0xe: {  	s6 =	sadd.s32 $0xEC00, s7;
	s7 =	sadd.s32 $0x4C00, s7;
	s8 =	sadd.s32 $0x43400, s8  }
.LBB2_1:
0xf: {  	[tilespmem:s3], [sflag:$0x2] =	stream.linear.gather [hbm4b:s6+s3], $0x2800, $0x38;
	[tilespmem:$0x1D000] =	vst v63  }
0x10: {  	_ =	swait.ge [sflag:s10], $0x2800  }
0x11: {  	[sflag:s10] =	ssyncset.done $0x0  }
0x12: {  	[sflag:s10] =	ssyncadd.s32 $0xFFFFD800  }
0x13: {  	[tilespmem:s11], [sflag:$0x2] =	stream.linear.gather [hbm4b:s7+s3], $0x2800, $0x38;
	[tilespmem:$0x1D000] =	vst v63  }
0x14: {  	_ =	swait.ge [sflag:s10], $0x2800  }
0x15: {  	[sflag:s10] =	ssyncset.done $0x0  }
0x16: {  	[sflag:s10] =	ssyncadd.s32 $0xFFFFD800  }
0x17: {  	[spmem:s13], [sflag:s12] =	dma.local [hbm:s5], $0x2800  }
0x18: {  	_ =	swait.ge [sflag:s10], $0x2800  }
0x19: {  	[sflag:s10] =	ssyncset.done $0x0  }
0x1a: {  	[sflag:s10] =	ssyncadd.s32 $0xFFFFD800  }
0x1b: {  	s18 =	simm.s32 $0x0;
	[bflag:$0x0] =	sbarrier.arrive $0xFFFF  }
0x1c: {  	[tilespmem:s15], [sflag:$0x1] =	stream.indirect.gather [hbm4b:s4+s14], $0x80, s18, s14, $0xb8;
	[tilespmem:$0x1D000] =	vst v63  }
0x1d: {  	_ =	swait.ge [sflag:s16], $0x4000  }
0x1e: {  	[sflag:s16] =	ssyncset.done $0x0  }
0x1f: {  	s31 =	simm.s32 $0x2800;
	[sflag:s16] =	ssyncadd.s32 $0xFFFFC000  }
0x20: {  	[spmem:s2] =	stream.indirect.scatter.add.f32 [tilespmem:s15], [sflag:$0x2], $0x80, s31, s14, $0xb8;
	[tilespmem:$0x1D000] =	vst v63  }
0x21: {  	_ =	swait.ge [sflag:s10], $0x4000  }
0x22: {  	s19 =	simm.s32 $0x400;
	s18 =	simm.s32 $0x200;
	[sflag:s10] =	ssyncset.done $0x0  }
.LBB2_2:
0x23: {  	s20 =	sshra.s32 s18, $0x2  }
0x24: {  	[sflag:s10] =	ssyncadd.s32 $0xFFFFC000;
	s18 =	smov.u32 s19;
	s21 =	sadd.s32 $0x200, s19  }
0x25: {  	[tilespmem:s15], [sflag:$0x1] =	stream.indirect.gather [hbm4b:s4+s14], $0x80, s20, s14, $0xb8;
	[tilespmem:$0x1D000] =	vst v63  }
0x26: {  	p0 =	sne.s32 s19, $0x9E00;
	_ =	swait.ge [sflag:s16], $0x4000  }
.Ltmp0:
0x27: {  	[sflag:s16] =	ssyncset.done $0x0;
	(pc) =	sbr.rel @p0 .LBB2_2-.Ltmp0, $4  }
0x28: {  	s19 =	sadd.s32 $0x2800, s20;
	[sflag:s16] =	ssyncadd.s32 $0xFFFFC000  }
0x29: {  	[spmem:s2] =	stream.indirect.scatter.add.f32 [tilespmem:s15], [sflag:$0x2], $0x80, s19, s14, $0xb8;
	[tilespmem:$0x1D000] =	vst v63  }
0x2a: {  	_ =	swait.ge [sflag:s10], $0x4000  }
0x2b: {  	s19 =	smov.u32 s21;
	[sflag:s10] =	ssyncset.done $0x0  }
0x2c: {  	s18 =	sshra.s32 s18, $0x2;
	[sflag:s10] =	ssyncadd.s32 $0xFFFFC000  }
0x2d: {  	[tilespmem:s15], [sflag:$0x1] =	stream.indirect.gather [hbm4b:s4+s14], $0x80, s18, s14, $0xb8;
	[tilespmem:$0x1D000] =	vst v63  }
0x2e: {  	_ =	swait.ge [sflag:s16], $0x4000  }
0x2f: {  	[sflag:s16] =	ssyncset.done $0x0  }
0x30: {  	s18 =	sadd.s32 $0x2800, s18;
	[sflag:s16] =	ssyncadd.s32 $0xFFFFC000  }
0x31: {  	[spmem:s2] =	stream.indirect.scatter.add.f32 [tilespmem:s15], [sflag:$0x2], $0x80, s18, s14, $0xb8;
	[tilespmem:$0x1D000] =	vst v63  }
0x32: {  	_ =	swait.ge [sflag:s10], $0x4000  }
0x33: {  	s17 =	sadd.s32 $0x1, s17;
	[sflag:s10] =	ssyncset.done $0x0  }
0x34: {  	p0 =	sne.s32 s17, s9;
	[sflag:s10] =	ssyncadd.s32 $0xFFFFC000  }
.Ltmp1:
0x35: {  	[bflag:$0x0] =	sbarrier.arrive $0xFFFF;
	(pc) =	sbr.rel @p0 .LBB2_1-.Ltmp1, $4  }
0x36: {  	[hbm:s8], [sflag:s12] =	dma.local [spmem:s13], $0x2800  }
0x37: {  	_ =	swait.ge [sflag:s10], $0x2800  }
0x38: {  	[sflag:s10] =	ssyncset.done $0x0  }
0x39: {  	[sflag:s10] =	ssyncadd.s32 $0xFFFFD800  }
0x3a: {  	_ =	sfence.sel $0x180000  }
0x3b: {  	[bflag:$0x0] =	sbarrier.arrive $0xFFFF  }
0x3c: {  	p0 =	sne.s32 s0, $0x0;
	_ =	strace $0x9000004D  }
0x3d: {  	s0 =	sadd.s32 @!p0 $0x100000, s1;
	[bflag:$0x2] =	sbarrier.arrive $0xFFFF  }
0x3e: {  	[sflag:s0] =	ssyncadd.tile.s32 @!p0 $0x1;
	_ =	shalt  }
.Lfunc_end2:
_tile_overlayer_lowered:
.L_overlay_start_2:
0x3f: {  	(tag) =	ssettag $0x2  }
0x40: {  	s0 =	rddreg [dreg:$0x0];
	s2 =	stileid.u32  }
0x41: {  	s1 =	rddreg [dreg:$0x1];
	p0 =	sne.s32 s2, $0x0  }
0x42: {  	s3 =	rddreg [dreg:$0x2];
	[bflag:$0x3] =	sbarrier.arrive $0xFFFF;
	s2 =	simm.s32 @!p0 $0x1C02  }
0x43: {  	[timem:s3], [sflag:s2] =	dma.local @!p0 [hbm:s0], s1  }
0x44: {  	s0 =	simm.s32 @!p0 $0x2  }
0x45: {  	_ =	swait.ge @!p0 [sflag:s0], s1  }
0x46: {  	s1 =	ssub.s32 @!p0 $0x0, s1;
	[sflag:s0] =	ssyncset.done @!p0 $0x0  }
0x47: {  	[sflag:s0] =	ssyncadd.s32 @!p0 s1  }
0x48: {  	[bflag:$0x3] =	sbarrier.arrive $0xFFFF  }
0x49: {  	_ =	shalt  }

// kernel: kernel.20.cloned.1.call-start
scs
__scs_entry_jumppad:
0x0: {  	(pc) =	sbr.rel $0x88, $3  }
0x1: {  	(tag) =	ssettag $0x0;
	lr =	simm.s32 $0x1  }
0x2: {  	[smem:$0x3F94] =	sst lr;
	_ =	strace $0xD0000000  }
0x3: {  	_ = 	snop  }
0x4: {  	_ = 	snop  }
0x5: {  	_ = 	snop  }
0x6: {  	_ = 	snop  }
0x7: {  	_ = 	snop  }
__scs_overlays_trampoline_lowered:
0x8: {  	[smem:$0x3FA3] =	sst s0  }
0x9: {  	[smem:$0x3FA4] =	sst s1  }
0xa: {  	[smem:$0x3FA5] =	sst s2  }
0xb: {  	[smem:$0x3FA6] =	sst s3  }
0xc: {  	[smem:$0x3FA7] =	sst s4  }
0xd: {  	[smem:$0x3FA8] =	sst s5  }
0xe: {  	[smem:$0x3FA9] =	sst s6  }
0xf: {  	[smem:$0x3FAA] =	sst s7  }
0x10: {  	[smem:$0x3FAB] =	sst s8  }
0x11: {  	[smem:$0x3FAC] =	sst s9;
	s0 =	simm.s32 @!p0 $0x0  }
0x12: {  	s1 =	sld [smem:$0x3F92];
	s0 =	simm.s32 @p0 $0x1  }
0x13: {  	[smem:$0x3FAD] =	sst s0;
	s0 =	simm.s32 @!p1 $0x0  }
0x14: {  	s2 =	sld [smem:$0x3F91];
	s0 =	simm.s32 @p1 $0x1  }
0x15: {  	[smem:$0x3FAE] =	sst s0;
	s0 =	simm.s32 @!p2 $0x0  }
0x16: {  	s3 =	sld [smem:$0x3FDB];
	s0 =	simm.s32 @p2 $0x1  }
0x17: {  	s4 =	simm.s32 $0x1BF5;
	[smem:$0x3FB0] =	sst s0  }
0x18: {  	s0 =	sld [smem:$0x3F93];
	_ =	swait.ge [sflag:s4], $0x0  }
0x19: {  	s7 =	sld [smem:$0x3F94]  }
0x1a: {  	s8 =	sadd.s32 $0xFFFFE003, lr  }
0x1b: {  	s9 =	sadd.s32 $0xFFFFFEF7, lr;
	s5 =	simm.s32 $0xFFFFFFFF;
	p2 =	slt.u32 s8, $0xFFFFF086  }
0x1c: {  	p1 =	slt.u32 s9, $0xF7A;
	s5 =	simm.s32 @!p2 $0x0  }
0x1d: {  	s5 =	simm.s32 @p1 $0x1;
	p0 =	seq.s32 s7, s2  }
0x1e: {  	s7 =	smul.u32 @!p0 $0xF7A, s2;
	p2 =	seq.s32 @!p0 s5, $0x0  }
0x1f: {  	s9 =	smul.u32 $0xF7A, s1;
	s8 =	simm.s32 @!p0 $0x1BF5;
	p2 =	por !p2, p0  }
0x20: {  	[sflag:s8] =	ssyncset.s32 @!p0 $0xFFFFF086;
	s6 =	sadd.s32 @!p0 s3, s7;
	s7 =	simm.s32 @!p0 $0x108  }
0x21: {  	s3 =	sadd.s32 s3, s9;
	s6 =	sadd.s32 @!p0 $0x88, s6;
	s7 =	simm.s32 @p2 $0x1082  }
0x22: {  	[simem:s7], [sflag:s8] =	dma.local @!p0 [hbm:s6], $0xF7A  }
0x23: {  	s9 =	sor.u32 $0xD0000000, s2;
	s6 =	simm.s32 $0x108;
	_ =	swait.ge @!p0 [sflag:s8], $0x0  }
0x24: {  	s3 =	sadd.s32 $0x88, s3;
	s6 =	simm.s32 @!p1 $0x1082;
	[sflag:s4] =	ssyncset.s32 $0xFFFFF086  }
0x25: {  	[simem:s6], [sflag:s4] =	dma.local [hbm:s3], $0xF7A  }
0x26: {  	[smem:$0x3F94] =	sst s1;
	(tag) =	ssettag s2;
	_ =	strace s9  }
0x27: {  	s1 =	sld [smem:$0x3FA4]  }
0x28: {  	s2 =	sld [smem:$0x3FA5]  }
0x29: {  	s4 =	sld [smem:$0x3FA7]  }
0x2a: {  	p0 =	seq.s32 s5, $0x0;
	s5 =	sld [smem:$0x3FA8]  }
0x2b: {  	s6 =	sld [smem:$0x3FA9]  }
0x2c: {  	s7 =	sld [smem:$0x3FAA]  }
0x2d: {  	s3 =	simm.s32 $0x108;
	s8 =	sld [smem:$0x3FAB]  }
0x2e: {  	s3 =	simm.s32 @!p0 $0x1082;
	s9 =	sld [smem:$0x3FAC]  }
0x2f: {  	lr =	sadd.s32 s0, s3;
	s0 =	sld [smem:$0x3FA3]  }
0x30: {  	s3 =	sld [smem:$0x3FA6]  }
0x31: {  	[smem:$0x3FAF] =	sst s10  }
0x32: {  	s10 =	sld [smem:$0x3FAD];
	_ =	sdelay $0x3  }
0x33: {  	p0 =	seq.s32 s10, $0x1;
	s10 =	sld [smem:$0x3FAF];
	_ =	sdelay $0x3  }
0x34: {  	[smem:$0x3FAF] =	sst s10  }
0x35: {  	s10 =	sld [smem:$0x3FAE];
	_ =	sdelay $0x3  }
0x36: {  	p1 =	seq.s32 s10, $0x1;
	s10 =	sld [smem:$0x3FAF];
	_ =	sdelay $0x3  }
0x37: {  	[smem:$0x3FAF] =	sst s10  }
0x38: {  	s10 =	sld [smem:$0x3FB0]  }
0x39: {  	_ = 	snop;
	(pc) =	sbr.ind lr, $3  }
0x3a: {  	_ = 	snop  }
0x3b: {  	_ = 	snop  }
0x3c: {  	p2 =	seq.s32 s10, $0x1;
	s10 =	sld [smem:$0x3FAF]  }
0x3d: {  	_ =	shalt  }
0x3e: {  	_ =	shalt  }
0x3f: {  	_ =	shalt  }
0x40: {  	_ =	shalt  }
0x41: {  	_ =	shalt  }
0x42: {  	_ =	shalt  }
0x43: {  	_ =	shalt  }
0x44: {  	_ =	shalt  }
0x45: {  	_ =	shalt  }
0x46: {  	_ =	shalt  }
0x47: {  	_ =	shalt  }
0x48: {  	_ =	shalt  }
0x49: {  	_ =	shalt  }
0x4a: {  	_ =	shalt  }
0x4b: {  	_ =	shalt  }
0x4c: {  	_ =	shalt  }
0x4d: {  	_ =	shalt  }
0x4e: {  	_ =	shalt  }
0x4f: {  	_ =	shalt  }
0x50: {  	_ =	shalt  }
0x51: {  	_ =	shalt  }
0x52: {  	_ =	shalt  }
0x53: {  	_ =	shalt  }
0x54: {  	_ =	shalt  }
0x55: {  	_ =	shalt  }
0x56: {  	_ =	shalt  }
0x57: {  	_ =	shalt  }
0x58: {  	_ =	shalt  }
0x59: {  	_ =	shalt  }
0x5a: {  	_ =	shalt  }
0x5b: {  	_ =	shalt  }
0x5c: {  	_ =	shalt  }
0x5d: {  	_ =	shalt  }
0x5e: {  	_ =	shalt  }
0x5f: {  	_ =	shalt  }
0x60: {  	_ =	shalt  }
0x61: {  	_ =	shalt  }
0x62: {  	_ =	shalt  }
0x63: {  	_ =	shalt  }
0x64: {  	_ =	shalt  }
0x65: {  	_ =	shalt  }
0x66: {  	_ =	shalt  }
0x67: {  	_ =	shalt  }
0x68: {  	_ =	shalt  }
0x69: {  	_ =	shalt  }
0x6a: {  	_ =	shalt  }
0x6b: {  	_ =	shalt  }
0x6c: {  	_ =	shalt  }
0x6d: {  	_ =	shalt  }
0x6e: {  	_ =	shalt  }
0x6f: {  	_ =	shalt  }
0x70: {  	_ =	shalt  }
0x71: {  	_ =	shalt  }
0x72: {  	_ =	shalt  }
0x73: {  	_ =	shalt  }
0x74: {  	_ =	shalt  }
0x75: {  	_ =	shalt  }
0x76: {  	_ =	shalt  }
0x77: {  	_ =	shalt  }
0x78: {  	_ =	shalt  }
0x79: {  	_ =	shalt  }
0x7a: {  	_ =	shalt  }
0x7b: {  	_ =	shalt  }
0x7c: {  	_ =	shalt  }
0x7d: {  	_ =	shalt  }
0x7e: {  	_ =	shalt  }
0x7f: {  	_ =	shalt  }
0x80: {  	_ =	shalt  }
0x81: {  	_ =	shalt  }
0x82: {  	_ =	shalt  }
0x83: {  	_ =	shalt  }
0x84: {  	_ =	shalt  }
0x85: {  	_ =	shalt  }
0x86: {  	_ =	shalt  }
0x87: {  	_ =	shalt  }
.Lfunc_end0:
.L_simem_size_0:
called_computation.3_lowered:
.L_overlay_start_0:
0x88: {  	s2 =	sld [smem:$0x3FD9]  }
0x89: {  	s3 =	sld [smem:$0x3FFE];
	_ =	sdelay $0x1  }
0x8a: {  	s1 =	srdreg.scid  }
0x8b: {  	s0 =	sand.u32 $0x1, s1  }
0x8c: {  	s16 =	sshll.u32 s0, $0xA;
	s2 =	sadd.s32 s3, s2  }
0x8d: {  	s2 =	sadd.s32 s2, s16  }
0x8e: {  	[smem:$0x3FBB] =	sst s2  }
0x8f: {  	_ = 	snop  }
0x90: {  	(tm) =	ssettm $0x1  }
0x91: {  	s17 =	sld [smem:$0x3FFB];
	_ =	sdelay $0x3  }
0x92: {  	_ =	strace s17  }
0x93: {  	s2 =	sld [smem:$0x3FFC];
	_ =	sdelay $0x3  }
0x94: {  	_ =	strace s2  }
0x95: {  	s2 =	sld [smem:$0x3FFD];
	_ =	sdelay $0x3  }
0x96: {  	_ =	strace s2  }
0x97: {  	_ =	strace $0x8FFFFFFF  }
0x98: {  	s18 =	sld [smem:$0x3FDB];
	_ =	sdelay $0x1  }
0x99: {  	s19 =	simm.s32 $_scs_section_size  }
0x9a: {  	s4 =	simm.s32 $_size__tile_overlayer_lowered;
	s5 =	simm.s32 $_tile_overlayer_lowered  }
0x9b: {  	s22 =	simm.s32 $0x1BFF;
	s21 =	sshll.u32 s5, $0x1;
	s2 =	sadd.s32 s19, s18  }
0x9c: {  	s6 =	simm.s32 $0x0;
	s20 =	sshll.u32 s4, $0x1;
	s4 =	sadd.s32 s21, s2  }
0x9d: {  	[timem:s6], [sflag:s22] =	dma.local [hbm:s4], s20  }
0x9e: {  	_ =	swait.ge [sflag:s22], s20  }
0x9f: {  	s3 =	ssub.s32 $0x0, s20;
	[sflag:s22] =	ssyncset.done $0x0  }
0xa0: {  	[sflag:s22] =	ssyncadd.s32 s3;
	_ =	sdelay $0x1  }
0xa1: {  	s23 =	simm.s32 $0x1B8B  }
0xa2: {  	_ =	swait.ge [sflag:s23], $0x1  }
0xa3: {  	[sflag:s23] =	ssyncset.done $0x0  }
0xa4: {  	s25 =	simm.s32 $0x1B8E;
	s24 =	sld [smem:$0x3FFE];
	[sflag:s23] =	ssyncadd.s32 $0xFFFFFFFF  }
0xa5: {  	s26 =	simm.s32 $execute0_lowered;
	[smem:$0x3FD2] =	sst s25  }
0xa6: {  	s4 =	sshll.u32 s26, $0x1;
	_ =	strace $0x8000004F;
	[dreg:$0x1] =	wrdreg $0xFFFFFFFF  }
0xa7: {  	s28 =	simm.s32 $_size_execute0_lowered;
	s2 =	sadd.s32 s2, s4;
	[dreg:$0x0] =	wrdreg $0x0  }
0xa8: {  	s4 =	sshll.u32 s28, $0x1;
	[dreg:$0x2] =	wrdreg s2  }
0xa9: {  	[dreg:$0x3] =	wrdreg s4  }
0xaa: {  	[dreg:$0x4] =	wrdreg $0xC0  }
0xab: {  	_ =	task [dreg:s6], $0x5FFFF  }
0xac: {  	[dreg:$0x1] =	wrdreg $0xFFFFFFFF  }
0xad: {  	[dreg:$0x0] =	wrdreg $0x60  }
0xae: {  	[dreg:$0x2] =	wrdreg s24  }
0xaf: {  	[dreg:$0x3] =	wrdreg $0x90000  }
0xb0: {  	[dreg:$0x4] =	wrdreg $0x9  }
0xb1: {  	_ =	task.clear_ibuf [dreg:s6], $0x5FFFF;
	_ =	strace $0x9000004F  }
0xb2: {  	s29 =	simm.s32 $0x9;
	_ =	strace $0x80000051  }
0xb3: {  	_ =	swait.ge [sflag:s29], $0x1  }
0xb4: {  	[sflag:s29] =	ssyncadd.s32 $0xFFFFFFFF  }
0xb5: {  	_ =	strace $0x90000051  }
0xb6: {  	_ =	sfence  }
0xb7: {  	s30 =	sld [smem:$0x0];
	_ =	sdelay $0x2  }
0xb8: {  	s31 =	sshll.u32 s1, $0xD;
	s1 =	sshrl.u32 s1, $0x2  }
0xb9: {  	s3 =	sand.u32 $0x4000, s31;
	s1 =	sadd.s32 s1, s30  }
0xba: {  	s0 =	sor.u32 s3, s0;
	s1 =	sshll.u32 s1, $0x11  }
0xbb: {  	s0 =	sor.u32 s1, s0  }
0xbc: {  	s0 =	sadd.s32 $0x8F2B, s0  }
0xbd: {  	[sflag:s0] =	ssyncadd.remote.s32 $0x1  }
0xbe: {  	_ =	sfence.sel $0xFFFF  }
0xbf: {  	[dreg:$0x0] =	wrdreg $0xFFFFFFFF;
	(pc) =	sbr.abs _section_cstart, $3  }
0xc0: {  	[dreg:$0x1] =	wrdreg $0xFFFFFFFF  }
0xc1: {  	_ =	task.clear_ibuf [dreg:s6], $0x2FFFF;
	_ =	strace $0x9FFFFFFF  }
0xc2: {  	(tm) =	ssettm $0x7FFFFFFF  }
0xc3: {  	_ =	shalt  }
tec
execute0_lowered:
.L_overlay_start_1:
0x0: {  	(tag) =	ssettag $0x1  }
0x1: {  	s6 =	rddreg [dreg:$0x0]  }
0x2: {  	s0 =	srdreg.scid;
	s2 =	rddreg [dreg:$0x1]  }
0x3: {  	s3 =	simm.s32 $0x0;
	s14 =	simm.s32 $0x80;
	s15 =	simm.s32 $0x5000  }
0x4: {  	s16 =	simm.s32 $0x1;
	s5 =	sand.u32 $0x1, s0;
	s0 =	stileid.u32  }
0x5: {  	s17 =	simm.s32 $0x0;
	[smem:$0x7FF] =	sst s3;
	s8 =	smul.u32 $0x140000, s5  }
0x6: {  	s4 =	sadd.s32 $0x18C00, s6;
	s1 =	sshll.u32 s5, $0x4;
	s9 =	smul.u32 $0x14000, s0  }
0x7: {  	s30 =	ssub.s32 $0x2, s5;
	s11 =	smul.u32 $0x50000, s0;
	s5 =	sadd.s32 $0x40C00, s6  }
0x8: {  	s12 =	sshll.u32 s0, $0x6;
	s1 =	sor.u32 s0, s1;
	s10 =	sshrl.u32 s30, $0x1  }
0x9: {  	s12 =	sor.u32 $0x1C02, s12;
	s7 =	smul.u32 $0x500, s1;
	s1 =	rddreg [dreg:$0x2]  }
0xa: {  	_ =	strace $0x80000050;
	s8 =	sadd.s32 s9, s8;
	s9 =	ssub.s32 s30, s10  }
0xb: {  	s31 =	sshrl.u32 s11, $0x2;
	s10 =	simm.s32 $0x2;
	s11 =	simm.s32 $0x2800  }
0xc: {  	s8 =	sshrl.u32 s8, $0x3;
	s13 =	sadd.s32 s31, s2;
	s9 =	smax.u32 s9, $0x1  }
0xd: {  	s7 =	sadd.s32 s7, s6;
	s8 =	sadd.s32 s8, s6;
	s13 =	sshrl.u32 s13, $0x3  }
0xe: {  	s6 =	sadd.s32 $0xEC00, s7;
	s7 =	sadd.s32 $0x4C00, s7;
	s8 =	sadd.s32 $0x43400, s8  }
.LBB2_1:
0xf: {  	[tilespmem:s3], [sflag:$0x2] =	stream.linear.gather [hbm4b:s6+s3], $0x2800, $0x38;
	[tilespmem:$0x1D000] =	vst v63  }
0x10: {  	_ =	swait.ge [sflag:s10], $0x2800  }
0x11: {  	[sflag:s10] =	ssyncset.done $0x0  }
0x12: {  	[sflag:s10] =	ssyncadd.s32 $0xFFFFD800  }
0x13: {  	[tilespmem:s11], [sflag:$0x2] =	stream.linear.gather [hbm4b:s7+s3], $0x2800, $0x38;
	[tilespmem:$0x1D000] =	vst v63  }
0x14: {  	_ =	swait.ge [sflag:s10], $0x2800  }
0x15: {  	[sflag:s10] =	ssyncset.done $0x0  }
0x16: {  	[sflag:s10] =	ssyncadd.s32 $0xFFFFD800  }
0x17: {  	[spmem:s13], [sflag:s12] =	dma.local [hbm:s5], $0x2800  }
0x18: {  	_ =	swait.ge [sflag:s10], $0x2800  }
0x19: {  	[sflag:s10] =	ssyncset.done $0x0  }
0x1a: {  	[sflag:s10] =	ssyncadd.s32 $0xFFFFD800  }
0x1b: {  	s18 =	simm.s32 $0x0;
	[bflag:$0x0] =	sbarrier.arrive $0xFFFF  }
0x1c: {  	[tilespmem:s15], [sflag:$0x1] =	stream.indirect.gather [hbm4b:s4+s14], $0x80, s18, s14, $0xb8;
	[tilespmem:$0x1D000] =	vst v63  }
0x1d: {  	_ =	swait.ge [sflag:s16], $0x4000  }
0x1e: {  	[sflag:s16] =	ssyncset.done $0x0  }
0x1f: {  	s31 =	simm.s32 $0x2800;
	[sflag:s16] =	ssyncadd.s32 $0xFFFFC000  }
0x20: {  	[spmem:s2] =	stream.indirect.scatter.add.f32 [tilespmem:s15], [sflag:$0x2], $0x80, s31, s14, $0xb8;
	[tilespmem:$0x1D000] =	vst v63  }
0x21: {  	_ =	swait.ge [sflag:s10], $0x4000  }
0x22: {  	s19 =	simm.s32 $0x400;
	s18 =	simm.s32 $0x200;
	[sflag:s10] =	ssyncset.done $0x0  }
.LBB2_2:
0x23: {  	s20 =	sshra.s32 s18, $0x2  }
0x24: {  	[sflag:s10] =	ssyncadd.s32 $0xFFFFC000;
	s18 =	smov.u32 s19;
	s21 =	sadd.s32 $0x200, s19  }
0x25: {  	[tilespmem:s15], [sflag:$0x1] =	stream.indirect.gather [hbm4b:s4+s14], $0x80, s20, s14, $0xb8;
	[tilespmem:$0x1D000] =	vst v63  }
0x26: {  	p0 =	sne.s32 s19, $0x9E00;
	_ =	swait.ge [sflag:s16], $0x4000  }
.Ltmp0:
0x27: {  	[sflag:s16] =	ssyncset.done $0x0;
	(pc) =	sbr.rel @p0 .LBB2_2-.Ltmp0, $4  }
0x28: {  	s19 =	sadd.s32 $0x2800, s20;
	[sflag:s16] =	ssyncadd.s32 $0xFFFFC000  }
0x29: {  	[spmem:s2] =	stream.indirect.scatter.add.f32 [tilespmem:s15], [sflag:$0x2], $0x80, s19, s14, $0xb8;
	[tilespmem:$0x1D000] =	vst v63  }
0x2a: {  	_ =	swait.ge [sflag:s10], $0x4000  }
0x2b: {  	s19 =	smov.u32 s21;
	[sflag:s10] =	ssyncset.done $0x0  }
0x2c: {  	s18 =	sshra.s32 s18, $0x2;
	[sflag:s10] =	ssyncadd.s32 $0xFFFFC000  }
0x2d: {  	[tilespmem:s15], [sflag:$0x1] =	stream.indirect.gather [hbm4b:s4+s14], $0x80, s18, s14, $0xb8;
	[tilespmem:$0x1D000] =	vst v63  }
0x2e: {  	_ =	swait.ge [sflag:s16], $0x4000  }
0x2f: {  	[sflag:s16] =	ssyncset.done $0x0  }
0x30: {  	s18 =	sadd.s32 $0x2800, s18;
	[sflag:s16] =	ssyncadd.s32 $0xFFFFC000  }
0x31: {  	[spmem:s2] =	stream.indirect.scatter.add.f32 [tilespmem:s15], [sflag:$0x2], $0x80, s18, s14, $0xb8;
	[tilespmem:$0x1D000] =	vst v63  }
0x32: {  	_ =	swait.ge [sflag:s10], $0x4000  }
0x33: {  	s17 =	sadd.s32 $0x1, s17;
	[sflag:s10] =	ssyncset.done $0x0  }
0x34: {  	p0 =	sne.s32 s17, s9;
	[sflag:s10] =	ssyncadd.s32 $0xFFFFC000  }
.Ltmp1:
0x35: {  	[bflag:$0x0] =	sbarrier.arrive $0xFFFF;
	(pc) =	sbr.rel @p0 .LBB2_1-.Ltmp1, $4  }
0x36: {  	[hbm:s8], [sflag:s12] =	dma.local [spmem:s13], $0x2800  }
0x37: {  	_ =	swait.ge [sflag:s10], $0x2800  }
0x38: {  	[sflag:s10] =	ssyncset.done $0x0  }
0x39: {  	[sflag:s10] =	ssyncadd.s32 $0xFFFFD800  }
0x3a: {  	_ =	sfence.sel $0x180000  }
0x3b: {  	[bflag:$0x0] =	sbarrier.arrive $0xFFFF  }
0x3c: {  	p0 =	sne.s32 s0, $0x0;
	_ =	strace $0x90000050  }
0x3d: {  	s0 =	sadd.s32 @!p0 $0x100000, s1;
	[bflag:$0x2] =	sbarrier.arrive $0xFFFF  }
0x3e: {  	[sflag:s0] =	ssyncadd.tile.s32 @!p0 $0x1;
	_ =	shalt  }
.Lfunc_end2:
_tile_overlayer_lowered:
.L_overlay_start_2:
0x3f: {  	(tag) =	ssettag $0x2  }
0x40: {  	s0 =	rddreg [dreg:$0x0];
	s2 =	stileid.u32  }
0x41: {  	s1 =	rddreg [dreg:$0x1];
	p0 =	sne.s32 s2, $0x0  }
0x42: {  	s3 =	rddreg [dreg:$0x2];
	[bflag:$0x3] =	sbarrier.arrive $0xFFFF;
	s2 =	simm.s32 @!p0 $0x1C02  }
0x43: {  	[timem:s3], [sflag:s2] =	dma.local @!p0 [hbm:s0], s1  }
0x44: {  	s0 =	simm.s32 @!p0 $0x2  }
0x45: {  	_ =	swait.ge @!p0 [sflag:s0], s1  }
0x46: {  	s1 =	ssub.s32 @!p0 $0x0, s1;
	[sflag:s0] =	ssyncset.done @!p0 $0x0  }
0x47: {  	[sflag:s0] =	ssyncadd.s32 @!p0 s1  }
0x48: {  	[bflag:$0x3] =	sbarrier.arrive $0xFFFF  }
0x49: {  	_ =	shalt  }

</sc_bundles>
